<compile_context>
chip_gen: v7x
topology: tpu7x:2x2x1
jax: 0.10.2.dev20260603
libtpu: 0.0.44.dev20260713+nightly
codegen_flags: <defaults>
</compile_context>

<pallas_src>
import functools

import jax
import jax.numpy as jnp
from jax import lax
from jax.experimental import pallas as pl
from jax.experimental.pallas import tpu as pltpu
from jax.experimental.pallas import tpu_sc as plsc

N = 10000
E = 160000
DIN = 128
HID = 64
HEADS = 8
DOUT = 64
NTYPES = 32
NG = 16
HD = HEADS * HID

NC, NS = 2, 16
NW = NC * NS
C = 64
NCHUNKS = E // C
KMAX = (NCHUNKS + NW - 1) // NW
C1 = 16
NCHUNKS1 = E // C1
KMAX1 = (NCHUNKS1 + NW - 1) // NW
C2 = 16
NCHUNKS2 = E // C2
KMAX2 = (NCHUNKS2 + NW - 1) // NW
NPAD = 10240
ROWS_PER_TILE = NPAD // NS

BN = 400
GN = N // BN
EB = E // GN

_f32 = jnp.float32


def _tc_a_body(x_ref, wl_ref, bl_ref, wr_ref, br_ref, tf_ref, we_ref,
               et_ref, xl_ref, xr_ref, tfe_ref, cnt_ref):
    xb = x_ref[...]
    xl_ref[...] = jnp.dot(xb, wl_ref[...],
                          preferred_element_type=_f32) + bl_ref[...]
    xr_ref[...] = jnp.dot(xb, wr_ref[...],
                          preferred_element_type=_f32) + br_ref[...]
    tfe_ref[...] = jnp.dot(tf_ref[...], we_ref[...],
                           preferred_element_type=_f32)
    et = et_ref[...].reshape(1, EB)
    ids = lax.broadcasted_iota(jnp.int32, (NTYPES, EB), 0)
    oh = (ids == jnp.broadcast_to(et, (NTYPES, EB))).astype(_f32)
    cnt_ref[...] = jnp.sum(oh, axis=1).reshape(1, 1, NTYPES)


def _tc_a(x, W_l, b_l, W_r, b_r, type_features, W_e, et3):
    return pl.pallas_call(
        _tc_a_body,
        grid=(GN,),
        in_specs=[
            pl.BlockSpec((BN, DIN), lambda i: (i, 0)),
            pl.BlockSpec((DIN, HD), lambda i: (0, 0)),
            pl.BlockSpec((1, HD), lambda i: (0, 0)),
            pl.BlockSpec((DIN, HD), lambda i: (0, 0)),
            pl.BlockSpec((1, HD), lambda i: (0, 0)),
            pl.BlockSpec((NTYPES, DIN), lambda i: (0, 0)),
            pl.BlockSpec((DIN, HD), lambda i: (0, 0)),
            pl.BlockSpec((1, 1, EB), lambda i: (i, 0, 0)),
        ],
        out_specs=[
            pl.BlockSpec((BN, HD), lambda i: (i, 0)),
            pl.BlockSpec((BN, HD), lambda i: (i, 0)),
            pl.BlockSpec((NTYPES, HD), lambda i: (0, 0)),
            pl.BlockSpec((1, 1, NTYPES), lambda i: (i, 0, 0)),
        ],
        out_shape=[
            jax.ShapeDtypeStruct((N, HD), _f32),
            jax.ShapeDtypeStruct((N, HD), _f32),
            jax.ShapeDtypeStruct((NTYPES, HD), _f32),
            jax.ShapeDtypeStruct((GN, 1, NTYPES), _f32),
        ],
    )(x, W_l, b_l, W_r, b_r, type_features, W_e, et3)


def _sc_p1_body(tab_hbm, idx_hbm, att_hbm,
                expa_hbm,
                idx_v, gbuf, attv, ab, sem1):
    cid = lax.axis_index("c")
    sid = lax.axis_index("s")
    wid = sid * NC + cid

    pltpu.sync_copy(att_hbm, attv)

    lanes = lax.iota(jnp.int32, 16)
    perms = [lanes ^ k for k in (8, 4, 2, 1)]

    def chunk_body(k, carry):
        c = wid + k * NW

        @pl.when(c < NCHUNKS1)
        def _():
            gbase = c * C1
            pltpu.sync_copy(idx_hbm.at[pl.ds(3 * gbase, 3 * C1)], idx_v)
            pltpu.async_copy(tab_hbm.at[idx_v], gbuf, sem1).wait()

            def edge_body(i, carry2):
                rowv = jnp.zeros((16,), _f32)
                for h in range(HEADS):
                    acc = jnp.zeros((16,), _f32)
                    for j4 in range(4):
                        j = h * 4 + j4
                        q = (gbuf[i, pl.ds(16 * j, 16)]
                             + gbuf[C1 + i, pl.ds(16 * j, 16)]
                             + gbuf[2 * C1 + i, pl.ds(16 * j, 16)])
                        m = jnp.maximum(q, 0.0) + 0.2 * jnp.minimum(q, 0.0)
                        acc = acc + m * attv[pl.ds(16 * j, 16)]
                    for p in perms:
                        acc = acc + jnp.take_along_axis(
                            acc, p, axis=0, mode="promise_in_bounds")
                    rowv = jnp.where(lanes == h, acc, rowv)
                ab[i, :] = jnp.where(lanes < HEADS, jnp.exp(rowv), 0.0)
                return carry2

            lax.fori_loop(0, C1, edge_body, 0)
            pltpu.sync_copy(ab, expa_hbm.at[pl.ds(gbase, C1)])

        return carry

    lax.fori_loop(0, KMAX1, chunk_body, 0)


def _sc_p1(TAB, IDX, att_flat):
    mesh = plsc.VectorSubcoreMesh(core_axis_name="c", subcore_axis_name="s",
                                  num_cores=NC, num_subcores=NS)
    fn = pl.kernel(
        _sc_p1_body,
        out_type=jax.ShapeDtypeStruct((E, 16), _f32),
        mesh=mesh,
        scratch_types=[
            pltpu.VMEM((3 * C1,), jnp.int32),
            pltpu.VMEM((3 * C1, HD), _f32),
            pltpu.VMEM((HD,), _f32),
            pltpu.VMEM((C1, 16), _f32),
            pltpu.SemaphoreType.DMA,
        ],
    )
    return fn(TAB, IDX, att_flat)


def _sc_p15_body(expa_hbm, den_hbm, dst_hbm, a_hbm,
                 dst_v, expab, denb, ab, sem1):
    cid = lax.axis_index("c")
    sid = lax.axis_index("s")
    wid = sid * NC + cid

    def chunk_body(k, carry):
        c = wid + k * NW

        @pl.when(c < NCHUNKS)
        def _():
            gbase = c * C
            pltpu.sync_copy(dst_hbm.at[pl.ds(gbase, C)], dst_v)
            pltpu.sync_copy(expa_hbm.at[pl.ds(gbase, C)], expab)
            pltpu.async_copy(den_hbm.at[dst_v], denb, sem1).wait()

            def row_body(i, carry2):
                ab[i, :] = expab[i, :] / (denb[i, pl.ds(0, 16)] + 1e-16)
                return carry2

            lax.fori_loop(0, C, row_body, 0)
            pltpu.sync_copy(ab, a_hbm.at[pl.ds(gbase, C)])

        return carry

    lax.fori_loop(0, KMAX, chunk_body, 0)


def _sc_p15(EXPA, DEN, dst):
    mesh = plsc.VectorSubcoreMesh(core_axis_name="c", subcore_axis_name="s",
                                  num_cores=NC, num_subcores=NS)
    fn = pl.kernel(
        _sc_p15_body,
        out_type=jax.ShapeDtypeStruct((E, 16), _f32),
        mesh=mesh,
        scratch_types=[
            pltpu.VMEM((C,), jnp.int32),
            pltpu.VMEM((C, 16), _f32),
            pltpu.VMEM((C, 128), _f32),
            pltpu.VMEM((C, 16), _f32),
            pltpu.SemaphoreType.DMA,
        ],
    )
    return fn(EXPA, DEN, dst)



def _tc_e0_body(expa_ref, dst_ref, den_ref, acc_ref):
    i = pl.program_id(0)
    d = dst_ref[...].reshape(1, BE)
    oh = (lax.broadcasted_iota(jnp.int32, (N, BE), 0)
          == jnp.broadcast_to(d, (N, BE))).astype(_f32)

    @pl.when(i == 0)
    def _():
        acc_ref[...] = jnp.zeros((N, 16), _f32)

    acc_ref[...] += jnp.dot(oh, expa_ref[...], preferred_element_type=_f32)

    @pl.when(i == GE - 1)
    def _():
        den_ref[...] = acc_ref[...]


def _tc_e0(EXPA, dst3):
    return pl.pallas_call(
        _tc_e0_body,
        grid=(GE,),
        in_specs=[
            pl.BlockSpec((BE, 16), lambda i: (i, 0)),
            pl.BlockSpec((1, 1, BE), lambda i: (i, 0, 0)),
        ],
        out_specs=pl.BlockSpec((N, 16), lambda i: (0, 0)),
        out_shape=jax.ShapeDtypeStruct((N, 16), _f32),
        scratch_shapes=[pltpu.VMEM((N, 16), _f32)],
    )(EXPA, dst3)


def _tc_b_body(cnt_ref, tfe_ref, xl_ref, xr_ref, denp_ref, asel_ref,
               den_ref, smsg_ref):
    cnt = jnp.sum(cnt_ref[...].reshape(GN, NTYPES), axis=0)
    efm = jnp.dot((cnt / E).reshape(1, NTYPES), tfe_ref[...],
                  preferred_element_type=_f32)
    xlb = xl_ref[...]
    q = xlb + xr_ref[...] + efm
    m = jnp.maximum(q, 0.0) + 0.2 * jnp.minimum(q, 0.0)
    alpha = jnp.dot(m, asel_ref[...], preferred_element_type=_f32)
    expa = jnp.exp(alpha)
    den8 = denp_ref[...][:, :HEADS] + expa
    den_ref[...] = jnp.concatenate(
        [den8, jnp.ones((BN, 128 - HEADS), _f32)], axis=1)
    a = expa / (den8 + 1e-16)
    acc = jnp.zeros((BN, HID), _f32)
    for h in range(HEADS):
        acc = acc + a[:, h:h + 1] * xlb[:, h * HID:(h + 1) * HID]
    smsg_ref[...] = acc * (1.0 / HEADS)


def _tc_b(CNT, TFE, XL, XR, DENP, Asel):
    return pl.pallas_call(
        _tc_b_body,
        grid=(GN,),
        in_specs=[
            pl.BlockSpec((GN, 1, NTYPES), lambda i: (0, 0, 0)),
            pl.BlockSpec((NTYPES, HD), lambda i: (0, 0)),
            pl.BlockSpec((BN, HD), lambda i: (i, 0)),
            pl.BlockSpec((BN, HD), lambda i: (i, 0)),
            pl.BlockSpec((BN, 16), lambda i: (i, 0)),
            pl.BlockSpec((HD, HEADS), lambda i: (0, 0)),
        ],
        out_specs=[
            pl.BlockSpec((BN, 128), lambda i: (i, 0)),
            pl.BlockSpec((BN, HID), lambda i: (i, 0)),
        ],
        out_shape=[
            jax.ShapeDtypeStruct((N, 128), _f32),
            jax.ShapeDtypeStruct((N, HID), _f32),
        ],
    )(CNT, TFE, XL, XR, DENP, Asel)



def _tc_d_body(a_ref, rep_ref, abc_ref):
    abc_ref[...] = jnp.dot(a_ref[...][:, :HEADS], rep_ref[...],
                           preferred_element_type=_f32)


def _tc_d(A, REP):
    BE = 2000
    return pl.pallas_call(
        _tc_d_body,
        grid=(E // BE,),
        in_specs=[
            pl.BlockSpec((BE, 16), lambda i: (i, 0)),
            pl.BlockSpec((HEADS, 128), lambda i: (0, 0)),
        ],
        out_specs=pl.BlockSpec((BE, 128), lambda i: (i, 0)),
        out_shape=jax.ShapeDtypeStruct((E, 128), _f32),
    )(A, REP)


def _sc_p2_body(tab_hbm, src_hbm, xls_hbm, src_v, xlb, sem1):
    cid = lax.axis_index("c")
    sid = lax.axis_index("s")
    wid = sid * NC + cid

    def chunk_body(k, carry):
        c = wid + k * NW

        @pl.when(c < NCHUNKS)
        def _():
            gbase = c * C
            pltpu.sync_copy(src_hbm.at[pl.ds(gbase, C)], src_v)
            pltpu.async_copy(tab_hbm.at[src_v], xlb, sem1).wait()
            pltpu.sync_copy(xlb, xls_hbm.at[pl.ds(gbase, C)])

        return carry

    lax.fori_loop(0, KMAX, chunk_body, 0)


def _sc_p2(TAB, src):
    mesh = plsc.VectorSubcoreMesh(core_axis_name="c", subcore_axis_name="s",
                                  num_cores=NC, num_subcores=NS)
    fn = pl.kernel(
        _sc_p2_body,
        out_type=jax.ShapeDtypeStruct((E, HD), _f32),
        mesh=mesh,
        scratch_types=[
            pltpu.VMEM((C,), jnp.int32),
            pltpu.VMEM((C, HD), _f32),
            pltpu.SemaphoreType.DMA,
        ],
    )
    return fn(TAB, src)


BE = 256
GE = E // BE


def _tc_e_body(xls_ref, a_ref, dst_ref, node_ref, acc_ref):
    i = pl.program_id(0)
    a = a_ref[...]
    xls = xls_ref[...]
    msg = jnp.zeros((BE, HID), _f32)
    for h in range(HEADS):
        msg = msg + a[:, h:h + 1] * xls[:, h * HID:(h + 1) * HID]
    msg = msg * (1.0 / HEADS)
    d = dst_ref[...].reshape(1, BE)
    oh = (lax.broadcasted_iota(jnp.int32, (N, BE), 0)
          == jnp.broadcast_to(d, (N, BE))).astype(_f32)

    @pl.when(i == 0)
    def _():
        acc_ref[...] = jnp.zeros((N, HID), _f32)

    acc_ref[...] += jnp.dot(oh, msg, preferred_element_type=_f32)

    @pl.when(i == GE - 1)
    def _():
        node_ref[...] = acc_ref[...]


def _tc_e(XLS, A, dst3):
    return pl.pallas_call(
        _tc_e_body,
        grid=(GE,),
        in_specs=[
            pl.BlockSpec((BE, HD), lambda i: (i, 0)),
            pl.BlockSpec((BE, 16), lambda i: (i, 0)),
            pl.BlockSpec((1, 1, BE), lambda i: (i, 0, 0)),
        ],
        out_specs=pl.BlockSpec((N, HID), lambda i: (0, 0)),
        out_shape=jax.ShapeDtypeStruct((N, HID), _f32),
        scratch_shapes=[pltpu.VMEM((N, HID), _f32)],
    )(XLS, A, dst3)


def _tc_c_body(node_ref, smsg_ref, batch_ref, bias_ref, wlin_ref, blin_ref,
               out_ref, acc_ref, cnt_ref):
    i = pl.program_id(0)
    node = node_ref[...] + smsg_ref[...] + bias_ref[...]
    h = jnp.tanh(node)
    b = batch_ref[...].reshape(1, BN)
    oh = (lax.broadcasted_iota(jnp.int32, (NG, BN), 0)
          == jnp.broadcast_to(b, (NG, BN))).astype(_f32)

    @pl.when(i == 0)
    def _():
        acc_ref[...] = jnp.zeros((NG, HID), _f32)
        cnt_ref[...] = jnp.zeros((NG, 128), _f32)

    acc_ref[...] += jnp.dot(oh, h, preferred_element_type=_f32)
    cnt_ref[...] += jnp.dot(oh, jnp.ones((BN, 128), _f32),
                            preferred_element_type=_f32)

    gmean = acc_ref[...] / jnp.maximum(cnt_ref[...][:, :HID], 1.0)
    out_ref[...] = jnp.tanh(
        jnp.dot(gmean, wlin_ref[...], preferred_element_type=_f32)
        + blin_ref[...])


def _tc_c(NODE, SMSG, batch3, bias2, W_lin, b_lin2):
    return pl.pallas_call(
        _tc_c_body,
        grid=(GN,),
        in_specs=[
            pl.BlockSpec((BN, HID), lambda i: (i, 0)),
            pl.BlockSpec((BN, HID), lambda i: (i, 0)),
            pl.BlockSpec((1, 1, BN), lambda i: (i, 0, 0)),
            pl.BlockSpec((1, HID), lambda i: (0, 0)),
            pl.BlockSpec((HID, DOUT), lambda i: (0, 0)),
            pl.BlockSpec((1, DOUT), lambda i: (0, 0)),
        ],
        out_specs=pl.BlockSpec((NG, DOUT), lambda i: (0, 0)),
        out_shape=jax.ShapeDtypeStruct((NG, DOUT), _f32),
        scratch_shapes=[
            pltpu.VMEM((NG, HID), _f32),
            pltpu.VMEM((NG, 128), _f32),
        ],
    )(NODE, SMSG, batch3, bias2, W_lin, b_lin2)


def kernel(x, edge_index, edge_type, batch, type_features, W_l, b_l,
           W_r, b_r, W_e, att, bias_conv, W_lin, b_lin):
    et3 = edge_type.reshape(GN, 1, EB)
    XL, XR, TFE, CNT = _tc_a(x, W_l, b_l.reshape(1, HD), W_r,
                             b_r.reshape(1, HD), type_features, W_e, et3)

    TAB = jnp.concatenate([XL, XR, TFE], axis=0)
    src = edge_index[0]
    dst = edge_index[1]
    IDX = jnp.concatenate([src.reshape(NCHUNKS1, C1),
                           dst.reshape(NCHUNKS1, C1) + N,
                           edge_type.reshape(NCHUNKS1, C1) + 2 * N],
                          axis=1).reshape(3 * E)

    att_flat = att.reshape(HD)
    EXPA = _sc_p1(TAB, IDX, att_flat)
    DEN16 = _tc_e0(EXPA, dst.reshape(GE, 1, BE))

    Asel = (att[:, :, None] * jnp.eye(HEADS, dtype=_f32)[:, None, :]
            ).reshape(HD, HEADS)
    DEN, SMSG = _tc_b(CNT, TFE, XL, XR, DEN16, Asel)

    A = _sc_p15(EXPA, DEN, dst)

    XLS = _sc_p2(TAB, src)
    NODE = _tc_e(XLS, A, dst.reshape(GE, 1, BE))

    return _tc_c(NODE, SMSG, batch.reshape(GN, 1, BN),
                 bias_conv.reshape(1, HID), W_lin, b_lin.reshape(1, DOUT))

# --- scband reference (transcript-rebuilt; emitter-appended) ---
"""Pipeline reference for scband-graph-encoder-43344809951809 (READ-ONLY COPY).

The authoritative reference and input builder live on the scoring server;
editing this copy changes nothing except your own understanding.
"""

import jax, jax.numpy as jnp
import numpy as np

N = 10000
E = 160000
DIN = 128
HID = 64
HEADS = 8
DOUT = 64
NTYPES = 32
NG = 16


def setup_inputs(seed: int = 0) -> dict:
    key = jax.random.key(seed)
    ks = jax.random.split(key, 12)
    s = 0.05
    inp = {}
    inp["x"] = jax.random.normal(ks[0], (N, DIN), jnp.float32)
    inp["edge_index"] = jax.random.randint(ks[1], (2, E), 0, N, dtype=jnp.int32)
    inp["edge_type"] = jax.random.randint(ks[2], (E,), 0, NTYPES, dtype=jnp.int32)
    inp["batch"] = jnp.sort(jax.random.randint(ks[3], (N,), 0, NG, dtype=jnp.int32))
    # learned parameters
    inp["type_features"] = jax.random.normal(ks[4], (NTYPES, DIN), jnp.float32)
    inp["W_l"] = jax.random.normal(ks[5], (DIN, HEADS * HID), jnp.float32) * s
    inp["b_l"] = jnp.zeros((HEADS * HID,), jnp.float32)
    inp["W_r"] = jax.random.normal(ks[6], (DIN, HEADS * HID), jnp.float32) * s
    inp["b_r"] = jnp.zeros((HEADS * HID,), jnp.float32)
    inp["W_e"] = jax.random.normal(ks[7], (DIN, HEADS * HID), jnp.float32) * s
    inp["att"] = jax.random.normal(ks[8], (HEADS, HID), jnp.float32) * s
    inp["bias_conv"] = jnp.zeros((HID,), jnp.float32)
    inp["W_lin"] = jax.random.normal(ks[9], (HID, DOUT), jnp.float32) * s
    inp["b_lin"] = jnp.zeros((DOUT,), jnp.float32)
    return inp


def reference(x, edge_index, edge_type, batch, type_features, W_l, b_l, W_r, b_r, W_e, att, bias_conv, W_lin, b_lin):
    # create_edge_features: gather per-edge type embeddings
    edge_attr = type_features[edge_type]  # [E, DIN]
    # GATv2Conv default add_self_loops=True with fill_value='mean' for edge_attr
    loop = jnp.arange(N, dtype=edge_index.dtype)
    ei = jnp.concatenate([edge_index, jnp.stack([loop, loop])], axis=1)
    mean_attr = jnp.mean(edge_attr, axis=0)
    ea = jnp.concatenate([edge_attr, jnp.broadcast_to(mean_attr[None, :], (N, DIN))], axis=0)
    src, dst = ei[0], ei[1]
    # GATv2: lin_l for source/value, lin_r for target, lin_edge (no bias) for edge feats
    xl = (x @ W_l + b_l).reshape(N, HEADS, HID)
    xr = (x @ W_r + b_r).reshape(N, HEADS, HID)
    ef = (ea @ W_e).reshape(E + N, HEADS, HID)
    m = xl[src] + xr[dst] + ef
    m = jax.nn.leaky_relu(m, 0.2)
    alpha = jnp.sum(m * att[None, :, :], axis=-1)  # [E+N, HEADS]
    # softmax over incoming edges per destination node
    amax = jax.ops.segment_max(alpha, dst, num_segments=N)
    amax = jnp.where(jnp.isfinite(amax), amax, 0.0)
    expa = jnp.exp(alpha - amax[dst])
    denom = jax.ops.segment_sum(expa, dst, num_segments=N)
    a = expa / (denom[dst] + 1e-16)
    node = jax.ops.segment_sum(a[:, :, None] * xl[src], dst, num_segments=N)  # [N, HEADS, HID]
    node = node.mean(axis=1) + bias_conv  # concat=False -> head mean, plus bias
    h = jnp.tanh(node)  # dropout skipped (eval)
    node_embeddings = h
    # global_mean_pool
    gsum = jax.ops.segment_sum(h, batch, num_segments=NG)
    cnt = jax.ops.segment_sum(jnp.ones((N,), jnp.float32), batch, num_segments=NG)
    gmean = gsum / jnp.clip(cnt, 1.0)[:, None]
    graph_embeddings = jnp.tanh(gmean @ W_lin + b_lin)
    return graph_embeddings

if __name__ == "__main__":
    import jax
    _d = setup_inputs()
    print(jax.jit(kernel)(*tuple(_d.values())))

</pallas_src>

<mosaic_0001>
#map = affine_map<(d0, d1) -> (0, 0)>
#map1 = affine_map<(d0, d1) -> (0)>
module attributes {stable_mosaic.version = 14 : i64} {
  func.func @_sc_p15_body(%arg0: i32, %arg1: i32, %arg2: memref<160000x16xf32, #tpu.memory_space<hbm>>, %arg3: memref<10000x128xf32, #tpu.memory_space<hbm>>, %arg4: memref<160000xi32, #tpu.memory_space<hbm>>, %arg5: memref<160000x16xf32, #tpu.memory_space<hbm>>, %arg6: memref<64xi32, #tpu.memory_space<vmem>>, %arg7: memref<64x16xf32, #tpu.memory_space<vmem>>, %arg8: memref<64x128xf32, #tpu.memory_space<vmem>>, %arg9: memref<64x16xf32, #tpu.memory_space<vmem>>, %arg10: memref<!tpu.dma_semaphore, #tpu.memory_space<semaphore_mem>>) attributes {dimension_semantics = [#tpu.dimension_semantics<core_parallel>, #tpu.dimension_semantics<subcore_parallel>], iteration_bounds = array<i64: 2, 16>, scalar_prefetch = 0 : i64, scratch_operands = 5 : i64, tpu.core_type = #tpu.core_type<sc_vector_subcore>, window_params = [{transform_indices = #map}, {transform_indices = #map}, {transform_indices = #map1}, {transform_indices = #map}]} {
    %mul3A = arith.constant 2 : i32
    %mul3A_0 = arith.muli %arg1, %mul3A : i32
    %add3A = arith.addi %mul3A_0, %arg0 : i32
    %scan3A = arith.constant 0 : i32
    %scan3A_1 = arith.constant 0 : i32
    %scan3A_2 = arith.constant 79 : i32
    %scan3A_3 = arith.addi %scan3A_1, %scan3A_2 : i32
    %scan3A_4 = arith.constant 1 : i32
    scf.for %scan3A_6 = %scan3A_1 to %scan3A_3 step %scan3A_4  : i32 {
      %mul3A_7 = arith.constant 32 : i32
      %mul3A_8 = arith.muli %scan3A_6, %mul3A_7 : i32
      %add3A_9 = arith.addi %add3A, %mul3A_8 : i32
      %lt3A = arith.constant 2500 : i32
      %lt3A_10 = arith.cmpi slt, %add3A_9, %lt3A : i32
      %convert_element_type3A = arith.extui %lt3A_10 : i1 to i32
      %cond3A = arith.constant 0 : i32
      %cond3A_11 = arith.cmpi ne, %convert_element_type3A, %cond3A : i32
      scf.if %cond3A_11 {
        %mul3A_12 = arith.constant 64 : i32
        %mul3A_13 = arith.muli %add3A_9, %mul3A_12 : i32
        "tpu.region"() ({
          %run_scoped3A = tpu.sem_alloc : memref<!tpu.dma_semaphore, #tpu.memory_space<semaphore_mem>>
          %dma_start3A_24 = tpu.memref_slice %arg4[%mul3A_13] : memref<160000xi32, #tpu.memory_space<hbm>> -> memref<64xi32, #tpu.memory_space<hbm>>
          %dma_start3A_25 = tpu.memref_slice %arg4[%mul3A_13] : memref<160000xi32, #tpu.memory_space<hbm>> -> memref<64xi32, #tpu.memory_space<hbm>>
          tpu.enqueue_dma source(%dma_start3A_25 : memref<64xi32, #tpu.memory_space<hbm>>) target(%arg6 : memref<64xi32, #tpu.memory_space<vmem>>) target_semaphore(%run_scoped3A : memref<!tpu.dma_semaphore, #tpu.memory_space<semaphore_mem>>)
          %dma_wait3A_26 = tpu.memref_slice %arg4[%mul3A_13] : memref<160000xi32, #tpu.memory_space<hbm>> -> memref<64xi32, #tpu.memory_space<hbm>>
          %dma_wait3A_27 = tpu.memref_slice %arg4[%mul3A_13] : memref<160000xi32, #tpu.memory_space<hbm>> -> memref<64xi32, #tpu.memory_space<hbm>>
          tpu.wait_dma2 semaphore(%run_scoped3A : memref<!tpu.dma_semaphore, #tpu.memory_space<semaphore_mem>>) src(%dma_wait3A_27 : memref<64xi32, #tpu.memory_space<hbm>>) dst(%arg6 : memref<64xi32, #tpu.memory_space<vmem>>)
          tpu.yield
        }) : () -> ()
        "tpu.region"() ({
          %run_scoped3A = tpu.sem_alloc : memref<!tpu.dma_semaphore, #tpu.memory_space<semaphore_mem>>
          %dma_start3A_24 = arith.constant 0 : i32
          %dma_start3A_25 = tpu.memref_slice %arg2[%mul3A_13, %dma_start3A_24] : memref<160000x16xf32, #tpu.memory_space<hbm>> -> memref<64x16xf32, #tpu.memory_space<hbm>>
          %dma_start3A_26 = arith.constant 0 : i32
          %dma_start3A_27 = tpu.memref_slice %arg2[%mul3A_13, %dma_start3A_26] : memref<160000x16xf32, #tpu.memory_space<hbm>> -> memref<64x16xf32, #tpu.memory_space<hbm>>
          tpu.enqueue_dma source(%dma_start3A_27 : memref<64x16xf32, #tpu.memory_space<hbm>>) target(%arg7 : memref<64x16xf32, #tpu.memory_space<vmem>>) target_semaphore(%run_scoped3A : memref<!tpu.dma_semaphore, #tpu.memory_space<semaphore_mem>>)
          %dma_wait3A_28 = arith.constant 0 : i32
          %dma_wait3A_29 = tpu.memref_slice %arg2[%mul3A_13, %dma_wait3A_28] : memref<160000x16xf32, #tpu.memory_space<hbm>> -> memref<64x16xf32, #tpu.memory_space<hbm>>
          %dma_wait3A_30 = arith.constant 0 : i32
          %dma_wait3A_31 = tpu.memref_slice %arg2[%mul3A_13, %dma_wait3A_30] : memref<160000x16xf32, #tpu.memory_space<hbm>> -> memref<64x16xf32, #tpu.memory_space<hbm>>
          tpu.wait_dma2 semaphore(%run_scoped3A : memref<!tpu.dma_semaphore, #tpu.memory_space<semaphore_mem>>) src(%dma_wait3A_31 : memref<64x16xf32, #tpu.memory_space<hbm>>) dst(%arg7 : memref<64x16xf32, #tpu.memory_space<vmem>>)
          tpu.yield
        }) : () -> ()
        %dma_start3A = arith.constant 0 : i32
        %dma_start3A_14 = arith.constant 0 : i32
        %dma_start3A_15 = tpu.memref_slice %arg3[%dma_start3A, %dma_start3A_14] : memref<10000x128xf32, #tpu.memory_space<hbm>> -> memref<10000x128xf32, #tpu.memory_space<hbm>>
        tpu.enqueue_indirect_dma source(%dma_start3A_15 : memref<10000x128xf32, #tpu.memory_space<hbm>>) target(%arg8 : memref<64x128xf32, #tpu.memory_space<vmem>>) offsets(%arg6 : memref<64xi32, #tpu.memory_space<vmem>>) semaphore(%arg10 : memref<!tpu.dma_semaphore, #tpu.memory_space<semaphore_mem>>)
        %dma_wait3A = arith.constant 0 : i32
        %dma_wait3A_16 = arith.constant 0 : i32
        %dma_wait3A_17 = tpu.memref_slice %arg3[%dma_wait3A, %dma_wait3A_16] : memref<10000x128xf32, #tpu.memory_space<hbm>> -> memref<10000x128xf32, #tpu.memory_space<hbm>>
        tpu.wait_indirect_dma semaphore(%arg10 : memref<!tpu.dma_semaphore, #tpu.memory_space<semaphore_mem>>) src(%dma_wait3A_17 : memref<10000x128xf32, #tpu.memory_space<hbm>>) dst(%arg8 : memref<64x128xf32, #tpu.memory_space<vmem>>)
        %scan3A_18 = arith.constant 0 : i32
        %scan3A_19 = arith.constant 0 : i32
        %scan3A_20 = arith.constant 64 : i32
        %scan3A_21 = arith.addi %scan3A_19, %scan3A_20 : i32
        %scan3A_22 = arith.constant 1 : i32
        scf.for %scan3A_24 = %scan3A_19 to %scan3A_21 step %scan3A_22  : i32 {
          %get3A = arith.index_cast %scan3A_24 : i32 to index
          %get3A_25 = arith.constant 0 : index
          %get3A_26 = tpu.vector_load %arg7[%get3A, %get3A_25] {strides = array<i32>} : memref<64x16xf32, #tpu.memory_space<vmem>>, vector<1x16xf32>,
          %get3A_27 = vector.shape_cast %get3A_26 : vector<1x16xf32> to vector<16xf32>
          %get3A_28 = arith.index_cast %scan3A_24 : i32 to index
          %get3A_29 = arith.constant 0 : index
          %get3A_30 = tpu.vector_load %arg8[%get3A_28, %get3A_29] {strides = array<i32>} : memref<64x128xf32, #tpu.memory_space<vmem>>, vector<1x16xf32>,
          %get3A_31 = vector.shape_cast %get3A_30 : vector<1x16xf32> to vector<16xf32>
          %add3A_32 = arith.constant 1.000000e-16 : f32
          %add3A_33 = vector.broadcast %add3A_32 : f32 to vector<16xf32>
          %add3A_34 = arith.addf %get3A_31, %add3A_33 : vector<16xf32>
          %div3A = arith.divf %get3A_27, %add3A_34 : vector<16xf32>
          %swap3A = arith.index_cast %scan3A_24 : i32 to index
          %swap3A_35 = arith.constant 0 : index
          %swap3A_36 = tpu.vector_load %arg9[%swap3A, %swap3A_35] {strides = array<i32>} : memref<64x16xf32, #tpu.memory_space<vmem>>, vector<1x16xf32>,
          %swap3A_37 = vector.shape_cast %swap3A_36 : vector<1x16xf32> to vector<16xf32>
          %swap3A_38 = vector.shape_cast %div3A : vector<16xf32> to vector<1x16xf32>
          tpu.vector_store %arg9[%swap3A, %swap3A_35], %swap3A_38 {strides = array<i32>} : memref<64x16xf32, #tpu.memory_space<vmem>>, vector<1x16xf32>,
        }
        %scan3A_23 = arith.constant 64 : i32
        "tpu.region"() ({
          %run_scoped3A = tpu.sem_alloc : memref<!tpu.dma_semaphore, #tpu.memory_space<semaphore_mem>>
          %dma_start3A_24 = arith.constant 0 : i32
          %dma_start3A_25 = tpu.memref_slice %arg5[%mul3A_13, %dma_start3A_24] : memref<160000x16xf32, #tpu.memory_space<hbm>> -> memref<64x16xf32, #tpu.memory_space<hbm>>
          %dma_start3A_26 = arith.constant 0 : i32
          %dma_start3A_27 = tpu.memref_slice %arg5[%mul3A_13, %dma_start3A_26] : memref<160000x16xf32, #tpu.memory_space<hbm>> -> memref<64x16xf32, #tpu.memory_space<hbm>>
          tpu.enqueue_dma source(%arg9 : memref<64x16xf32, #tpu.memory_space<vmem>>) target(%dma_start3A_27 : memref<64x16xf32, #tpu.memory_space<hbm>>) target_semaphore(%run_scoped3A : memref<!tpu.dma_semaphore, #tpu.memory_space<semaphore_mem>>)
          %dma_wait3A_28 = arith.constant 0 : i32
          %dma_wait3A_29 = tpu.memref_slice %arg5[%mul3A_13, %dma_wait3A_28] : memref<160000x16xf32, #tpu.memory_space<hbm>> -> memref<64x16xf32, #tpu.memory_space<hbm>>
          %dma_wait3A_30 = arith.constant 0 : i32
          %dma_wait3A_31 = tpu.memref_slice %arg5[%mul3A_13, %dma_wait3A_30] : memref<160000x16xf32, #tpu.memory_space<hbm>> -> memref<64x16xf32, #tpu.memory_space<hbm>>
          tpu.wait_dma2 semaphore(%run_scoped3A : memref<!tpu.dma_semaphore, #tpu.memory_space<semaphore_mem>>) src(%arg9 : memref<64x16xf32, #tpu.memory_space<vmem>>) dst(%dma_wait3A_31 : memref<64x16xf32, #tpu.memory_space<hbm>>)
          tpu.yield
        }) : () -> ()
      } else {
      }
    }
    %scan3A_5 = arith.constant 79 : i32
    return
  }
}

#map = affine_map<(d0, d1) -> (0, 0)>
#map1 = affine_map<(d0, d1) -> (0)>
module attributes {stable_mosaic.version = 14 : i64} {
  func.func @_sc_p1_body(%arg0: i32, %arg1: i32, %arg2: memref<20032x512xf32, #tpu.memory_space<hbm>>, %arg3: memref<480000xi32, #tpu.memory_space<hbm>>, %arg4: memref<512xf32, #tpu.memory_space<hbm>>, %arg5: memref<160000x16xf32, #tpu.memory_space<hbm>>, %arg6: memref<48xi32, #tpu.memory_space<vmem>>, %arg7: memref<48x512xf32, #tpu.memory_space<vmem>>, %arg8: memref<512xf32, #tpu.memory_space<vmem>>, %arg9: memref<16x16xf32, #tpu.memory_space<vmem>>, %arg10: memref<!tpu.dma_semaphore, #tpu.memory_space<semaphore_mem>>) attributes {dimension_semantics = [#tpu.dimension_semantics<core_parallel>, #tpu.dimension_semantics<subcore_parallel>], iteration_bounds = array<i64: 2, 16>, scalar_prefetch = 0 : i64, scratch_operands = 5 : i64, tpu.core_type = #tpu.core_type<sc_vector_subcore>, window_params = [{transform_indices = #map}, {transform_indices = #map1}, {transform_indices = #map1}, {transform_indices = #map}]} {
    %mul3A = arith.constant 2 : i32
    %mul3A_0 = arith.muli %arg1, %mul3A : i32
    %add3A = arith.addi %mul3A_0, %arg0 : i32
    "tpu.region"() ({
      %run_scoped3A = tpu.sem_alloc : memref<!tpu.dma_semaphore, #tpu.memory_space<semaphore_mem>>
      tpu.enqueue_dma source(%arg4 : memref<512xf32, #tpu.memory_space<hbm>>) target(%arg8 : memref<512xf32, #tpu.memory_space<vmem>>) target_semaphore(%run_scoped3A : memref<!tpu.dma_semaphore, #tpu.memory_space<semaphore_mem>>)
      tpu.wait_dma2 semaphore(%run_scoped3A : memref<!tpu.dma_semaphore, #tpu.memory_space<semaphore_mem>>) src(%arg4 : memref<512xf32, #tpu.memory_space<hbm>>) dst(%arg8 : memref<512xf32, #tpu.memory_space<vmem>>)
      tpu.yield
    }) : () -> ()
    %iota3A = tpu.iota {dimensions = array<i32: 0>} : vector<16xi32>
    %xor3A = arith.constant 8 : i32
    %xor3A_1 = vector.broadcast %xor3A : i32 to vector<16xi32>
    %xor3A_2 = arith.xori %iota3A, %xor3A_1 : vector<16xi32>
    %xor3A_3 = arith.constant 4 : i32
    %xor3A_4 = vector.broadcast %xor3A_3 : i32 to vector<16xi32>
    %xor3A_5 = arith.xori %iota3A, %xor3A_4 : vector<16xi32>
    %xor3A_6 = arith.constant 2 : i32
    %xor3A_7 = vector.broadcast %xor3A_6 : i32 to vector<16xi32>
    %xor3A_8 = arith.xori %iota3A, %xor3A_7 : vector<16xi32>
    %xor3A_9 = arith.constant 1 : i32
    %xor3A_10 = vector.broadcast %xor3A_9 : i32 to vector<16xi32>
    %xor3A_11 = arith.xori %iota3A, %xor3A_10 : vector<16xi32>
    %scan3A = arith.constant 0 : i32
    %scan3A_12 = arith.constant 0 : i32
    %scan3A_13 = arith.constant 313 : i32
    %scan3A_14 = arith.addi %scan3A_12, %scan3A_13 : i32
    %scan3A_15 = arith.constant 1 : i32
    scf.for %scan3A_17 = %scan3A_12 to %scan3A_14 step %scan3A_15  : i32 {
      %mul3A_18 = arith.constant 32 : i32
      %mul3A_19 = arith.muli %scan3A_17, %mul3A_18 : i32
      %add3A_20 = arith.addi %add3A, %mul3A_19 : i32
      %lt3A = arith.constant 10000 : i32
      %lt3A_21 = arith.cmpi slt, %add3A_20, %lt3A : i32
      %convert_element_type3A = arith.extui %lt3A_21 : i1 to i32
      %cond3A = arith.constant 0 : i32
      %cond3A_22 = arith.cmpi ne, %convert_element_type3A, %cond3A : i32
      scf.if %cond3A_22 {
        %mul3A_23 = arith.constant 16 : i32
        %mul3A_24 = arith.muli %add3A_20, %mul3A_23 : i32
        %mul3A_25 = arith.constant 3 : i32
        %mul3A_26 = arith.muli %mul3A_25, %mul3A_24 : i32
        "tpu.region"() ({
          %run_scoped3A = tpu.sem_alloc : memref<!tpu.dma_semaphore, #tpu.memory_space<semaphore_mem>>
          %dma_start3A_37 = tpu.memref_slice %arg3[%mul3A_26] : memref<480000xi32, #tpu.memory_space<hbm>> -> memref<48xi32, #tpu.memory_space<hbm>>
          %dma_start3A_38 = tpu.memref_slice %arg3[%mul3A_26] : memref<480000xi32, #tpu.memory_space<hbm>> -> memref<48xi32, #tpu.memory_space<hbm>>
          tpu.enqueue_dma source(%dma_start3A_38 : memref<48xi32, #tpu.memory_space<hbm>>) target(%arg6 : memref<48xi32, #tpu.memory_space<vmem>>) target_semaphore(%run_scoped3A : memref<!tpu.dma_semaphore, #tpu.memory_space<semaphore_mem>>)
          %dma_wait3A_39 = tpu.memref_slice %arg3[%mul3A_26] : memref<480000xi32, #tpu.memory_space<hbm>> -> memref<48xi32, #tpu.memory_space<hbm>>
          %dma_wait3A_40 = tpu.memref_slice %arg3[%mul3A_26] : memref<480000xi32, #tpu.memory_space<hbm>> -> memref<48xi32, #tpu.memory_space<hbm>>
          tpu.wait_dma2 semaphore(%run_scoped3A : memref<!tpu.dma_semaphore, #tpu.memory_space<semaphore_mem>>) src(%dma_wait3A_40 : memref<48xi32, #tpu.memory_space<hbm>>) dst(%arg6 : memref<48xi32, #tpu.memory_space<vmem>>)
          tpu.yield
        }) : () -> ()
        %dma_start3A = arith.constant 0 : i32
        %dma_start3A_27 = arith.constant 0 : i32
        %dma_start3A_28 = tpu.memref_slice %arg2[%dma_start3A, %dma_start3A_27] : memref<20032x512xf32, #tpu.memory_space<hbm>> -> memref<20032x512xf32, #tpu.memory_space<hbm>>
        tpu.enqueue_indirect_dma source(%dma_start3A_28 : memref<20032x512xf32, #tpu.memory_space<hbm>>) target(%arg7 : memref<48x512xf32, #tpu.memory_space<vmem>>) offsets(%arg6 : memref<48xi32, #tpu.memory_space<vmem>>) semaphore(%arg10 : memref<!tpu.dma_semaphore, #tpu.memory_space<semaphore_mem>>)
        %dma_wait3A = arith.constant 0 : i32
        %dma_wait3A_29 = arith.constant 0 : i32
        %dma_wait3A_30 = tpu.memref_slice %arg2[%dma_wait3A, %dma_wait3A_29] : memref<20032x512xf32, #tpu.memory_space<hbm>> -> memref<20032x512xf32, #tpu.memory_space<hbm>>
        tpu.wait_indirect_dma semaphore(%arg10 : memref<!tpu.dma_semaphore, #tpu.memory_space<semaphore_mem>>) src(%dma_wait3A_30 : memref<20032x512xf32, #tpu.memory_space<hbm>>) dst(%arg7 : memref<48x512xf32, #tpu.memory_space<vmem>>)
        %scan3A_31 = arith.constant 0 : i32
        %scan3A_32 = arith.constant 0 : i32
        %scan3A_33 = arith.constant 16 : i32
        %scan3A_34 = arith.addi %scan3A_32, %scan3A_33 : i32
        %scan3A_35 = arith.constant 1 : i32
        scf.for %scan3A_37 = %scan3A_32 to %scan3A_34 step %scan3A_35  : i32 {
          %broadcast_in_dim3A = arith.constant 0.000000e+00 : f32
          %broadcast_in_dim3A_38 = vector.broadcast %broadcast_in_dim3A : f32 to vector<16xf32>
          %broadcast_in_dim3A_39 = arith.constant 0.000000e+00 : f32
          %broadcast_in_dim3A_40 = vector.broadcast %broadcast_in_dim3A_39 : f32 to vector<16xf32>
          %get3A = arith.index_cast %scan3A_37 : i32 to index
          %get3A_41 = arith.constant 0 : index
          %get3A_42 = tpu.vector_load %arg7[%get3A, %get3A_41] {strides = array<i32>} : memref<48x512xf32, #tpu.memory_space<vmem>>, vector<1x16xf32>,
          %get3A_43 = vector.shape_cast %get3A_42 : vector<1x16xf32> to vector<16xf32>
          %add3A_44 = arith.constant 16 : i32
          %add3A_45 = arith.addi %add3A_44, %scan3A_37 : i32
          %get3A_46 = arith.index_cast %add3A_45 : i32 to index
          %get3A_47 = arith.constant 0 : index
          %get3A_48 = tpu.vector_load %arg7[%get3A_46, %get3A_47] {strides = array<i32>} : memref<48x512xf32, #tpu.memory_space<vmem>>, vector<1x16xf32>,
          %get3A_49 = vector.shape_cast %get3A_48 : vector<1x16xf32> to vector<16xf32>
          %add3A_50 = arith.addf %get3A_43, %get3A_49 : vector<16xf32>
          %add3A_51 = arith.constant 32 : i32
          %add3A_52 = arith.addi %add3A_51, %scan3A_37 : i32
          %get3A_53 = arith.index_cast %add3A_52 : i32 to index
          %get3A_54 = arith.constant 0 : index
          %get3A_55 = tpu.vector_load %arg7[%get3A_53, %get3A_54] {strides = array<i32>} : memref<48x512xf32, #tpu.memory_space<vmem>>, vector<1x16xf32>,
          %get3A_56 = vector.shape_cast %get3A_55 : vector<1x16xf32> to vector<16xf32>
          %add3A_57 = arith.addf %add3A_50, %get3A_56 : vector<16xf32>
          %max3A = arith.constant 0.000000e+00 : f32
          %max3A_58 = vector.broadcast %max3A : f32 to vector<16xf32>
          %max3A_59 = arith.maximumf %add3A_57, %max3A_58 : vector<16xf32>
          %min3A = arith.constant 0.000000e+00 : f32
          %min3A_60 = vector.broadcast %min3A : f32 to vector<16xf32>
          %min3A_61 = arith.minimumf %add3A_57, %min3A_60 : vector<16xf32>
          %mul3A_62 = arith.constant 2.000000e-01 : f32
          %mul3A_63 = vector.broadcast %mul3A_62 : f32 to vector<16xf32>
          %mul3A_64 = arith.mulf %mul3A_63, %min3A_61 : vector<16xf32>
          %add3A_65 = arith.addf %max3A_59, %mul3A_64 : vector<16xf32>
          %get3A_66 = arith.constant 0 : index
          %get3A_67 = tpu.vector_load %arg8[%get3A_66] {strides = array<i32>} : memref<512xf32, #tpu.memory_space<vmem>>, vector<16xf32>,
          %get3A_68 = vector.shape_cast %get3A_67 : vector<16xf32> to vector<16xf32>
          %mul3A_69 = arith.mulf %add3A_65, %get3A_68 : vector<16xf32>
          %add3A_70 = arith.addf %broadcast_in_dim3A_40, %mul3A_69 : vector<16xf32>
          %get3A_71 = arith.index_cast %scan3A_37 : i32 to index
          %get3A_72 = arith.constant 16 : index
          %get3A_73 = tpu.vector_load %arg7[%get3A_71, %get3A_72] {strides = array<i32>} : memref<48x512xf32, #tpu.memory_space<vmem>>, vector<1x16xf32>,
          %get3A_74 = vector.shape_cast %get3A_73 : vector<1x16xf32> to vector<16xf32>
          %add3A_75 = arith.constant 16 : i32
          %add3A_76 = arith.addi %add3A_75, %scan3A_37 : i32
          %get3A_77 = arith.index_cast %add3A_76 : i32 to index
          %get3A_78 = arith.constant 16 : index
          %get3A_79 = tpu.vector_load %arg7[%get3A_77, %get3A_78] {strides = array<i32>} : memref<48x512xf32, #tpu.memory_space<vmem>>, vector<1x16xf32>,
          %get3A_80 = vector.shape_cast %get3A_79 : vector<1x16xf32> to vector<16xf32>
          %add3A_81 = arith.addf %get3A_74, %get3A_80 : vector<16xf32>
          %add3A_82 = arith.constant 32 : i32
          %add3A_83 = arith.addi %add3A_82, %scan3A_37 : i32
          %get3A_84 = arith.index_cast %add3A_83 : i32 to index
          %get3A_85 = arith.constant 16 : index
          %get3A_86 = tpu.vector_load %arg7[%get3A_84, %get3A_85] {strides = array<i32>} : memref<48x512xf32, #tpu.memory_space<vmem>>, vector<1x16xf32>,
          %get3A_87 = vector.shape_cast %get3A_86 : vector<1x16xf32> to vector<16xf32>
          %add3A_88 = arith.addf %add3A_81, %get3A_87 : vector<16xf32>
          %max3A_89 = arith.constant 0.000000e+00 : f32
          %max3A_90 = vector.broadcast %max3A_89 : f32 to vector<16xf32>
          %max3A_91 = arith.maximumf %add3A_88, %max3A_90 : vector<16xf32>
          %min3A_92 = arith.constant 0.000000e+00 : f32
          %min3A_93 = vector.broadcast %min3A_92 : f32 to vector<16xf32>
          %min3A_94 = arith.minimumf %add3A_88, %min3A_93 : vector<16xf32>
          %mul3A_95 = arith.constant 2.000000e-01 : f32
          %mul3A_96 = vector.broadcast %mul3A_95 : f32 to vector<16xf32>
          %mul3A_97 = arith.mulf %mul3A_96, %min3A_94 : vector<16xf32>
          %add3A_98 = arith.addf %max3A_91, %mul3A_97 : vector<16xf32>
          %get3A_99 = arith.constant 16 : index
          %get3A_100 = tpu.vector_load %arg8[%get3A_99] {strides = array<i32>} : memref<512xf32, #tpu.memory_space<vmem>>, vector<16xf32>,
          %get3A_101 = vector.shape_cast %get3A_100 : vector<16xf32> to vector<16xf32>
          %mul3A_102 = arith.mulf %add3A_98, %get3A_101 : vector<16xf32>
          %add3A_103 = arith.addf %add3A_70, %mul3A_102 : vector<16xf32>
          %get3A_104 = arith.index_cast %scan3A_37 : i32 to index
          %get3A_105 = arith.constant 32 : index
          %get3A_106 = tpu.vector_load %arg7[%get3A_104, %get3A_105] {strides = array<i32>} : memref<48x512xf32, #tpu.memory_space<vmem>>, vector<1x16xf32>,
          %get3A_107 = vector.shape_cast %get3A_106 : vector<1x16xf32> to vector<16xf32>
          %add3A_108 = arith.constant 16 : i32
          %add3A_109 = arith.addi %add3A_108, %scan3A_37 : i32
          %get3A_110 = arith.index_cast %add3A_109 : i32 to index
          %get3A_111 = arith.constant 32 : index
          %get3A_112 = tpu.vector_load %arg7[%get3A_110, %get3A_111] {strides = array<i32>} : memref<48x512xf32, #tpu.memory_space<vmem>>, vector<1x16xf32>,
          %get3A_113 = vector.shape_cast %get3A_112 : vector<1x16xf32> to vector<16xf32>
          %add3A_114 = arith.addf %get3A_107, %get3A_113 : vector<16xf32>
          %add3A_115 = arith.constant 32 : i32
          %add3A_116 = arith.addi %add3A_115, %scan3A_37 : i32
          %get3A_117 = arith.index_cast %add3A_116 : i32 to index
          %get3A_118 = arith.constant 32 : index
          %get3A_119 = tpu.vector_load %arg7[%get3A_117, %get3A_118] {strides = array<i32>} : memref<48x512xf32, #tpu.memory_space<vmem>>, vector<1x16xf32>,
          %get3A_120 = vector.shape_cast %get3A_119 : vector<1x16xf32> to vector<16xf32>
          %add3A_121 = arith.addf %add3A_114, %get3A_120 : vector<16xf32>
          %max3A_122 = arith.constant 0.000000e+00 : f32
          %max3A_123 = vector.broadcast %max3A_122 : f32 to vector<16xf32>
          %max3A_124 = arith.maximumf %add3A_121, %max3A_123 : vector<16xf32>
          %min3A_125 = arith.constant 0.000000e+00 : f32
          %min3A_126 = vector.broadcast %min3A_125 : f32 to vector<16xf32>
          %min3A_127 = arith.minimumf %add3A_121, %min3A_126 : vector<16xf32>
          %mul3A_128 = arith.constant 2.000000e-01 : f32
          %mul3A_129 = vector.broadcast %mul3A_128 : f32 to vector<16xf32>
          %mul3A_130 = arith.mulf %mul3A_129, %min3A_127 : vector<16xf32>
          %add3A_131 = arith.addf %max3A_124, %mul3A_130 : vector<16xf32>
          %get3A_132 = arith.constant 32 : index
          %get3A_133 = tpu.vector_load %arg8[%get3A_132] {strides = array<i32>} : memref<512xf32, #tpu.memory_space<vmem>>, vector<16xf32>,
          %get3A_134 = vector.shape_cast %get3A_133 : vector<16xf32> to vector<16xf32>
          %mul3A_135 = arith.mulf %add3A_131, %get3A_134 : vector<16xf32>
          %add3A_136 = arith.addf %add3A_103, %mul3A_135 : vector<16xf32>
          %get3A_137 = arith.index_cast %scan3A_37 : i32 to index
          %get3A_138 = arith.constant 48 : index
          %get3A_139 = tpu.vector_load %arg7[%get3A_137, %get3A_138] {strides = array<i32>} : memref<48x512xf32, #tpu.memory_space<vmem>>, vector<1x16xf32>,
          %get3A_140 = vector.shape_cast %get3A_139 : vector<1x16xf32> to vector<16xf32>
          %add3A_141 = arith.constant 16 : i32
          %add3A_142 = arith.addi %add3A_141, %scan3A_37 : i32
          %get3A_143 = arith.index_cast %add3A_142 : i32 to index
          %get3A_144 = arith.constant 48 : index
          %get3A_145 = tpu.vector_load %arg7[%get3A_143, %get3A_144] {strides = array<i32>} : memref<48x512xf32, #tpu.memory_space<vmem>>, vector<1x16xf32>,
          %get3A_146 = vector.shape_cast %get3A_145 : vector<1x16xf32> to vector<16xf32>
          %add3A_147 = arith.addf %get3A_140, %get3A_146 : vector<16xf32>
          %add3A_148 = arith.constant 32 : i32
          %add3A_149 = arith.addi %add3A_148, %scan3A_37 : i32
          %get3A_150 = arith.index_cast %add3A_149 : i32 to index
          %get3A_151 = arith.constant 48 : index
          %get3A_152 = tpu.vector_load %arg7[%get3A_150, %get3A_151] {strides = array<i32>} : memref<48x512xf32, #tpu.memory_space<vmem>>, vector<1x16xf32>,
          %get3A_153 = vector.shape_cast %get3A_152 : vector<1x16xf32> to vector<16xf32>
          %add3A_154 = arith.addf %add3A_147, %get3A_153 : vector<16xf32>
          %max3A_155 = arith.constant 0.000000e+00 : f32
          %max3A_156 = vector.broadcast %max3A_155 : f32 to vector<16xf32>
          %max3A_157 = arith.maximumf %add3A_154, %max3A_156 : vector<16xf32>
          %min3A_158 = arith.constant 0.000000e+00 : f32
          %min3A_159 = vector.broadcast %min3A_158 : f32 to vector<16xf32>
          %min3A_160 = arith.minimumf %add3A_154, %min3A_159 : vector<16xf32>
          %mul3A_161 = arith.constant 2.000000e-01 : f32
          %mul3A_162 = vector.broadcast %mul3A_161 : f32 to vector<16xf32>
          %mul3A_163 = arith.mulf %mul3A_162, %min3A_160 : vector<16xf32>
          %add3A_164 = arith.addf %max3A_157, %mul3A_163 : vector<16xf32>
          %get3A_165 = arith.constant 48 : index
          %get3A_166 = tpu.vector_load %arg8[%get3A_165] {strides = array<i32>} : memref<512xf32, #tpu.memory_space<vmem>>, vector<16xf32>,
          %get3A_167 = vector.shape_cast %get3A_166 : vector<16xf32> to vector<16xf32>
          %mul3A_168 = arith.mulf %add3A_164, %get3A_167 : vector<16xf32>
          %add3A_169 = arith.addf %add3A_136, %mul3A_168 : vector<16xf32>
          %reshape3A = vector.shape_cast %xor3A_2 : vector<16xi32> to vector<16x1xi32>
          %gather3A = vector.shape_cast %reshape3A : vector<16x1xi32> to vector<16xi32>
          %gather3A_170 = tpu.dynamic_gather %add3A_169[%gather3A] in [0] : vector<16xf32>, vector<16xi32> -> vector<16xf32>
          %add3A_171 = arith.addf %add3A_169, %gather3A_170 : vector<16xf32>
          %reshape3A_172 = vector.shape_cast %xor3A_5 : vector<16xi32> to vector<16x1xi32>
          %gather3A_173 = vector.shape_cast %reshape3A_172 : vector<16x1xi32> to vector<16xi32>
          %gather3A_174 = tpu.dynamic_gather %add3A_171[%gather3A_173] in [0] : vector<16xf32>, vector<16xi32> -> vector<16xf32>
          %add3A_175 = arith.addf %add3A_171, %gather3A_174 : vector<16xf32>
          %reshape3A_176 = vector.shape_cast %xor3A_8 : vector<16xi32> to vector<16x1xi32>
          %gather3A_177 = vector.shape_cast %reshape3A_176 : vector<16x1xi32> to vector<16xi32>
          %gather3A_178 = tpu.dynamic_gather %add3A_175[%gather3A_177] in [0] : vector<16xf32>, vector<16xi32> -> vector<16xf32>
          %add3A_179 = arith.addf %add3A_175, %gather3A_178 : vector<16xf32>
          %reshape3A_180 = vector.shape_cast %xor3A_11 : vector<16xi32> to vector<16x1xi32>
          %gather3A_181 = vector.shape_cast %reshape3A_180 : vector<16x1xi32> to vector<16xi32>
          %gather3A_182 = tpu.dynamic_gather %add3A_179[%gather3A_181] in [0] : vector<16xf32>, vector<16xi32> -> vector<16xf32>
          %add3A_183 = arith.addf %add3A_179, %gather3A_182 : vector<16xf32>
          %eq3A = arith.constant 0 : i32
          %eq3A_184 = vector.broadcast %eq3A : i32 to vector<16xi32>
          %eq3A_185 = arith.cmpi eq, %iota3A, %eq3A_184 : vector<16xi32>
          %select_n3A = arith.select %eq3A_185, %add3A_183, %broadcast_in_dim3A_38 : vector<16xi1>, vector<16xf32>
          %broadcast_in_dim3A_186 = arith.constant 0.000000e+00 : f32
          %broadcast_in_dim3A_187 = vector.broadcast %broadcast_in_dim3A_186 : f32 to vector<16xf32>
          %get3A_188 = arith.index_cast %scan3A_37 : i32 to index
          %get3A_189 = arith.constant 64 : index
          %get3A_190 = tpu.vector_load %arg7[%get3A_188, %get3A_189] {strides = array<i32>} : memref<48x512xf32, #tpu.memory_space<vmem>>, vector<1x16xf32>,
          %get3A_191 = vector.shape_cast %get3A_190 : vector<1x16xf32> to vector<16xf32>
          %add3A_192 = arith.constant 16 : i32
          %add3A_193 = arith.addi %add3A_192, %scan3A_37 : i32
          %get3A_194 = arith.index_cast %add3A_193 : i32 to index
          %get3A_195 = arith.constant 64 : index
          %get3A_196 = tpu.vector_load %arg7[%get3A_194, %get3A_195] {strides = array<i32>} : memref<48x512xf32, #tpu.memory_space<vmem>>, vector<1x16xf32>,
          %get3A_197 = vector.shape_cast %get3A_196 : vector<1x16xf32> to vector<16xf32>
          %add3A_198 = arith.addf %get3A_191, %get3A_197 : vector<16xf32>
          %add3A_199 = arith.constant 32 : i32
          %add3A_200 = arith.addi %add3A_199, %scan3A_37 : i32
          %get3A_201 = arith.index_cast %add3A_200 : i32 to index
          %get3A_202 = arith.constant 64 : index
          %get3A_203 = tpu.vector_load %arg7[%get3A_201, %get3A_202] {strides = array<i32>} : memref<48x512xf32, #tpu.memory_space<vmem>>, vector<1x16xf32>,
          %get3A_204 = vector.shape_cast %get3A_203 : vector<1x16xf32> to vector<16xf32>
          %add3A_205 = arith.addf %add3A_198, %get3A_204 : vector<16xf32>
          %max3A_206 = arith.constant 0.000000e+00 : f32
          %max3A_207 = vector.broadcast %max3A_206 : f32 to vector<16xf32>
          %max3A_208 = arith.maximumf %add3A_205, %max3A_207 : vector<16xf32>
          %min3A_209 = arith.constant 0.000000e+00 : f32
          %min3A_210 = vector.broadcast %min3A_209 : f32 to vector<16xf32>
          %min3A_211 = arith.minimumf %add3A_205, %min3A_210 : vector<16xf32>
          %mul3A_212 = arith.constant 2.000000e-01 : f32
          %mul3A_213 = vector.broadcast %mul3A_212 : f32 to vector<16xf32>
          %mul3A_214 = arith.mulf %mul3A_213, %min3A_211 : vector<16xf32>
          %add3A_215 = arith.addf %max3A_208, %mul3A_214 : vector<16xf32>
          %get3A_216 = arith.constant 64 : index
          %get3A_217 = tpu.vector_load %arg8[%get3A_216] {strides = array<i32>} : memref<512xf32, #tpu.memory_space<vmem>>, vector<16xf32>,
          %get3A_218 = vector.shape_cast %get3A_217 : vector<16xf32> to vector<16xf32>
          %mul3A_219 = arith.mulf %add3A_215, %get3A_218 : vector<16xf32>
          %add3A_220 = arith.addf %broadcast_in_dim3A_187, %mul3A_219 : vector<16xf32>
          %get3A_221 = arith.index_cast %scan3A_37 : i32 to index
          %get3A_222 = arith.constant 80 : index
          %get3A_223 = tpu.vector_load %arg7[%get3A_221, %get3A_222] {strides = array<i32>} : memref<48x512xf32, #tpu.memory_space<vmem>>, vector<1x16xf32>,
          %get3A_224 = vector.shape_cast %get3A_223 : vector<1x16xf32> to vector<16xf32>
          %add3A_225 = arith.constant 16 : i32
          %add3A_226 = arith.addi %add3A_225, %scan3A_37 : i32
          %get3A_227 = arith.index_cast %add3A_226 : i32 to index
          %get3A_228 = arith.constant 80 : index
          %get3A_229 = tpu.vector_load %arg7[%get3A_227, %get3A_228] {strides = array<i32>} : memref<48x512xf32, #tpu.memory_space<vmem>>, vector<1x16xf32>,
          %get3A_230 = vector.shape_cast %get3A_229 : vector<1x16xf32> to vector<16xf32>
          %add3A_231 = arith.addf %get3A_224, %get3A_230 : vector<16xf32>
          %add3A_232 = arith.constant 32 : i32
          %add3A_233 = arith.addi %add3A_232, %scan3A_37 : i32
          %get3A_234 = arith.index_cast %add3A_233 : i32 to index
          %get3A_235 = arith.constant 80 : index
          %get3A_236 = tpu.vector_load %arg7[%get3A_234, %get3A_235] {strides = array<i32>} : memref<48x512xf32, #tpu.memory_space<vmem>>, vector<1x16xf32>,
          %get3A_237 = vector.shape_cast %get3A_236 : vector<1x16xf32> to vector<16xf32>
          %add3A_238 = arith.addf %add3A_231, %get3A_237 : vector<16xf32>
          %max3A_239 = arith.constant 0.000000e+00 : f32
          %max3A_240 = vector.broadcast %max3A_239 : f32 to vector<16xf32>
          %max3A_241 = arith.maximumf %add3A_238, %max3A_240 : vector<16xf32>
          %min3A_242 = arith.constant 0.000000e+00 : f32
          %min3A_243 = vector.broadcast %min3A_242 : f32 to vector<16xf32>
          %min3A_244 = arith.minimumf %add3A_238, %min3A_243 : vector<16xf32>
          %mul3A_245 = arith.constant 2.000000e-01 : f32
          %mul3A_246 = vector.broadcast %mul3A_245 : f32 to vector<16xf32>
          %mul3A_247 = arith.mulf %mul3A_246, %min3A_244 : vector<16xf32>
          %add3A_248 = arith.addf %max3A_241, %mul3A_247 : vector<16xf32>
          %get3A_249 = arith.constant 80 : index
          %get3A_250 = tpu.vector_load %arg8[%get3A_249] {strides = array<i32>} : memref<512xf32, #tpu.memory_space<vmem>>, vector<16xf32>,
          %get3A_251 = vector.shape_cast %get3A_250 : vector<16xf32> to vector<16xf32>
          %mul3A_252 = arith.mulf %add3A_248, %get3A_251 : vector<16xf32>
          %add3A_253 = arith.addf %add3A_220, %mul3A_252 : vector<16xf32>
          %get3A_254 = arith.index_cast %scan3A_37 : i32 to index
          %get3A_255 = arith.constant 96 : index
          %get3A_256 = tpu.vector_load %arg7[%get3A_254, %get3A_255] {strides = array<i32>} : memref<48x512xf32, #tpu.memory_space<vmem>>, vector<1x16xf32>,
          %get3A_257 = vector.shape_cast %get3A_256 : vector<1x16xf32> to vector<16xf32>
          %add3A_258 = arith.constant 16 : i32
          %add3A_259 = arith.addi %add3A_258, %scan3A_37 : i32
          %get3A_260 = arith.index_cast %add3A_259 : i32 to index
          %get3A_261 = arith.constant 96 : index
          %get3A_262 = tpu.vector_load %arg7[%get3A_260, %get3A_261] {strides = array<i32>} : memref<48x512xf32, #tpu.memory_space<vmem>>, vector<1x16xf32>,
          %get3A_263 = vector.shape_cast %get3A_262 : vector<1x16xf32> to vector<16xf32>
          %add3A_264 = arith.addf %get3A_257, %get3A_263 : vector<16xf32>
          %add3A_265 = arith.constant 32 : i32
          %add3A_266 = arith.addi %add3A_265, %scan3A_37 : i32
          %get3A_267 = arith.index_cast %add3A_266 : i32 to index
          %get3A_268 = arith.constant 96 : index
          %get3A_269 = tpu.vector_load %arg7[%get3A_267, %get3A_268] {strides = array<i32>} : memref<48x512xf32, #tpu.memory_space<vmem>>, vector<1x16xf32>,
          %get3A_270 = vector.shape_cast %get3A_269 : vector<1x16xf32> to vector<16xf32>
          %add3A_271 = arith.addf %add3A_264, %get3A_270 : vector<16xf32>
          %max3A_272 = arith.constant 0.000000e+00 : f32
          %max3A_273 = vector.broadcast %max3A_272 : f32 to vector<16xf32>
          %max3A_274 = arith.maximumf %add3A_271, %max3A_273 : vector<16xf32>
          %min3A_275 = arith.constant 0.000000e+00 : f32
          %min3A_276 = vector.broadcast %min3A_275 : f32 to vector<16xf32>
          %min3A_277 = arith.minimumf %add3A_271, %min3A_276 : vector<16xf32>
          %mul3A_278 = arith.constant 2.000000e-01 : f32
          %mul3A_279 = vector.broadcast %mul3A_278 : f32 to vector<16xf32>
          %mul3A_280 = arith.mulf %mul3A_279, %min3A_277 : vector<16xf32>
          %add3A_281 = arith.addf %max3A_274, %mul3A_280 : vector<16xf32>
          %get3A_282 = arith.constant 96 : index
          %get3A_283 = tpu.vector_load %arg8[%get3A_282] {strides = array<i32>} : memref<512xf32, #tpu.memory_space<vmem>>, vector<16xf32>,
          %get3A_284 = vector.shape_cast %get3A_283 : vector<16xf32> to vector<16xf32>
          %mul3A_285 = arith.mulf %add3A_281, %get3A_284 : vector<16xf32>
          %add3A_286 = arith.addf %add3A_253, %mul3A_285 : vector<16xf32>
          %get3A_287 = arith.index_cast %scan3A_37 : i32 to index
          %get3A_288 = arith.constant 112 : index
          %get3A_289 = tpu.vector_load %arg7[%get3A_287, %get3A_288] {strides = array<i32>} : memref<48x512xf32, #tpu.memory_space<vmem>>, vector<1x16xf32>,
          %get3A_290 = vector.shape_cast %get3A_289 : vector<1x16xf32> to vector<16xf32>
          %add3A_291 = arith.constant 16 : i32
          %add3A_292 = arith.addi %add3A_291, %scan3A_37 : i32
          %get3A_293 = arith.index_cast %add3A_292 : i32 to index
          %get3A_294 = arith.constant 112 : index
          %get3A_295 = tpu.vector_load %arg7[%get3A_293, %get3A_294] {strides = array<i32>} : memref<48x512xf32, #tpu.memory_space<vmem>>, vector<1x16xf32>,
          %get3A_296 = vector.shape_cast %get3A_295 : vector<1x16xf32> to vector<16xf32>
          %add3A_297 = arith.addf %get3A_290, %get3A_296 : vector<16xf32>
          %add3A_298 = arith.constant 32 : i32
          %add3A_299 = arith.addi %add3A_298, %scan3A_37 : i32
          %get3A_300 = arith.index_cast %add3A_299 : i32 to index
          %get3A_301 = arith.constant 112 : index
          %get3A_302 = tpu.vector_load %arg7[%get3A_300, %get3A_301] {strides = array<i32>} : memref<48x512xf32, #tpu.memory_space<vmem>>, vector<1x16xf32>,
          %get3A_303 = vector.shape_cast %get3A_302 : vector<1x16xf32> to vector<16xf32>
          %add3A_304 = arith.addf %add3A_297, %get3A_303 : vector<16xf32>
          %max3A_305 = arith.constant 0.000000e+00 : f32
          %max3A_306 = vector.broadcast %max3A_305 : f32 to vector<16xf32>
          %max3A_307 = arith.maximumf %add3A_304, %max3A_306 : vector<16xf32>
          %min3A_308 = arith.constant 0.000000e+00 : f32
          %min3A_309 = vector.broadcast %min3A_308 : f32 to vector<16xf32>
          %min3A_310 = arith.minimumf %add3A_304, %min3A_309 : vector<16xf32>
          %mul3A_311 = arith.constant 2.000000e-01 : f32
          %mul3A_312 = vector.broadcast %mul3A_311 : f32 to vector<16xf32>
          %mul3A_313 = arith.mulf %mul3A_312, %min3A_310 : vector<16xf32>
          %add3A_314 = arith.addf %max3A_307, %mul3A_313 : vector<16xf32>
          %get3A_315 = arith.constant 112 : index
          %get3A_316 = tpu.vector_load %arg8[%get3A_315] {strides = array<i32>} : memref<512xf32, #tpu.memory_space<vmem>>, vector<16xf32>,
          %get3A_317 = vector.shape_cast %get3A_316 : vector<16xf32> to vector<16xf32>
          %mul3A_318 = arith.mulf %add3A_314, %get3A_317 : vector<16xf32>
          %add3A_319 = arith.addf %add3A_286, %mul3A_318 : vector<16xf32>
          %reshape3A_320 = vector.shape_cast %xor3A_2 : vector<16xi32> to vector<16x1xi32>
          %gather3A_321 = vector.shape_cast %reshape3A_320 : vector<16x1xi32> to vector<16xi32>
          %gather3A_322 = tpu.dynamic_gather %add3A_319[%gather3A_321] in [0] : vector<16xf32>, vector<16xi32> -> vector<16xf32>
          %add3A_323 = arith.addf %add3A_319, %gather3A_322 : vector<16xf32>
          %reshape3A_324 = vector.shape_cast %xor3A_5 : vector<16xi32> to vector<16x1xi32>
          %gather3A_325 = vector.shape_cast %reshape3A_324 : vector<16x1xi32> to vector<16xi32>
          %gather3A_326 = tpu.dynamic_gather %add3A_323[%gather3A_325] in [0] : vector<16xf32>, vector<16xi32> -> vector<16xf32>
          %add3A_327 = arith.addf %add3A_323, %gather3A_326 : vector<16xf32>
          %reshape3A_328 = vector.shape_cast %xor3A_8 : vector<16xi32> to vector<16x1xi32>
          %gather3A_329 = vector.shape_cast %reshape3A_328 : vector<16x1xi32> to vector<16xi32>
          %gather3A_330 = tpu.dynamic_gather %add3A_327[%gather3A_329] in [0] : vector<16xf32>, vector<16xi32> -> vector<16xf32>
          %add3A_331 = arith.addf %add3A_327, %gather3A_330 : vector<16xf32>
          %reshape3A_332 = vector.shape_cast %xor3A_11 : vector<16xi32> to vector<16x1xi32>
          %gather3A_333 = vector.shape_cast %reshape3A_332 : vector<16x1xi32> to vector<16xi32>
          %gather3A_334 = tpu.dynamic_gather %add3A_331[%gather3A_333] in [0] : vector<16xf32>, vector<16xi32> -> vector<16xf32>
          %add3A_335 = arith.addf %add3A_331, %gather3A_334 : vector<16xf32>
          %eq3A_336 = arith.constant 1 : i32
          %eq3A_337 = vector.broadcast %eq3A_336 : i32 to vector<16xi32>
          %eq3A_338 = arith.cmpi eq, %iota3A, %eq3A_337 : vector<16xi32>
          %select_n3A_339 = arith.select %eq3A_338, %add3A_335, %select_n3A : vector<16xi1>, vector<16xf32>
          %broadcast_in_dim3A_340 = arith.constant 0.000000e+00 : f32
          %broadcast_in_dim3A_341 = vector.broadcast %broadcast_in_dim3A_340 : f32 to vector<16xf32>
          %get3A_342 = arith.index_cast %scan3A_37 : i32 to index
          %get3A_343 = arith.constant 128 : index
          %get3A_344 = tpu.vector_load %arg7[%get3A_342, %get3A_343] {strides = array<i32>} : memref<48x512xf32, #tpu.memory_space<vmem>>, vector<1x16xf32>,
          %get3A_345 = vector.shape_cast %get3A_344 : vector<1x16xf32> to vector<16xf32>
          %add3A_346 = arith.constant 16 : i32
          %add3A_347 = arith.addi %add3A_346, %scan3A_37 : i32
          %get3A_348 = arith.index_cast %add3A_347 : i32 to index
          %get3A_349 = arith.constant 128 : index
          %get3A_350 = tpu.vector_load %arg7[%get3A_348, %get3A_349] {strides = array<i32>} : memref<48x512xf32, #tpu.memory_space<vmem>>, vector<1x16xf32>,
          %get3A_351 = vector.shape_cast %get3A_350 : vector<1x16xf32> to vector<16xf32>
          %add3A_352 = arith.addf %get3A_345, %get3A_351 : vector<16xf32>
          %add3A_353 = arith.constant 32 : i32
          %add3A_354 = arith.addi %add3A_353, %scan3A_37 : i32
          %get3A_355 = arith.index_cast %add3A_354 : i32 to index
          %get3A_356 = arith.constant 128 : index
          %get3A_357 = tpu.vector_load %arg7[%get3A_355, %get3A_356] {strides = array<i32>} : memref<48x512xf32, #tpu.memory_space<vmem>>, vector<1x16xf32>,
          %get3A_358 = vector.shape_cast %get3A_357 : vector<1x16xf32> to vector<16xf32>
          %add3A_359 = arith.addf %add3A_352, %get3A_358 : vector<16xf32>
          %max3A_360 = arith.constant 0.000000e+00 : f32
          %max3A_361 = vector.broadcast %max3A_360 : f32 to vector<16xf32>
          %max3A_362 = arith.maximumf %add3A_359, %max3A_361 : vector<16xf32>
          %min3A_363 = arith.constant 0.000000e+00 : f32
          %min3A_364 = vector.broadcast %min3A_363 : f32 to vector<16xf32>
          %min3A_365 = arith.minimumf %add3A_359, %min3A_364 : vector<16xf32>
          %mul3A_366 = arith.constant 2.000000e-01 : f32
          %mul3A_367 = vector.broadcast %mul3A_366 : f32 to vector<16xf32>
          %mul3A_368 = arith.mulf %mul3A_367, %min3A_365 : vector<16xf32>
          %add3A_369 = arith.addf %max3A_362, %mul3A_368 : vector<16xf32>
          %get3A_370 = arith.constant 128 : index
          %get3A_371 = tpu.vector_load %arg8[%get3A_370] {strides = array<i32>} : memref<512xf32, #tpu.memory_space<vmem>>, vector<16xf32>,
          %get3A_372 = vector.shape_cast %get3A_371 : vector<16xf32> to vector<16xf32>
          %mul3A_373 = arith.mulf %add3A_369, %get3A_372 : vector<16xf32>
          %add3A_374 = arith.addf %broadcast_in_dim3A_341, %mul3A_373 : vector<16xf32>
          %get3A_375 = arith.index_cast %scan3A_37 : i32 to index
          %get3A_376 = arith.constant 144 : index
          %get3A_377 = tpu.vector_load %arg7[%get3A_375, %get3A_376] {strides = array<i32>} : memref<48x512xf32, #tpu.memory_space<vmem>>, vector<1x16xf32>,
          %get3A_378 = vector.shape_cast %get3A_377 : vector<1x16xf32> to vector<16xf32>
          %add3A_379 = arith.constant 16 : i32
          %add3A_380 = arith.addi %add3A_379, %scan3A_37 : i32
          %get3A_381 = arith.index_cast %add3A_380 : i32 to index
          %get3A_382 = arith.constant 144 : index
          %get3A_383 = tpu.vector_load %arg7[%get3A_381, %get3A_382] {strides = array<i32>} : memref<48x512xf32, #tpu.memory_space<vmem>>, vector<1x16xf32>,
          %get3A_384 = vector.shape_cast %get3A_383 : vector<1x16xf32> to vector<16xf32>
          %add3A_385 = arith.addf %get3A_378, %get3A_384 : vector<16xf32>
          %add3A_386 = arith.constant 32 : i32
          %add3A_387 = arith.addi %add3A_386, %scan3A_37 : i32
          %get3A_388 = arith.index_cast %add3A_387 : i32 to index
          %get3A_389 = arith.constant 144 : index
          %get3A_390 = tpu.vector_load %arg7[%get3A_388, %get3A_389] {strides = array<i32>} : memref<48x512xf32, #tpu.memory_space<vmem>>, vector<1x16xf32>,
          %get3A_391 = vector.shape_cast %get3A_390 : vector<1x16xf32> to vector<16xf32>
          %add3A_392 = arith.addf %add3A_385, %get3A_391 : vector<16xf32>
          %max3A_393 = arith.constant 0.000000e+00 : f32
          %max3A_394 = vector.broadcast %max3A_393 : f32 to vector<16xf32>
          %max3A_395 = arith.maximumf %add3A_392, %max3A_394 : vector<16xf32>
          %min3A_396 = arith.constant 0.000000e+00 : f32
          %min3A_397 = vector.broadcast %min3A_396 : f32 to vector<16xf32>
          %min3A_398 = arith.minimumf %add3A_392, %min3A_397 : vector<16xf32>
          %mul3A_399 = arith.constant 2.000000e-01 : f32
          %mul3A_400 = vector.broadcast %mul3A_399 : f32 to vector<16xf32>
          %mul3A_401 = arith.mulf %mul3A_400, %min3A_398 : vector<16xf32>
          %add3A_402 = arith.addf %max3A_395, %mul3A_401 : vector<16xf32>
          %get3A_403 = arith.constant 144 : index
          %get3A_404 = tpu.vector_load %arg8[%get3A_403] {strides = array<i32>} : memref<512xf32, #tpu.memory_space<vmem>>, vector<16xf32>,
          %get3A_405 = vector.shape_cast %get3A_404 : vector<16xf32> to vector<16xf32>
          %mul3A_406 = arith.mulf %add3A_402, %get3A_405 : vector<16xf32>
          %add3A_407 = arith.addf %add3A_374, %mul3A_406 : vector<16xf32>
          %get3A_408 = arith.index_cast %scan3A_37 : i32 to index
          %get3A_409 = arith.constant 160 : index
          %get3A_410 = tpu.vector_load %arg7[%get3A_408, %get3A_409] {strides = array<i32>} : memref<48x512xf32, #tpu.memory_space<vmem>>, vector<1x16xf32>,
          %get3A_411 = vector.shape_cast %get3A_410 : vector<1x16xf32> to vector<16xf32>
          %add3A_412 = arith.constant 16 : i32
          %add3A_413 = arith.addi %add3A_412, %scan3A_37 : i32
          %get3A_414 = arith.index_cast %add3A_413 : i32 to index
          %get3A_415 = arith.constant 160 : index
          %get3A_416 = tpu.vector_load %arg7[%get3A_414, %get3A_415] {strides = array<i32>} : memref<48x512xf32, #tpu.memory_space<vmem>>, vector<1x16xf32>,
          %get3A_417 = vector.shape_cast %get3A_416 : vector<1x16xf32> to vector<16xf32>
          %add3A_418 = arith.addf %get3A_411, %get3A_417 : vector<16xf32>
          %add3A_419 = arith.constant 32 : i32
          %add3A_420 = arith.addi %add3A_419, %scan3A_37 : i32
          %get3A_421 = arith.index_cast %add3A_420 : i32 to index
          %get3A_422 = arith.constant 160 : index
          %get3A_423 = tpu.vector_load %arg7[%get3A_421, %get3A_422] {strides = array<i32>} : memref<48x512xf32, #tpu.memory_space<vmem>>, vector<1x16xf32>,
          %get3A_424 = vector.shape_cast %get3A_423 : vector<1x16xf32> to vector<16xf32>
          %add3A_425 = arith.addf %add3A_418, %get3A_424 : vector<16xf32>
          %max3A_426 = arith.constant 0.000000e+00 : f32
          %max3A_427 = vector.broadcast %max3A_426 : f32 to vector<16xf32>
          %max3A_428 = arith.maximumf %add3A_425, %max3A_427 : vector<16xf32>
          %min3A_429 = arith.constant 0.000000e+00 : f32
          %min3A_430 = vector.broadcast %min3A_429 : f32 to vector<16xf32>
          %min3A_431 = arith.minimumf %add3A_425, %min3A_430 : vector<16xf32>
          %mul3A_432 = arith.constant 2.000000e-01 : f32
          %mul3A_433 = vector.broadcast %mul3A_432 : f32 to vector<16xf32>
          %mul3A_434 = arith.mulf %mul3A_433, %min3A_431 : vector<16xf32>
          %add3A_435 = arith.addf %max3A_428, %mul3A_434 : vector<16xf32>
          %get3A_436 = arith.constant 160 : index
          %get3A_437 = tpu.vector_load %arg8[%get3A_436] {strides = array<i32>} : memref<512xf32, #tpu.memory_space<vmem>>, vector<16xf32>,
          %get3A_438 = vector.shape_cast %get3A_437 : vector<16xf32> to vector<16xf32>
          %mul3A_439 = arith.mulf %add3A_435, %get3A_438 : vector<16xf32>
          %add3A_440 = arith.addf %add3A_407, %mul3A_439 : vector<16xf32>
          %get3A_441 = arith.index_cast %scan3A_37 : i32 to index
          %get3A_442 = arith.constant 176 : index
          %get3A_443 = tpu.vector_load %arg7[%get3A_441, %get3A_442] {strides = array<i32>} : memref<48x512xf32, #tpu.memory_space<vmem>>, vector<1x16xf32>,
          %get3A_444 = vector.shape_cast %get3A_443 : vector<1x16xf32> to vector<16xf32>
          %add3A_445 = arith.constant 16 : i32
          %add3A_446 = arith.addi %add3A_445, %scan3A_37 : i32
          %get3A_447 = arith.index_cast %add3A_446 : i32 to index
          %get3A_448 = arith.constant 176 : index
          %get3A_449 = tpu.vector_load %arg7[%get3A_447, %get3A_448] {strides = array<i32>} : memref<48x512xf32, #tpu.memory_space<vmem>>, vector<1x16xf32>,
          %get3A_450 = vector.shape_cast %get3A_449 : vector<1x16xf32> to vector<16xf32>
          %add3A_451 = arith.addf %get3A_444, %get3A_450 : vector<16xf32>
          %add3A_452 = arith.constant 32 : i32
          %add3A_453 = arith.addi %add3A_452, %scan3A_37 : i32
          %get3A_454 = arith.index_cast %add3A_453 : i32 to index
          %get3A_455 = arith.constant 176 : index
          %get3A_456 = tpu.vector_load %arg7[%get3A_454, %get3A_455] {strides = array<i32>} : memref<48x512xf32, #tpu.memory_space<vmem>>, vector<1x16xf32>,
          %get3A_457 = vector.shape_cast %get3A_456 : vector<1x16xf32> to vector<16xf32>
          %add3A_458 = arith.addf %add3A_451, %get3A_457 : vector<16xf32>
          %max3A_459 = arith.constant 0.000000e+00 : f32
          %max3A_460 = vector.broadcast %max3A_459 : f32 to vector<16xf32>
          %max3A_461 = arith.maximumf %add3A_458, %max3A_460 : vector<16xf32>
          %min3A_462 = arith.constant 0.000000e+00 : f32
          %min3A_463 = vector.broadcast %min3A_462 : f32 to vector<16xf32>
          %min3A_464 = arith.minimumf %add3A_458, %min3A_463 : vector<16xf32>
          %mul3A_465 = arith.constant 2.000000e-01 : f32
          %mul3A_466 = vector.broadcast %mul3A_465 : f32 to vector<16xf32>
          %mul3A_467 = arith.mulf %mul3A_466, %min3A_464 : vector<16xf32>
          %add3A_468 = arith.addf %max3A_461, %mul3A_467 : vector<16xf32>
          %get3A_469 = arith.constant 176 : index
          %get3A_470 = tpu.vector_load %arg8[%get3A_469] {strides = array<i32>} : memref<512xf32, #tpu.memory_space<vmem>>, vector<16xf32>,
          %get3A_471 = vector.shape_cast %get3A_470 : vector<16xf32> to vector<16xf32>
          %mul3A_472 = arith.mulf %add3A_468, %get3A_471 : vector<16xf32>
          %add3A_473 = arith.addf %add3A_440, %mul3A_472 : vector<16xf32>
          %reshape3A_474 = vector.shape_cast %xor3A_2 : vector<16xi32> to vector<16x1xi32>
          %gather3A_475 = vector.shape_cast %reshape3A_474 : vector<16x1xi32> to vector<16xi32>
          %gather3A_476 = tpu.dynamic_gather %add3A_473[%gather3A_475] in [0] : vector<16xf32>, vector<16xi32> -> vector<16xf32>
          %add3A_477 = arith.addf %add3A_473, %gather3A_476 : vector<16xf32>
          %reshape3A_478 = vector.shape_cast %xor3A_5 : vector<16xi32> to vector<16x1xi32>
          %gather3A_479 = vector.shape_cast %reshape3A_478 : vector<16x1xi32> to vector<16xi32>
          %gather3A_480 = tpu.dynamic_gather %add3A_477[%gather3A_479] in [0] : vector<16xf32>, vector<16xi32> -> vector<16xf32>
          %add3A_481 = arith.addf %add3A_477, %gather3A_480 : vector<16xf32>
          %reshape3A_482 = vector.shape_cast %xor3A_8 : vector<16xi32> to vector<16x1xi32>
          %gather3A_483 = vector.shape_cast %reshape3A_482 : vector<16x1xi32> to vector<16xi32>
          %gather3A_484 = tpu.dynamic_gather %add3A_481[%gather3A_483] in [0] : vector<16xf32>, vector<16xi32> -> vector<16xf32>
          %add3A_485 = arith.addf %add3A_481, %gather3A_484 : vector<16xf32>
          %reshape3A_486 = vector.shape_cast %xor3A_11 : vector<16xi32> to vector<16x1xi32>
          %gather3A_487 = vector.shape_cast %reshape3A_486 : vector<16x1xi32> to vector<16xi32>
          %gather3A_488 = tpu.dynamic_gather %add3A_485[%gather3A_487] in [0] : vector<16xf32>, vector<16xi32> -> vector<16xf32>
          %add3A_489 = arith.addf %add3A_485, %gather3A_488 : vector<16xf32>
          %eq3A_490 = arith.constant 2 : i32
          %eq3A_491 = vector.broadcast %eq3A_490 : i32 to vector<16xi32>
          %eq3A_492 = arith.cmpi eq, %iota3A, %eq3A_491 : vector<16xi32>
          %select_n3A_493 = arith.select %eq3A_492, %add3A_489, %select_n3A_339 : vector<16xi1>, vector<16xf32>
          %broadcast_in_dim3A_494 = arith.constant 0.000000e+00 : f32
          %broadcast_in_dim3A_495 = vector.broadcast %broadcast_in_dim3A_494 : f32 to vector<16xf32>
          %get3A_496 = arith.index_cast %scan3A_37 : i32 to index
          %get3A_497 = arith.constant 192 : index
          %get3A_498 = tpu.vector_load %arg7[%get3A_496, %get3A_497] {strides = array<i32>} : memref<48x512xf32, #tpu.memory_space<vmem>>, vector<1x16xf32>,
          %get3A_499 = vector.shape_cast %get3A_498 : vector<1x16xf32> to vector<16xf32>
          %add3A_500 = arith.constant 16 : i32
          %add3A_501 = arith.addi %add3A_500, %scan3A_37 : i32
          %get3A_502 = arith.index_cast %add3A_501 : i32 to index
          %get3A_503 = arith.constant 192 : index
          %get3A_504 = tpu.vector_load %arg7[%get3A_502, %get3A_503] {strides = array<i32>} : memref<48x512xf32, #tpu.memory_space<vmem>>, vector<1x16xf32>,
          %get3A_505 = vector.shape_cast %get3A_504 : vector<1x16xf32> to vector<16xf32>
          %add3A_506 = arith.addf %get3A_499, %get3A_505 : vector<16xf32>
          %add3A_507 = arith.constant 32 : i32
          %add3A_508 = arith.addi %add3A_507, %scan3A_37 : i32
          %get3A_509 = arith.index_cast %add3A_508 : i32 to index
          %get3A_510 = arith.constant 192 : index
          %get3A_511 = tpu.vector_load %arg7[%get3A_509, %get3A_510] {strides = array<i32>} : memref<48x512xf32, #tpu.memory_space<vmem>>, vector<1x16xf32>,
          %get3A_512 = vector.shape_cast %get3A_511 : vector<1x16xf32> to vector<16xf32>
          %add3A_513 = arith.addf %add3A_506, %get3A_512 : vector<16xf32>
          %max3A_514 = arith.constant 0.000000e+00 : f32
          %max3A_515 = vector.broadcast %max3A_514 : f32 to vector<16xf32>
          %max3A_516 = arith.maximumf %add3A_513, %max3A_515 : vector<16xf32>
          %min3A_517 = arith.constant 0.000000e+00 : f32
          %min3A_518 = vector.broadcast %min3A_517 : f32 to vector<16xf32>
          %min3A_519 = arith.minimumf %add3A_513, %min3A_518 : vector<16xf32>
          %mul3A_520 = arith.constant 2.000000e-01 : f32
          %mul3A_521 = vector.broadcast %mul3A_520 : f32 to vector<16xf32>
          %mul3A_522 = arith.mulf %mul3A_521, %min3A_519 : vector<16xf32>
          %add3A_523 = arith.addf %max3A_516, %mul3A_522 : vector<16xf32>
          %get3A_524 = arith.constant 192 : index
          %get3A_525 = tpu.vector_load %arg8[%get3A_524] {strides = array<i32>} : memref<512xf32, #tpu.memory_space<vmem>>, vector<16xf32>,
          %get3A_526 = vector.shape_cast %get3A_525 : vector<16xf32> to vector<16xf32>
          %mul3A_527 = arith.mulf %add3A_523, %get3A_526 : vector<16xf32>
          %add3A_528 = arith.addf %broadcast_in_dim3A_495, %mul3A_527 : vector<16xf32>
          %get3A_529 = arith.index_cast %scan3A_37 : i32 to index
          %get3A_530 = arith.constant 208 : index
          %get3A_531 = tpu.vector_load %arg7[%get3A_529, %get3A_530] {strides = array<i32>} : memref<48x512xf32, #tpu.memory_space<vmem>>, vector<1x16xf32>,
          %get3A_532 = vector.shape_cast %get3A_531 : vector<1x16xf32> to vector<16xf32>
          %add3A_533 = arith.constant 16 : i32
          %add3A_534 = arith.addi %add3A_533, %scan3A_37 : i32
          %get3A_535 = arith.index_cast %add3A_534 : i32 to index
          %get3A_536 = arith.constant 208 : index
          %get3A_537 = tpu.vector_load %arg7[%get3A_535, %get3A_536] {strides = array<i32>} : memref<48x512xf32, #tpu.memory_space<vmem>>, vector<1x16xf32>,
          %get3A_538 = vector.shape_cast %get3A_537 : vector<1x16xf32> to vector<16xf32>
          %add3A_539 = arith.addf %get3A_532, %get3A_538 : vector<16xf32>
          %add3A_540 = arith.constant 32 : i32
          %add3A_541 = arith.addi %add3A_540, %scan3A_37 : i32
          %get3A_542 = arith.index_cast %add3A_541 : i32 to index
          %get3A_543 = arith.constant 208 : index
          %get3A_544 = tpu.vector_load %arg7[%get3A_542, %get3A_543] {strides = array<i32>} : memref<48x512xf32, #tpu.memory_space<vmem>>, vector<1x16xf32>,
          %get3A_545 = vector.shape_cast %get3A_544 : vector<1x16xf32> to vector<16xf32>
          %add3A_546 = arith.addf %add3A_539, %get3A_545 : vector<16xf32>
          %max3A_547 = arith.constant 0.000000e+00 : f32
          %max3A_548 = vector.broadcast %max3A_547 : f32 to vector<16xf32>
          %max3A_549 = arith.maximumf %add3A_546, %max3A_548 : vector<16xf32>
          %min3A_550 = arith.constant 0.000000e+00 : f32
          %min3A_551 = vector.broadcast %min3A_550 : f32 to vector<16xf32>
          %min3A_552 = arith.minimumf %add3A_546, %min3A_551 : vector<16xf32>
          %mul3A_553 = arith.constant 2.000000e-01 : f32
          %mul3A_554 = vector.broadcast %mul3A_553 : f32 to vector<16xf32>
          %mul3A_555 = arith.mulf %mul3A_554, %min3A_552 : vector<16xf32>
          %add3A_556 = arith.addf %max3A_549, %mul3A_555 : vector<16xf32>
          %get3A_557 = arith.constant 208 : index
          %get3A_558 = tpu.vector_load %arg8[%get3A_557] {strides = array<i32>} : memref<512xf32, #tpu.memory_space<vmem>>, vector<16xf32>,
          %get3A_559 = vector.shape_cast %get3A_558 : vector<16xf32> to vector<16xf32>
          %mul3A_560 = arith.mulf %add3A_556, %get3A_559 : vector<16xf32>
          %add3A_561 = arith.addf %add3A_528, %mul3A_560 : vector<16xf32>
          %get3A_562 = arith.index_cast %scan3A_37 : i32 to index
          %get3A_563 = arith.constant 224 : index
          %get3A_564 = tpu.vector_load %arg7[%get3A_562, %get3A_563] {strides = array<i32>} : memref<48x512xf32, #tpu.memory_space<vmem>>, vector<1x16xf32>,
          %get3A_565 = vector.shape_cast %get3A_564 : vector<1x16xf32> to vector<16xf32>
          %add3A_566 = arith.constant 16 : i32
          %add3A_567 = arith.addi %add3A_566, %scan3A_37 : i32
          %get3A_568 = arith.index_cast %add3A_567 : i32 to index
          %get3A_569 = arith.constant 224 : index
          %get3A_570 = tpu.vector_load %arg7[%get3A_568, %get3A_569] {strides = array<i32>} : memref<48x512xf32, #tpu.memory_space<vmem>>, vector<1x16xf32>,
          %get3A_571 = vector.shape_cast %get3A_570 : vector<1x16xf32> to vector<16xf32>
          %add3A_572 = arith.addf %get3A_565, %get3A_571 : vector<16xf32>
          %add3A_573 = arith.constant 32 : i32
          %add3A_574 = arith.addi %add3A_573, %scan3A_37 : i32
          %get3A_575 = arith.index_cast %add3A_574 : i32 to index
          %get3A_576 = arith.constant 224 : index
          %get3A_577 = tpu.vector_load %arg7[%get3A_575, %get3A_576] {strides = array<i32>} : memref<48x512xf32, #tpu.memory_space<vmem>>, vector<1x16xf32>,
          %get3A_578 = vector.shape_cast %get3A_577 : vector<1x16xf32> to vector<16xf32>
          %add3A_579 = arith.addf %add3A_572, %get3A_578 : vector<16xf32>
          %max3A_580 = arith.constant 0.000000e+00 : f32
          %max3A_581 = vector.broadcast %max3A_580 : f32 to vector<16xf32>
          %max3A_582 = arith.maximumf %add3A_579, %max3A_581 : vector<16xf32>
          %min3A_583 = arith.constant 0.000000e+00 : f32
          %min3A_584 = vector.broadcast %min3A_583 : f32 to vector<16xf32>
          %min3A_585 = arith.minimumf %add3A_579, %min3A_584 : vector<16xf32>
          %mul3A_586 = arith.constant 2.000000e-01 : f32
          %mul3A_587 = vector.broadcast %mul3A_586 : f32 to vector<16xf32>
          %mul3A_588 = arith.mulf %mul3A_587, %min3A_585 : vector<16xf32>
          %add3A_589 = arith.addf %max3A_582, %mul3A_588 : vector<16xf32>
          %get3A_590 = arith.constant 224 : index
          %get3A_591 = tpu.vector_load %arg8[%get3A_590] {strides = array<i32>} : memref<512xf32, #tpu.memory_space<vmem>>, vector<16xf32>,
          %get3A_592 = vector.shape_cast %get3A_591 : vector<16xf32> to vector<16xf32>
          %mul3A_593 = arith.mulf %add3A_589, %get3A_592 : vector<16xf32>
          %add3A_594 = arith.addf %add3A_561, %mul3A_593 : vector<16xf32>
          %get3A_595 = arith.index_cast %scan3A_37 : i32 to index
          %get3A_596 = arith.constant 240 : index
          %get3A_597 = tpu.vector_load %arg7[%get3A_595, %get3A_596] {strides = array<i32>} : memref<48x512xf32, #tpu.memory_space<vmem>>, vector<1x16xf32>,
          %get3A_598 = vector.shape_cast %get3A_597 : vector<1x16xf32> to vector<16xf32>
          %add3A_599 = arith.constant 16 : i32
          %add3A_600 = arith.addi %add3A_599, %scan3A_37 : i32
          %get3A_601 = arith.index_cast %add3A_600 : i32 to index
          %get3A_602 = arith.constant 240 : index
          %get3A_603 = tpu.vector_load %arg7[%get3A_601, %get3A_602] {strides = array<i32>} : memref<48x512xf32, #tpu.memory_space<vmem>>, vector<1x16xf32>,
          %get3A_604 = vector.shape_cast %get3A_603 : vector<1x16xf32> to vector<16xf32>
          %add3A_605 = arith.addf %get3A_598, %get3A_604 : vector<16xf32>
          %add3A_606 = arith.constant 32 : i32
          %add3A_607 = arith.addi %add3A_606, %scan3A_37 : i32
          %get3A_608 = arith.index_cast %add3A_607 : i32 to index
          %get3A_609 = arith.constant 240 : index
          %get3A_610 = tpu.vector_load %arg7[%get3A_608, %get3A_609] {strides = array<i32>} : memref<48x512xf32, #tpu.memory_space<vmem>>, vector<1x16xf32>,
          %get3A_611 = vector.shape_cast %get3A_610 : vector<1x16xf32> to vector<16xf32>
          %add3A_612 = arith.addf %add3A_605, %get3A_611 : vector<16xf32>
          %max3A_613 = arith.constant 0.000000e+00 : f32
          %max3A_614 = vector.broadcast %max3A_613 : f32 to vector<16xf32>
          %max3A_615 = arith.maximumf %add3A_612, %max3A_614 : vector<16xf32>
          %min3A_616 = arith.constant 0.000000e+00 : f32
          %min3A_617 = vector.broadcast %min3A_616 : f32 to vector<16xf32>
          %min3A_618 = arith.minimumf %add3A_612, %min3A_617 : vector<16xf32>
          %mul3A_619 = arith.constant 2.000000e-01 : f32
          %mul3A_620 = vector.broadcast %mul3A_619 : f32 to vector<16xf32>
          %mul3A_621 = arith.mulf %mul3A_620, %min3A_618 : vector<16xf32>
          %add3A_622 = arith.addf %max3A_615, %mul3A_621 : vector<16xf32>
          %get3A_623 = arith.constant 240 : index
          %get3A_624 = tpu.vector_load %arg8[%get3A_623] {strides = array<i32>} : memref<512xf32, #tpu.memory_space<vmem>>, vector<16xf32>,
          %get3A_625 = vector.shape_cast %get3A_624 : vector<16xf32> to vector<16xf32>
          %mul3A_626 = arith.mulf %add3A_622, %get3A_625 : vector<16xf32>
          %add3A_627 = arith.addf %add3A_594, %mul3A_626 : vector<16xf32>
          %reshape3A_628 = vector.shape_cast %xor3A_2 : vector<16xi32> to vector<16x1xi32>
          %gather3A_629 = vector.shape_cast %reshape3A_628 : vector<16x1xi32> to vector<16xi32>
          %gather3A_630 = tpu.dynamic_gather %add3A_627[%gather3A_629] in [0] : vector<16xf32>, vector<16xi32> -> vector<16xf32>
          %add3A_631 = arith.addf %add3A_627, %gather3A_630 : vector<16xf32>
          %reshape3A_632 = vector.shape_cast %xor3A_5 : vector<16xi32> to vector<16x1xi32>
          %gather3A_633 = vector.shape_cast %reshape3A_632 : vector<16x1xi32> to vector<16xi32>
          %gather3A_634 = tpu.dynamic_gather %add3A_631[%gather3A_633] in [0] : vector<16xf32>, vector<16xi32> -> vector<16xf32>
          %add3A_635 = arith.addf %add3A_631, %gather3A_634 : vector<16xf32>
          %reshape3A_636 = vector.shape_cast %xor3A_8 : vector<16xi32> to vector<16x1xi32>
          %gather3A_637 = vector.shape_cast %reshape3A_636 : vector<16x1xi32> to vector<16xi32>
          %gather3A_638 = tpu.dynamic_gather %add3A_635[%gather3A_637] in [0] : vector<16xf32>, vector<16xi32> -> vector<16xf32>
          %add3A_639 = arith.addf %add3A_635, %gather3A_638 : vector<16xf32>
          %reshape3A_640 = vector.shape_cast %xor3A_11 : vector<16xi32> to vector<16x1xi32>
          %gather3A_641 = vector.shape_cast %reshape3A_640 : vector<16x1xi32> to vector<16xi32>
          %gather3A_642 = tpu.dynamic_gather %add3A_639[%gather3A_641] in [0] : vector<16xf32>, vector<16xi32> -> vector<16xf32>
          %add3A_643 = arith.addf %add3A_639, %gather3A_642 : vector<16xf32>
          %eq3A_644 = arith.constant 3 : i32
          %eq3A_645 = vector.broadcast %eq3A_644 : i32 to vector<16xi32>
          %eq3A_646 = arith.cmpi eq, %iota3A, %eq3A_645 : vector<16xi32>
          %select_n3A_647 = arith.select %eq3A_646, %add3A_643, %select_n3A_493 : vector<16xi1>, vector<16xf32>
          %broadcast_in_dim3A_648 = arith.constant 0.000000e+00 : f32
          %broadcast_in_dim3A_649 = vector.broadcast %broadcast_in_dim3A_648 : f32 to vector<16xf32>
          %get3A_650 = arith.index_cast %scan3A_37 : i32 to index
          %get3A_651 = arith.constant 256 : index
          %get3A_652 = tpu.vector_load %arg7[%get3A_650, %get3A_651] {strides = array<i32>} : memref<48x512xf32, #tpu.memory_space<vmem>>, vector<1x16xf32>,
          %get3A_653 = vector.shape_cast %get3A_652 : vector<1x16xf32> to vector<16xf32>
          %add3A_654 = arith.constant 16 : i32
          %add3A_655 = arith.addi %add3A_654, %scan3A_37 : i32
          %get3A_656 = arith.index_cast %add3A_655 : i32 to index
          %get3A_657 = arith.constant 256 : index
          %get3A_658 = tpu.vector_load %arg7[%get3A_656, %get3A_657] {strides = array<i32>} : memref<48x512xf32, #tpu.memory_space<vmem>>, vector<1x16xf32>,
          %get3A_659 = vector.shape_cast %get3A_658 : vector<1x16xf32> to vector<16xf32>
          %add3A_660 = arith.addf %get3A_653, %get3A_659 : vector<16xf32>
          %add3A_661 = arith.constant 32 : i32
          %add3A_662 = arith.addi %add3A_661, %scan3A_37 : i32
          %get3A_663 = arith.index_cast %add3A_662 : i32 to index
          %get3A_664 = arith.constant 256 : index
          %get3A_665 = tpu.vector_load %arg7[%get3A_663, %get3A_664] {strides = array<i32>} : memref<48x512xf32, #tpu.memory_space<vmem>>, vector<1x16xf32>,
          %get3A_666 = vector.shape_cast %get3A_665 : vector<1x16xf32> to vector<16xf32>
          %add3A_667 = arith.addf %add3A_660, %get3A_666 : vector<16xf32>
          %max3A_668 = arith.constant 0.000000e+00 : f32
          %max3A_669 = vector.broadcast %max3A_668 : f32 to vector<16xf32>
          %max3A_670 = arith.maximumf %add3A_667, %max3A_669 : vector<16xf32>
          %min3A_671 = arith.constant 0.000000e+00 : f32
          %min3A_672 = vector.broadcast %min3A_671 : f32 to vector<16xf32>
          %min3A_673 = arith.minimumf %add3A_667, %min3A_672 : vector<16xf32>
          %mul3A_674 = arith.constant 2.000000e-01 : f32
          %mul3A_675 = vector.broadcast %mul3A_674 : f32 to vector<16xf32>
          %mul3A_676 = arith.mulf %mul3A_675, %min3A_673 : vector<16xf32>
          %add3A_677 = arith.addf %max3A_670, %mul3A_676 : vector<16xf32>
          %get3A_678 = arith.constant 256 : index
          %get3A_679 = tpu.vector_load %arg8[%get3A_678] {strides = array<i32>} : memref<512xf32, #tpu.memory_space<vmem>>, vector<16xf32>,
          %get3A_680 = vector.shape_cast %get3A_679 : vector<16xf32> to vector<16xf32>
          %mul3A_681 = arith.mulf %add3A_677, %get3A_680 : vector<16xf32>
          %add3A_682 = arith.addf %broadcast_in_dim3A_649, %mul3A_681 : vector<16xf32>
          %get3A_683 = arith.index_cast %scan3A_37 : i32 to index
          %get3A_684 = arith.constant 272 : index
          %get3A_685 = tpu.vector_load %arg7[%get3A_683, %get3A_684] {strides = array<i32>} : memref<48x512xf32, #tpu.memory_space<vmem>>, vector<1x16xf32>,
          %get3A_686 = vector.shape_cast %get3A_685 : vector<1x16xf32> to vector<16xf32>
          %add3A_687 = arith.constant 16 : i32
          %add3A_688 = arith.addi %add3A_687, %scan3A_37 : i32
          %get3A_689 = arith.index_cast %add3A_688 : i32 to index
          %get3A_690 = arith.constant 272 : index
          %get3A_691 = tpu.vector_load %arg7[%get3A_689, %get3A_690] {strides = array<i32>} : memref<48x512xf32, #tpu.memory_space<vmem>>, vector<1x16xf32>,
          %get3A_692 = vector.shape_cast %get3A_691 : vector<1x16xf32> to vector<16xf32>
          %add3A_693 = arith.addf %get3A_686, %get3A_692 : vector<16xf32>
          %add3A_694 = arith.constant 32 : i32
          %add3A_695 = arith.addi %add3A_694, %scan3A_37 : i32
          %get3A_696 = arith.index_cast %add3A_695 : i32 to index
          %get3A_697 = arith.constant 272 : index
          %get3A_698 = tpu.vector_load %arg7[%get3A_696, %get3A_697] {strides = array<i32>} : memref<48x512xf32, #tpu.memory_space<vmem>>, vector<1x16xf32>,
          %get3A_699 = vector.shape_cast %get3A_698 : vector<1x16xf32> to vector<16xf32>
          %add3A_700 = arith.addf %add3A_693, %get3A_699 : vector<16xf32>
          %max3A_701 = arith.constant 0.000000e+00 : f32
          %max3A_702 = vector.broadcast %max3A_701 : f32 to vector<16xf32>
          %max3A_703 = arith.maximumf %add3A_700, %max3A_702 : vector<16xf32>
          %min3A_704 = arith.constant 0.000000e+00 : f32
          %min3A_705 = vector.broadcast %min3A_704 : f32 to vector<16xf32>
          %min3A_706 = arith.minimumf %add3A_700, %min3A_705 : vector<16xf32>
          %mul3A_707 = arith.constant 2.000000e-01 : f32
          %mul3A_708 = vector.broadcast %mul3A_707 : f32 to vector<16xf32>
          %mul3A_709 = arith.mulf %mul3A_708, %min3A_706 : vector<16xf32>
          %add3A_710 = arith.addf %max3A_703, %mul3A_709 : vector<16xf32>
          %get3A_711 = arith.constant 272 : index
          %get3A_712 = tpu.vector_load %arg8[%get3A_711] {strides = array<i32>} : memref<512xf32, #tpu.memory_space<vmem>>, vector<16xf32>,
          %get3A_713 = vector.shape_cast %get3A_712 : vector<16xf32> to vector<16xf32>
          %mul3A_714 = arith.mulf %add3A_710, %get3A_713 : vector<16xf32>
          %add3A_715 = arith.addf %add3A_682, %mul3A_714 : vector<16xf32>
          %get3A_716 = arith.index_cast %scan3A_37 : i32 to index
          %get3A_717 = arith.constant 288 : index
          %get3A_718 = tpu.vector_load %arg7[%get3A_716, %get3A_717] {strides = array<i32>} : memref<48x512xf32, #tpu.memory_space<vmem>>, vector<1x16xf32>,
          %get3A_719 = vector.shape_cast %get3A_718 : vector<1x16xf32> to vector<16xf32>
          %add3A_720 = arith.constant 16 : i32
          %add3A_721 = arith.addi %add3A_720, %scan3A_37 : i32
          %get3A_722 = arith.index_cast %add3A_721 : i32 to index
          %get3A_723 = arith.constant 288 : index
          %get3A_724 = tpu.vector_load %arg7[%get3A_722, %get3A_723] {strides = array<i32>} : memref<48x512xf32, #tpu.memory_space<vmem>>, vector<1x16xf32>,
          %get3A_725 = vector.shape_cast %get3A_724 : vector<1x16xf32> to vector<16xf32>
          %add3A_726 = arith.addf %get3A_719, %get3A_725 : vector<16xf32>
          %add3A_727 = arith.constant 32 : i32
          %add3A_728 = arith.addi %add3A_727, %scan3A_37 : i32
          %get3A_729 = arith.index_cast %add3A_728 : i32 to index
          %get3A_730 = arith.constant 288 : index
          %get3A_731 = tpu.vector_load %arg7[%get3A_729, %get3A_730] {strides = array<i32>} : memref<48x512xf32, #tpu.memory_space<vmem>>, vector<1x16xf32>,
          %get3A_732 = vector.shape_cast %get3A_731 : vector<1x16xf32> to vector<16xf32>
          %add3A_733 = arith.addf %add3A_726, %get3A_732 : vector<16xf32>
          %max3A_734 = arith.constant 0.000000e+00 : f32
          %max3A_735 = vector.broadcast %max3A_734 : f32 to vector<16xf32>
          %max3A_736 = arith.maximumf %add3A_733, %max3A_735 : vector<16xf32>
          %min3A_737 = arith.constant 0.000000e+00 : f32
          %min3A_738 = vector.broadcast %min3A_737 : f32 to vector<16xf32>
          %min3A_739 = arith.minimumf %add3A_733, %min3A_738 : vector<16xf32>
          %mul3A_740 = arith.constant 2.000000e-01 : f32
          %mul3A_741 = vector.broadcast %mul3A_740 : f32 to vector<16xf32>
          %mul3A_742 = arith.mulf %mul3A_741, %min3A_739 : vector<16xf32>
          %add3A_743 = arith.addf %max3A_736, %mul3A_742 : vector<16xf32>
          %get3A_744 = arith.constant 288 : index
          %get3A_745 = tpu.vector_load %arg8[%get3A_744] {strides = array<i32>} : memref<512xf32, #tpu.memory_space<vmem>>, vector<16xf32>,
          %get3A_746 = vector.shape_cast %get3A_745 : vector<16xf32> to vector<16xf32>
          %mul3A_747 = arith.mulf %add3A_743, %get3A_746 : vector<16xf32>
          %add3A_748 = arith.addf %add3A_715, %mul3A_747 : vector<16xf32>
          %get3A_749 = arith.index_cast %scan3A_37 : i32 to index
          %get3A_750 = arith.constant 304 : index
          %get3A_751 = tpu.vector_load %arg7[%get3A_749, %get3A_750] {strides = array<i32>} : memref<48x512xf32, #tpu.memory_space<vmem>>, vector<1x16xf32>,
          %get3A_752 = vector.shape_cast %get3A_751 : vector<1x16xf32> to vector<16xf32>
          %add3A_753 = arith.constant 16 : i32
          %add3A_754 = arith.addi %add3A_753, %scan3A_37 : i32
          %get3A_755 = arith.index_cast %add3A_754 : i32 to index
          %get3A_756 = arith.constant 304 : index
          %get3A_757 = tpu.vector_load %arg7[%get3A_755, %get3A_756] {strides = array<i32>} : memref<48x512xf32, #tpu.memory_space<vmem>>, vector<1x16xf32>,
          %get3A_758 = vector.shape_cast %get3A_757 : vector<1x16xf32> to vector<16xf32>
          %add3A_759 = arith.addf %get3A_752, %get3A_758 : vector<16xf32>
          %add3A_760 = arith.constant 32 : i32
          %add3A_761 = arith.addi %add3A_760, %scan3A_37 : i32
          %get3A_762 = arith.index_cast %add3A_761 : i32 to index
          %get3A_763 = arith.constant 304 : index
          %get3A_764 = tpu.vector_load %arg7[%get3A_762, %get3A_763] {strides = array<i32>} : memref<48x512xf32, #tpu.memory_space<vmem>>, vector<1x16xf32>,
          %get3A_765 = vector.shape_cast %get3A_764 : vector<1x16xf32> to vector<16xf32>
          %add3A_766 = arith.addf %add3A_759, %get3A_765 : vector<16xf32>
          %max3A_767 = arith.constant 0.000000e+00 : f32
          %max3A_768 = vector.broadcast %max3A_767 : f32 to vector<16xf32>
          %max3A_769 = arith.maximumf %add3A_766, %max3A_768 : vector<16xf32>
          %min3A_770 = arith.constant 0.000000e+00 : f32
          %min3A_771 = vector.broadcast %min3A_770 : f32 to vector<16xf32>
          %min3A_772 = arith.minimumf %add3A_766, %min3A_771 : vector<16xf32>
          %mul3A_773 = arith.constant 2.000000e-01 : f32
          %mul3A_774 = vector.broadcast %mul3A_773 : f32 to vector<16xf32>
          %mul3A_775 = arith.mulf %mul3A_774, %min3A_772 : vector<16xf32>
          %add3A_776 = arith.addf %max3A_769, %mul3A_775 : vector<16xf32>
          %get3A_777 = arith.constant 304 : index
          %get3A_778 = tpu.vector_load %arg8[%get3A_777] {strides = array<i32>} : memref<512xf32, #tpu.memory_space<vmem>>, vector<16xf32>,
          %get3A_779 = vector.shape_cast %get3A_778 : vector<16xf32> to vector<16xf32>
          %mul3A_780 = arith.mulf %add3A_776, %get3A_779 : vector<16xf32>
          %add3A_781 = arith.addf %add3A_748, %mul3A_780 : vector<16xf32>
          %reshape3A_782 = vector.shape_cast %xor3A_2 : vector<16xi32> to vector<16x1xi32>
          %gather3A_783 = vector.shape_cast %reshape3A_782 : vector<16x1xi32> to vector<16xi32>
          %gather3A_784 = tpu.dynamic_gather %add3A_781[%gather3A_783] in [0] : vector<16xf32>, vector<16xi32> -> vector<16xf32>
          %add3A_785 = arith.addf %add3A_781, %gather3A_784 : vector<16xf32>
          %reshape3A_786 = vector.shape_cast %xor3A_5 : vector<16xi32> to vector<16x1xi32>
          %gather3A_787 = vector.shape_cast %reshape3A_786 : vector<16x1xi32> to vector<16xi32>
          %gather3A_788 = tpu.dynamic_gather %add3A_785[%gather3A_787] in [0] : vector<16xf32>, vector<16xi32> -> vector<16xf32>
          %add3A_789 = arith.addf %add3A_785, %gather3A_788 : vector<16xf32>
          %reshape3A_790 = vector.shape_cast %xor3A_8 : vector<16xi32> to vector<16x1xi32>
          %gather3A_791 = vector.shape_cast %reshape3A_790 : vector<16x1xi32> to vector<16xi32>
          %gather3A_792 = tpu.dynamic_gather %add3A_789[%gather3A_791] in [0] : vector<16xf32>, vector<16xi32> -> vector<16xf32>
          %add3A_793 = arith.addf %add3A_789, %gather3A_792 : vector<16xf32>
          %reshape3A_794 = vector.shape_cast %xor3A_11 : vector<16xi32> to vector<16x1xi32>
          %gather3A_795 = vector.shape_cast %reshape3A_794 : vector<16x1xi32> to vector<16xi32>
          %gather3A_796 = tpu.dynamic_gather %add3A_793[%gather3A_795] in [0] : vector<16xf32>, vector<16xi32> -> vector<16xf32>
          %add3A_797 = arith.addf %add3A_793, %gather3A_796 : vector<16xf32>
          %eq3A_798 = arith.constant 4 : i32
          %eq3A_799 = vector.broadcast %eq3A_798 : i32 to vector<16xi32>
          %eq3A_800 = arith.cmpi eq, %iota3A, %eq3A_799 : vector<16xi32>
          %select_n3A_801 = arith.select %eq3A_800, %add3A_797, %select_n3A_647 : vector<16xi1>, vector<16xf32>
          %broadcast_in_dim3A_802 = arith.constant 0.000000e+00 : f32
          %broadcast_in_dim3A_803 = vector.broadcast %broadcast_in_dim3A_802 : f32 to vector<16xf32>
          %get3A_804 = arith.index_cast %scan3A_37 : i32 to index
          %get3A_805 = arith.constant 320 : index
          %get3A_806 = tpu.vector_load %arg7[%get3A_804, %get3A_805] {strides = array<i32>} : memref<48x512xf32, #tpu.memory_space<vmem>>, vector<1x16xf32>,
          %get3A_807 = vector.shape_cast %get3A_806 : vector<1x16xf32> to vector<16xf32>
          %add3A_808 = arith.constant 16 : i32
          %add3A_809 = arith.addi %add3A_808, %scan3A_37 : i32
          %get3A_810 = arith.index_cast %add3A_809 : i32 to index
          %get3A_811 = arith.constant 320 : index
          %get3A_812 = tpu.vector_load %arg7[%get3A_810, %get3A_811] {strides = array<i32>} : memref<48x512xf32, #tpu.memory_space<vmem>>, vector<1x16xf32>,
          %get3A_813 = vector.shape_cast %get3A_812 : vector<1x16xf32> to vector<16xf32>
          %add3A_814 = arith.addf %get3A_807, %get3A_813 : vector<16xf32>
          %add3A_815 = arith.constant 32 : i32
          %add3A_816 = arith.addi %add3A_815, %scan3A_37 : i32
          %get3A_817 = arith.index_cast %add3A_816 : i32 to index
          %get3A_818 = arith.constant 320 : index
          %get3A_819 = tpu.vector_load %arg7[%get3A_817, %get3A_818] {strides = array<i32>} : memref<48x512xf32, #tpu.memory_space<vmem>>, vector<1x16xf32>,
          %get3A_820 = vector.shape_cast %get3A_819 : vector<1x16xf32> to vector<16xf32>
          %add3A_821 = arith.addf %add3A_814, %get3A_820 : vector<16xf32>
          %max3A_822 = arith.constant 0.000000e+00 : f32
          %max3A_823 = vector.broadcast %max3A_822 : f32 to vector<16xf32>
          %max3A_824 = arith.maximumf %add3A_821, %max3A_823 : vector<16xf32>
          %min3A_825 = arith.constant 0.000000e+00 : f32
          %min3A_826 = vector.broadcast %min3A_825 : f32 to vector<16xf32>
          %min3A_827 = arith.minimumf %add3A_821, %min3A_826 : vector<16xf32>
          %mul3A_828 = arith.constant 2.000000e-01 : f32
          %mul3A_829 = vector.broadcast %mul3A_828 : f32 to vector<16xf32>
          %mul3A_830 = arith.mulf %mul3A_829, %min3A_827 : vector<16xf32>
          %add3A_831 = arith.addf %max3A_824, %mul3A_830 : vector<16xf32>
          %get3A_832 = arith.constant 320 : index
          %get3A_833 = tpu.vector_load %arg8[%get3A_832] {strides = array<i32>} : memref<512xf32, #tpu.memory_space<vmem>>, vector<16xf32>,
          %get3A_834 = vector.shape_cast %get3A_833 : vector<16xf32> to vector<16xf32>
          %mul3A_835 = arith.mulf %add3A_831, %get3A_834 : vector<16xf32>
          %add3A_836 = arith.addf %broadcast_in_dim3A_803, %mul3A_835 : vector<16xf32>
          %get3A_837 = arith.index_cast %scan3A_37 : i32 to index
          %get3A_838 = arith.constant 336 : index
          %get3A_839 = tpu.vector_load %arg7[%get3A_837, %get3A_838] {strides = array<i32>} : memref<48x512xf32, #tpu.memory_space<vmem>>, vector<1x16xf32>,
          %get3A_840 = vector.shape_cast %get3A_839 : vector<1x16xf32> to vector<16xf32>
          %add3A_841 = arith.constant 16 : i32
          %add3A_842 = arith.addi %add3A_841, %scan3A_37 : i32
          %get3A_843 = arith.index_cast %add3A_842 : i32 to index
          %get3A_844 = arith.constant 336 : index
          %get3A_845 = tpu.vector_load %arg7[%get3A_843, %get3A_844] {strides = array<i32>} : memref<48x512xf32, #tpu.memory_space<vmem>>, vector<1x16xf32>,
          %get3A_846 = vector.shape_cast %get3A_845 : vector<1x16xf32> to vector<16xf32>
          %add3A_847 = arith.addf %get3A_840, %get3A_846 : vector<16xf32>
          %add3A_848 = arith.constant 32 : i32
          %add3A_849 = arith.addi %add3A_848, %scan3A_37 : i32
          %get3A_850 = arith.index_cast %add3A_849 : i32 to index
          %get3A_851 = arith.constant 336 : index
          %get3A_852 = tpu.vector_load %arg7[%get3A_850, %get3A_851] {strides = array<i32>} : memref<48x512xf32, #tpu.memory_space<vmem>>, vector<1x16xf32>,
          %get3A_853 = vector.shape_cast %get3A_852 : vector<1x16xf32> to vector<16xf32>
          %add3A_854 = arith.addf %add3A_847, %get3A_853 : vector<16xf32>
          %max3A_855 = arith.constant 0.000000e+00 : f32
          %max3A_856 = vector.broadcast %max3A_855 : f32 to vector<16xf32>
          %max3A_857 = arith.maximumf %add3A_854, %max3A_856 : vector<16xf32>
          %min3A_858 = arith.constant 0.000000e+00 : f32
          %min3A_859 = vector.broadcast %min3A_858 : f32 to vector<16xf32>
          %min3A_860 = arith.minimumf %add3A_854, %min3A_859 : vector<16xf32>
          %mul3A_861 = arith.constant 2.000000e-01 : f32
          %mul3A_862 = vector.broadcast %mul3A_861 : f32 to vector<16xf32>
          %mul3A_863 = arith.mulf %mul3A_862, %min3A_860 : vector<16xf32>
          %add3A_864 = arith.addf %max3A_857, %mul3A_863 : vector<16xf32>
          %get3A_865 = arith.constant 336 : index
          %get3A_866 = tpu.vector_load %arg8[%get3A_865] {strides = array<i32>} : memref<512xf32, #tpu.memory_space<vmem>>, vector<16xf32>,
          %get3A_867 = vector.shape_cast %get3A_866 : vector<16xf32> to vector<16xf32>
          %mul3A_868 = arith.mulf %add3A_864, %get3A_867 : vector<16xf32>
          %add3A_869 = arith.addf %add3A_836, %mul3A_868 : vector<16xf32>
          %get3A_870 = arith.index_cast %scan3A_37 : i32 to index
          %get3A_871 = arith.constant 352 : index
          %get3A_872 = tpu.vector_load %arg7[%get3A_870, %get3A_871] {strides = array<i32>} : memref<48x512xf32, #tpu.memory_space<vmem>>, vector<1x16xf32>,
          %get3A_873 = vector.shape_cast %get3A_872 : vector<1x16xf32> to vector<16xf32>
          %add3A_874 = arith.constant 16 : i32
          %add3A_875 = arith.addi %add3A_874, %scan3A_37 : i32
          %get3A_876 = arith.index_cast %add3A_875 : i32 to index
          %get3A_877 = arith.constant 352 : index
          %get3A_878 = tpu.vector_load %arg7[%get3A_876, %get3A_877] {strides = array<i32>} : memref<48x512xf32, #tpu.memory_space<vmem>>, vector<1x16xf32>,
          %get3A_879 = vector.shape_cast %get3A_878 : vector<1x16xf32> to vector<16xf32>
          %add3A_880 = arith.addf %get3A_873, %get3A_879 : vector<16xf32>
          %add3A_881 = arith.constant 32 : i32
          %add3A_882 = arith.addi %add3A_881, %scan3A_37 : i32
          %get3A_883 = arith.index_cast %add3A_882 : i32 to index
          %get3A_884 = arith.constant 352 : index
          %get3A_885 = tpu.vector_load %arg7[%get3A_883, %get3A_884] {strides = array<i32>} : memref<48x512xf32, #tpu.memory_space<vmem>>, vector<1x16xf32>,
          %get3A_886 = vector.shape_cast %get3A_885 : vector<1x16xf32> to vector<16xf32>
          %add3A_887 = arith.addf %add3A_880, %get3A_886 : vector<16xf32>
          %max3A_888 = arith.constant 0.000000e+00 : f32
          %max3A_889 = vector.broadcast %max3A_888 : f32 to vector<16xf32>
          %max3A_890 = arith.maximumf %add3A_887, %max3A_889 : vector<16xf32>
          %min3A_891 = arith.constant 0.000000e+00 : f32
          %min3A_892 = vector.broadcast %min3A_891 : f32 to vector<16xf32>
          %min3A_893 = arith.minimumf %add3A_887, %min3A_892 : vector<16xf32>
          %mul3A_894 = arith.constant 2.000000e-01 : f32
          %mul3A_895 = vector.broadcast %mul3A_894 : f32 to vector<16xf32>
          %mul3A_896 = arith.mulf %mul3A_895, %min3A_893 : vector<16xf32>
          %add3A_897 = arith.addf %max3A_890, %mul3A_896 : vector<16xf32>
          %get3A_898 = arith.constant 352 : index
          %get3A_899 = tpu.vector_load %arg8[%get3A_898] {strides = array<i32>} : memref<512xf32, #tpu.memory_space<vmem>>, vector<16xf32>,
          %get3A_900 = vector.shape_cast %get3A_899 : vector<16xf32> to vector<16xf32>
          %mul3A_901 = arith.mulf %add3A_897, %get3A_900 : vector<16xf32>
          %add3A_902 = arith.addf %add3A_869, %mul3A_901 : vector<16xf32>
          %get3A_903 = arith.index_cast %scan3A_37 : i32 to index
          %get3A_904 = arith.constant 368 : index
          %get3A_905 = tpu.vector_load %arg7[%get3A_903, %get3A_904] {strides = array<i32>} : memref<48x512xf32, #tpu.memory_space<vmem>>, vector<1x16xf32>,
          %get3A_906 = vector.shape_cast %get3A_905 : vector<1x16xf32> to vector<16xf32>
          %add3A_907 = arith.constant 16 : i32
          %add3A_908 = arith.addi %add3A_907, %scan3A_37 : i32
          %get3A_909 = arith.index_cast %add3A_908 : i32 to index
          %get3A_910 = arith.constant 368 : index
          %get3A_911 = tpu.vector_load %arg7[%get3A_909, %get3A_910] {strides = array<i32>} : memref<48x512xf32, #tpu.memory_space<vmem>>, vector<1x16xf32>,
          %get3A_912 = vector.shape_cast %get3A_911 : vector<1x16xf32> to vector<16xf32>
          %add3A_913 = arith.addf %get3A_906, %get3A_912 : vector<16xf32>
          %add3A_914 = arith.constant 32 : i32
          %add3A_915 = arith.addi %add3A_914, %scan3A_37 : i32
          %get3A_916 = arith.index_cast %add3A_915 : i32 to index
          %get3A_917 = arith.constant 368 : index
          %get3A_918 = tpu.vector_load %arg7[%get3A_916, %get3A_917] {strides = array<i32>} : memref<48x512xf32, #tpu.memory_space<vmem>>, vector<1x16xf32>,
          %get3A_919 = vector.shape_cast %get3A_918 : vector<1x16xf32> to vector<16xf32>
          %add3A_920 = arith.addf %add3A_913, %get3A_919 : vector<16xf32>
          %max3A_921 = arith.constant 0.000000e+00 : f32
          %max3A_922 = vector.broadcast %max3A_921 : f32 to vector<16xf32>
          %max3A_923 = arith.maximumf %add3A_920, %max3A_922 : vector<16xf32>
          %min3A_924 = arith.constant 0.000000e+00 : f32
          %min3A_925 = vector.broadcast %min3A_924 : f32 to vector<16xf32>
          %min3A_926 = arith.minimumf %add3A_920, %min3A_925 : vector<16xf32>
          %mul3A_927 = arith.constant 2.000000e-01 : f32
          %mul3A_928 = vector.broadcast %mul3A_927 : f32 to vector<16xf32>
          %mul3A_929 = arith.mulf %mul3A_928, %min3A_926 : vector<16xf32>
          %add3A_930 = arith.addf %max3A_923, %mul3A_929 : vector<16xf32>
          %get3A_931 = arith.constant 368 : index
          %get3A_932 = tpu.vector_load %arg8[%get3A_931] {strides = array<i32>} : memref<512xf32, #tpu.memory_space<vmem>>, vector<16xf32>,
          %get3A_933 = vector.shape_cast %get3A_932 : vector<16xf32> to vector<16xf32>
          %mul3A_934 = arith.mulf %add3A_930, %get3A_933 : vector<16xf32>
          %add3A_935 = arith.addf %add3A_902, %mul3A_934 : vector<16xf32>
          %reshape3A_936 = vector.shape_cast %xor3A_2 : vector<16xi32> to vector<16x1xi32>
          %gather3A_937 = vector.shape_cast %reshape3A_936 : vector<16x1xi32> to vector<16xi32>
          %gather3A_938 = tpu.dynamic_gather %add3A_935[%gather3A_937] in [0] : vector<16xf32>, vector<16xi32> -> vector<16xf32>
          %add3A_939 = arith.addf %add3A_935, %gather3A_938 : vector<16xf32>
          %reshape3A_940 = vector.shape_cast %xor3A_5 : vector<16xi32> to vector<16x1xi32>
          %gather3A_941 = vector.shape_cast %reshape3A_940 : vector<16x1xi32> to vector<16xi32>
          %gather3A_942 = tpu.dynamic_gather %add3A_939[%gather3A_941] in [0] : vector<16xf32>, vector<16xi32> -> vector<16xf32>
          %add3A_943 = arith.addf %add3A_939, %gather3A_942 : vector<16xf32>
          %reshape3A_944 = vector.shape_cast %xor3A_8 : vector<16xi32> to vector<16x1xi32>
          %gather3A_945 = vector.shape_cast %reshape3A_944 : vector<16x1xi32> to vector<16xi32>
          %gather3A_946 = tpu.dynamic_gather %add3A_943[%gather3A_945] in [0] : vector<16xf32>, vector<16xi32> -> vector<16xf32>
          %add3A_947 = arith.addf %add3A_943, %gather3A_946 : vector<16xf32>
          %reshape3A_948 = vector.shape_cast %xor3A_11 : vector<16xi32> to vector<16x1xi32>
          %gather3A_949 = vector.shape_cast %reshape3A_948 : vector<16x1xi32> to vector<16xi32>
          %gather3A_950 = tpu.dynamic_gather %add3A_947[%gather3A_949] in [0] : vector<16xf32>, vector<16xi32> -> vector<16xf32>
          %add3A_951 = arith.addf %add3A_947, %gather3A_950 : vector<16xf32>
          %eq3A_952 = arith.constant 5 : i32
          %eq3A_953 = vector.broadcast %eq3A_952 : i32 to vector<16xi32>
          %eq3A_954 = arith.cmpi eq, %iota3A, %eq3A_953 : vector<16xi32>
          %select_n3A_955 = arith.select %eq3A_954, %add3A_951, %select_n3A_801 : vector<16xi1>, vector<16xf32>
          %broadcast_in_dim3A_956 = arith.constant 0.000000e+00 : f32
          %broadcast_in_dim3A_957 = vector.broadcast %broadcast_in_dim3A_956 : f32 to vector<16xf32>
          %get3A_958 = arith.index_cast %scan3A_37 : i32 to index
          %get3A_959 = arith.constant 384 : index
          %get3A_960 = tpu.vector_load %arg7[%get3A_958, %get3A_959] {strides = array<i32>} : memref<48x512xf32, #tpu.memory_space<vmem>>, vector<1x16xf32>,
          %get3A_961 = vector.shape_cast %get3A_960 : vector<1x16xf32> to vector<16xf32>
          %add3A_962 = arith.constant 16 : i32
          %add3A_963 = arith.addi %add3A_962, %scan3A_37 : i32
          %get3A_964 = arith.index_cast %add3A_963 : i32 to index
          %get3A_965 = arith.constant 384 : index
          %get3A_966 = tpu.vector_load %arg7[%get3A_964, %get3A_965] {strides = array<i32>} : memref<48x512xf32, #tpu.memory_space<vmem>>, vector<1x16xf32>,
          %get3A_967 = vector.shape_cast %get3A_966 : vector<1x16xf32> to vector<16xf32>
          %add3A_968 = arith.addf %get3A_961, %get3A_967 : vector<16xf32>
          %add3A_969 = arith.constant 32 : i32
          %add3A_970 = arith.addi %add3A_969, %scan3A_37 : i32
          %get3A_971 = arith.index_cast %add3A_970 : i32 to index
          %get3A_972 = arith.constant 384 : index
          %get3A_973 = tpu.vector_load %arg7[%get3A_971, %get3A_972] {strides = array<i32>} : memref<48x512xf32, #tpu.memory_space<vmem>>, vector<1x16xf32>,
          %get3A_974 = vector.shape_cast %get3A_973 : vector<1x16xf32> to vector<16xf32>
          %add3A_975 = arith.addf %add3A_968, %get3A_974 : vector<16xf32>
          %max3A_976 = arith.constant 0.000000e+00 : f32
          %max3A_977 = vector.broadcast %max3A_976 : f32 to vector<16xf32>
          %max3A_978 = arith.maximumf %add3A_975, %max3A_977 : vector<16xf32>
          %min3A_979 = arith.constant 0.000000e+00 : f32
          %min3A_980 = vector.broadcast %min3A_979 : f32 to vector<16xf32>
          %min3A_981 = arith.minimumf %add3A_975, %min3A_980 : vector<16xf32>
          %mul3A_982 = arith.constant 2.000000e-01 : f32
          %mul3A_983 = vector.broadcast %mul3A_982 : f32 to vector<16xf32>
          %mul3A_984 = arith.mulf %mul3A_983, %min3A_981 : vector<16xf32>
          %add3A_985 = arith.addf %max3A_978, %mul3A_984 : vector<16xf32>
          %get3A_986 = arith.constant 384 : index
          %get3A_987 = tpu.vector_load %arg8[%get3A_986] {strides = array<i32>} : memref<512xf32, #tpu.memory_space<vmem>>, vector<16xf32>,
          %get3A_988 = vector.shape_cast %get3A_987 : vector<16xf32> to vector<16xf32>
          %mul3A_989 = arith.mulf %add3A_985, %get3A_988 : vector<16xf32>
          %add3A_990 = arith.addf %broadcast_in_dim3A_957, %mul3A_989 : vector<16xf32>
          %get3A_991 = arith.index_cast %scan3A_37 : i32 to index
          %get3A_992 = arith.constant 400 : index
          %get3A_993 = tpu.vector_load %arg7[%get3A_991, %get3A_992] {strides = array<i32>} : memref<48x512xf32, #tpu.memory_space<vmem>>, vector<1x16xf32>,
          %get3A_994 = vector.shape_cast %get3A_993 : vector<1x16xf32> to vector<16xf32>
          %add3A_995 = arith.constant 16 : i32
          %add3A_996 = arith.addi %add3A_995, %scan3A_37 : i32
          %get3A_997 = arith.index_cast %add3A_996 : i32 to index
          %get3A_998 = arith.constant 400 : index
          %get3A_999 = tpu.vector_load %arg7[%get3A_997, %get3A_998] {strides = array<i32>} : memref<48x512xf32, #tpu.memory_space<vmem>>, vector<1x16xf32>,
          %get3A_1000 = vector.shape_cast %get3A_999 : vector<1x16xf32> to vector<16xf32>
          %add3A_1001 = arith.addf %get3A_994, %get3A_1000 : vector<16xf32>
          %add3A_1002 = arith.constant 32 : i32
          %add3A_1003 = arith.addi %add3A_1002, %scan3A_37 : i32
          %get3A_1004 = arith.index_cast %add3A_1003 : i32 to index
          %get3A_1005 = arith.constant 400 : index
          %get3A_1006 = tpu.vector_load %arg7[%get3A_1004, %get3A_1005] {strides = array<i32>} : memref<48x512xf32, #tpu.memory_space<vmem>>, vector<1x16xf32>,
          %get3A_1007 = vector.shape_cast %get3A_1006 : vector<1x16xf32> to vector<16xf32>
          %add3A_1008 = arith.addf %add3A_1001, %get3A_1007 : vector<16xf32>
          %max3A_1009 = arith.constant 0.000000e+00 : f32
          %max3A_1010 = vector.broadcast %max3A_1009 : f32 to vector<16xf32>
          %max3A_1011 = arith.maximumf %add3A_1008, %max3A_1010 : vector<16xf32>
          %min3A_1012 = arith.constant 0.000000e+00 : f32
          %min3A_1013 = vector.broadcast %min3A_1012 : f32 to vector<16xf32>
          %min3A_1014 = arith.minimumf %add3A_1008, %min3A_1013 : vector<16xf32>
          %mul3A_1015 = arith.constant 2.000000e-01 : f32
          %mul3A_1016 = vector.broadcast %mul3A_1015 : f32 to vector<16xf32>
          %mul3A_1017 = arith.mulf %mul3A_1016, %min3A_1014 : vector<16xf32>
          %add3A_1018 = arith.addf %max3A_1011, %mul3A_1017 : vector<16xf32>
          %get3A_1019 = arith.constant 400 : index
          %get3A_1020 = tpu.vector_load %arg8[%get3A_1019] {strides = array<i32>} : memref<512xf32, #tpu.memory_space<vmem>>, vector<16xf32>,
          %get3A_1021 = vector.shape_cast %get3A_1020 : vector<16xf32> to vector<16xf32>
          %mul3A_1022 = arith.mulf %add3A_1018, %get3A_1021 : vector<16xf32>
          %add3A_1023 = arith.addf %add3A_990, %mul3A_1022 : vector<16xf32>
          %get3A_1024 = arith.index_cast %scan3A_37 : i32 to index
          %get3A_1025 = arith.constant 416 : index
          %get3A_1026 = tpu.vector_load %arg7[%get3A_1024, %get3A_1025] {strides = array<i32>} : memref<48x512xf32, #tpu.memory_space<vmem>>, vector<1x16xf32>,
          %get3A_1027 = vector.shape_cast %get3A_1026 : vector<1x16xf32> to vector<16xf32>
          %add3A_1028 = arith.constant 16 : i32
          %add3A_1029 = arith.addi %add3A_1028, %scan3A_37 : i32
          %get3A_1030 = arith.index_cast %add3A_1029 : i32 to index
          %get3A_1031 = arith.constant 416 : index
          %get3A_1032 = tpu.vector_load %arg7[%get3A_1030, %get3A_1031] {strides = array<i32>} : memref<48x512xf32, #tpu.memory_space<vmem>>, vector<1x16xf32>,
          %get3A_1033 = vector.shape_cast %get3A_1032 : vector<1x16xf32> to vector<16xf32>
          %add3A_1034 = arith.addf %get3A_1027, %get3A_1033 : vector<16xf32>
          %add3A_1035 = arith.constant 32 : i32
          %add3A_1036 = arith.addi %add3A_1035, %scan3A_37 : i32
          %get3A_1037 = arith.index_cast %add3A_1036 : i32 to index
          %get3A_1038 = arith.constant 416 : index
          %get3A_1039 = tpu.vector_load %arg7[%get3A_1037, %get3A_1038] {strides = array<i32>} : memref<48x512xf32, #tpu.memory_space<vmem>>, vector<1x16xf32>,
          %get3A_1040 = vector.shape_cast %get3A_1039 : vector<1x16xf32> to vector<16xf32>
          %add3A_1041 = arith.addf %add3A_1034, %get3A_1040 : vector<16xf32>
          %max3A_1042 = arith.constant 0.000000e+00 : f32
          %max3A_1043 = vector.broadcast %max3A_1042 : f32 to vector<16xf32>
          %max3A_1044 = arith.maximumf %add3A_1041, %max3A_1043 : vector<16xf32>
          %min3A_1045 = arith.constant 0.000000e+00 : f32
          %min3A_1046 = vector.broadcast %min3A_1045 : f32 to vector<16xf32>
          %min3A_1047 = arith.minimumf %add3A_1041, %min3A_1046 : vector<16xf32>
          %mul3A_1048 = arith.constant 2.000000e-01 : f32
          %mul3A_1049 = vector.broadcast %mul3A_1048 : f32 to vector<16xf32>
          %mul3A_1050 = arith.mulf %mul3A_1049, %min3A_1047 : vector<16xf32>
          %add3A_1051 = arith.addf %max3A_1044, %mul3A_1050 : vector<16xf32>
          %get3A_1052 = arith.constant 416 : index
          %get3A_1053 = tpu.vector_load %arg8[%get3A_1052] {strides = array<i32>} : memref<512xf32, #tpu.memory_space<vmem>>, vector<16xf32>,
          %get3A_1054 = vector.shape_cast %get3A_1053 : vector<16xf32> to vector<16xf32>
          %mul3A_1055 = arith.mulf %add3A_1051, %get3A_1054 : vector<16xf32>
          %add3A_1056 = arith.addf %add3A_1023, %mul3A_1055 : vector<16xf32>
          %get3A_1057 = arith.index_cast %scan3A_37 : i32 to index
          %get3A_1058 = arith.constant 432 : index
          %get3A_1059 = tpu.vector_load %arg7[%get3A_1057, %get3A_1058] {strides = array<i32>} : memref<48x512xf32, #tpu.memory_space<vmem>>, vector<1x16xf32>,
          %get3A_1060 = vector.shape_cast %get3A_1059 : vector<1x16xf32> to vector<16xf32>
          %add3A_1061 = arith.constant 16 : i32
          %add3A_1062 = arith.addi %add3A_1061, %scan3A_37 : i32
          %get3A_1063 = arith.index_cast %add3A_1062 : i32 to index
          %get3A_1064 = arith.constant 432 : index
          %get3A_1065 = tpu.vector_load %arg7[%get3A_1063, %get3A_1064] {strides = array<i32>} : memref<48x512xf32, #tpu.memory_space<vmem>>, vector<1x16xf32>,
          %get3A_1066 = vector.shape_cast %get3A_1065 : vector<1x16xf32> to vector<16xf32>
          %add3A_1067 = arith.addf %get3A_1060, %get3A_1066 : vector<16xf32>
          %add3A_1068 = arith.constant 32 : i32
          %add3A_1069 = arith.addi %add3A_1068, %scan3A_37 : i32
          %get3A_1070 = arith.index_cast %add3A_1069 : i32 to index
          %get3A_1071 = arith.constant 432 : index
          %get3A_1072 = tpu.vector_load %arg7[%get3A_1070, %get3A_1071] {strides = array<i32>} : memref<48x512xf32, #tpu.memory_space<vmem>>, vector<1x16xf32>,
          %get3A_1073 = vector.shape_cast %get3A_1072 : vector<1x16xf32> to vector<16xf32>
          %add3A_1074 = arith.addf %add3A_1067, %get3A_1073 : vector<16xf32>
          %max3A_1075 = arith.constant 0.000000e+00 : f32
          %max3A_1076 = vector.broadcast %max3A_1075 : f32 to vector<16xf32>
          %max3A_1077 = arith.maximumf %add3A_1074, %max3A_1076 : vector<16xf32>
          %min3A_1078 = arith.constant 0.000000e+00 : f32
          %min3A_1079 = vector.broadcast %min3A_1078 : f32 to vector<16xf32>
          %min3A_1080 = arith.minimumf %add3A_1074, %min3A_1079 : vector<16xf32>
          %mul3A_1081 = arith.constant 2.000000e-01 : f32
          %mul3A_1082 = vector.broadcast %mul3A_1081 : f32 to vector<16xf32>
          %mul3A_1083 = arith.mulf %mul3A_1082, %min3A_1080 : vector<16xf32>
          %add3A_1084 = arith.addf %max3A_1077, %mul3A_1083 : vector<16xf32>
          %get3A_1085 = arith.constant 432 : index
          %get3A_1086 = tpu.vector_load %arg8[%get3A_1085] {strides = array<i32>} : memref<512xf32, #tpu.memory_space<vmem>>, vector<16xf32>,
          %get3A_1087 = vector.shape_cast %get3A_1086 : vector<16xf32> to vector<16xf32>
          %mul3A_1088 = arith.mulf %add3A_1084, %get3A_1087 : vector<16xf32>
          %add3A_1089 = arith.addf %add3A_1056, %mul3A_1088 : vector<16xf32>
          %reshape3A_1090 = vector.shape_cast %xor3A_2 : vector<16xi32> to vector<16x1xi32>
          %gather3A_1091 = vector.shape_cast %reshape3A_1090 : vector<16x1xi32> to vector<16xi32>
          %gather3A_1092 = tpu.dynamic_gather %add3A_1089[%gather3A_1091] in [0] : vector<16xf32>, vector<16xi32> -> vector<16xf32>
          %add3A_1093 = arith.addf %add3A_1089, %gather3A_1092 : vector<16xf32>
          %reshape3A_1094 = vector.shape_cast %xor3A_5 : vector<16xi32> to vector<16x1xi32>
          %gather3A_1095 = vector.shape_cast %reshape3A_1094 : vector<16x1xi32> to vector<16xi32>
          %gather3A_1096 = tpu.dynamic_gather %add3A_1093[%gather3A_1095] in [0] : vector<16xf32>, vector<16xi32> -> vector<16xf32>
          %add3A_1097 = arith.addf %add3A_1093, %gather3A_1096 : vector<16xf32>
          %reshape3A_1098 = vector.shape_cast %xor3A_8 : vector<16xi32> to vector<16x1xi32>
          %gather3A_1099 = vector.shape_cast %reshape3A_1098 : vector<16x1xi32> to vector<16xi32>
          %gather3A_1100 = tpu.dynamic_gather %add3A_1097[%gather3A_1099] in [0] : vector<16xf32>, vector<16xi32> -> vector<16xf32>
          %add3A_1101 = arith.addf %add3A_1097, %gather3A_1100 : vector<16xf32>
          %reshape3A_1102 = vector.shape_cast %xor3A_11 : vector<16xi32> to vector<16x1xi32>
          %gather3A_1103 = vector.shape_cast %reshape3A_1102 : vector<16x1xi32> to vector<16xi32>
          %gather3A_1104 = tpu.dynamic_gather %add3A_1101[%gather3A_1103] in [0] : vector<16xf32>, vector<16xi32> -> vector<16xf32>
          %add3A_1105 = arith.addf %add3A_1101, %gather3A_1104 : vector<16xf32>
          %eq3A_1106 = arith.constant 6 : i32
          %eq3A_1107 = vector.broadcast %eq3A_1106 : i32 to vector<16xi32>
          %eq3A_1108 = arith.cmpi eq, %iota3A, %eq3A_1107 : vector<16xi32>
          %select_n3A_1109 = arith.select %eq3A_1108, %add3A_1105, %select_n3A_955 : vector<16xi1>, vector<16xf32>
          %broadcast_in_dim3A_1110 = arith.constant 0.000000e+00 : f32
          %broadcast_in_dim3A_1111 = vector.broadcast %broadcast_in_dim3A_1110 : f32 to vector<16xf32>
          %get3A_1112 = arith.index_cast %scan3A_37 : i32 to index
          %get3A_1113 = arith.constant 448 : index
          %get3A_1114 = tpu.vector_load %arg7[%get3A_1112, %get3A_1113] {strides = array<i32>} : memref<48x512xf32, #tpu.memory_space<vmem>>, vector<1x16xf32>,
          %get3A_1115 = vector.shape_cast %get3A_1114 : vector<1x16xf32> to vector<16xf32>
          %add3A_1116 = arith.constant 16 : i32
          %add3A_1117 = arith.addi %add3A_1116, %scan3A_37 : i32
          %get3A_1118 = arith.index_cast %add3A_1117 : i32 to index
          %get3A_1119 = arith.constant 448 : index
          %get3A_1120 = tpu.vector_load %arg7[%get3A_1118, %get3A_1119] {strides = array<i32>} : memref<48x512xf32, #tpu.memory_space<vmem>>, vector<1x16xf32>,
          %get3A_1121 = vector.shape_cast %get3A_1120 : vector<1x16xf32> to vector<16xf32>
          %add3A_1122 = arith.addf %get3A_1115, %get3A_1121 : vector<16xf32>
          %add3A_1123 = arith.constant 32 : i32
          %add3A_1124 = arith.addi %add3A_1123, %scan3A_37 : i32
          %get3A_1125 = arith.index_cast %add3A_1124 : i32 to index
          %get3A_1126 = arith.constant 448 : index
          %get3A_1127 = tpu.vector_load %arg7[%get3A_1125, %get3A_1126] {strides = array<i32>} : memref<48x512xf32, #tpu.memory_space<vmem>>, vector<1x16xf32>,
          %get3A_1128 = vector.shape_cast %get3A_1127 : vector<1x16xf32> to vector<16xf32>
          %add3A_1129 = arith.addf %add3A_1122, %get3A_1128 : vector<16xf32>
          %max3A_1130 = arith.constant 0.000000e+00 : f32
          %max3A_1131 = vector.broadcast %max3A_1130 : f32 to vector<16xf32>
          %max3A_1132 = arith.maximumf %add3A_1129, %max3A_1131 : vector<16xf32>
          %min3A_1133 = arith.constant 0.000000e+00 : f32
          %min3A_1134 = vector.broadcast %min3A_1133 : f32 to vector<16xf32>
          %min3A_1135 = arith.minimumf %add3A_1129, %min3A_1134 : vector<16xf32>
          %mul3A_1136 = arith.constant 2.000000e-01 : f32
          %mul3A_1137 = vector.broadcast %mul3A_1136 : f32 to vector<16xf32>
          %mul3A_1138 = arith.mulf %mul3A_1137, %min3A_1135 : vector<16xf32>
          %add3A_1139 = arith.addf %max3A_1132, %mul3A_1138 : vector<16xf32>
          %get3A_1140 = arith.constant 448 : index
          %get3A_1141 = tpu.vector_load %arg8[%get3A_1140] {strides = array<i32>} : memref<512xf32, #tpu.memory_space<vmem>>, vector<16xf32>,
          %get3A_1142 = vector.shape_cast %get3A_1141 : vector<16xf32> to vector<16xf32>
          %mul3A_1143 = arith.mulf %add3A_1139, %get3A_1142 : vector<16xf32>
          %add3A_1144 = arith.addf %broadcast_in_dim3A_1111, %mul3A_1143 : vector<16xf32>
          %get3A_1145 = arith.index_cast %scan3A_37 : i32 to index
          %get3A_1146 = arith.constant 464 : index
          %get3A_1147 = tpu.vector_load %arg7[%get3A_1145, %get3A_1146] {strides = array<i32>} : memref<48x512xf32, #tpu.memory_space<vmem>>, vector<1x16xf32>,
          %get3A_1148 = vector.shape_cast %get3A_1147 : vector<1x16xf32> to vector<16xf32>
          %add3A_1149 = arith.constant 16 : i32
          %add3A_1150 = arith.addi %add3A_1149, %scan3A_37 : i32
          %get3A_1151 = arith.index_cast %add3A_1150 : i32 to index
          %get3A_1152 = arith.constant 464 : index
          %get3A_1153 = tpu.vector_load %arg7[%get3A_1151, %get3A_1152] {strides = array<i32>} : memref<48x512xf32, #tpu.memory_space<vmem>>, vector<1x16xf32>,
          %get3A_1154 = vector.shape_cast %get3A_1153 : vector<1x16xf32> to vector<16xf32>
          %add3A_1155 = arith.addf %get3A_1148, %get3A_1154 : vector<16xf32>
          %add3A_1156 = arith.constant 32 : i32
          %add3A_1157 = arith.addi %add3A_1156, %scan3A_37 : i32
          %get3A_1158 = arith.index_cast %add3A_1157 : i32 to index
          %get3A_1159 = arith.constant 464 : index
          %get3A_1160 = tpu.vector_load %arg7[%get3A_1158, %get3A_1159] {strides = array<i32>} : memref<48x512xf32, #tpu.memory_space<vmem>>, vector<1x16xf32>,
          %get3A_1161 = vector.shape_cast %get3A_1160 : vector<1x16xf32> to vector<16xf32>
          %add3A_1162 = arith.addf %add3A_1155, %get3A_1161 : vector<16xf32>
          %max3A_1163 = arith.constant 0.000000e+00 : f32
          %max3A_1164 = vector.broadcast %max3A_1163 : f32 to vector<16xf32>
          %max3A_1165 = arith.maximumf %add3A_1162, %max3A_1164 : vector<16xf32>
          %min3A_1166 = arith.constant 0.000000e+00 : f32
          %min3A_1167 = vector.broadcast %min3A_1166 : f32 to vector<16xf32>
          %min3A_1168 = arith.minimumf %add3A_1162, %min3A_1167 : vector<16xf32>
          %mul3A_1169 = arith.constant 2.000000e-01 : f32
          %mul3A_1170 = vector.broadcast %mul3A_1169 : f32 to vector<16xf32>
          %mul3A_1171 = arith.mulf %mul3A_1170, %min3A_1168 : vector<16xf32>
          %add3A_1172 = arith.addf %max3A_1165, %mul3A_1171 : vector<16xf32>
          %get3A_1173 = arith.constant 464 : index
          %get3A_1174 = tpu.vector_load %arg8[%get3A_1173] {strides = array<i32>} : memref<512xf32, #tpu.memory_space<vmem>>, vector<16xf32>,
          %get3A_1175 = vector.shape_cast %get3A_1174 : vector<16xf32> to vector<16xf32>
          %mul3A_1176 = arith.mulf %add3A_1172, %get3A_1175 : vector<16xf32>
          %add3A_1177 = arith.addf %add3A_1144, %mul3A_1176 : vector<16xf32>
          %get3A_1178 = arith.index_cast %scan3A_37 : i32 to index
          %get3A_1179 = arith.constant 480 : index
          %get3A_1180 = tpu.vector_load %arg7[%get3A_1178, %get3A_1179] {strides = array<i32>} : memref<48x512xf32, #tpu.memory_space<vmem>>, vector<1x16xf32>,
          %get3A_1181 = vector.shape_cast %get3A_1180 : vector<1x16xf32> to vector<16xf32>
          %add3A_1182 = arith.constant 16 : i32
          %add3A_1183 = arith.addi %add3A_1182, %scan3A_37 : i32
          %get3A_1184 = arith.index_cast %add3A_1183 : i32 to index
          %get3A_1185 = arith.constant 480 : index
          %get3A_1186 = tpu.vector_load %arg7[%get3A_1184, %get3A_1185] {strides = array<i32>} : memref<48x512xf32, #tpu.memory_space<vmem>>, vector<1x16xf32>,
          %get3A_1187 = vector.shape_cast %get3A_1186 : vector<1x16xf32> to vector<16xf32>
          %add3A_1188 = arith.addf %get3A_1181, %get3A_1187 : vector<16xf32>
          %add3A_1189 = arith.constant 32 : i32
          %add3A_1190 = arith.addi %add3A_1189, %scan3A_37 : i32
          %get3A_1191 = arith.index_cast %add3A_1190 : i32 to index
          %get3A_1192 = arith.constant 480 : index
          %get3A_1193 = tpu.vector_load %arg7[%get3A_1191, %get3A_1192] {strides = array<i32>} : memref<48x512xf32, #tpu.memory_space<vmem>>, vector<1x16xf32>,
          %get3A_1194 = vector.shape_cast %get3A_1193 : vector<1x16xf32> to vector<16xf32>
          %add3A_1195 = arith.addf %add3A_1188, %get3A_1194 : vector<16xf32>
          %max3A_1196 = arith.constant 0.000000e+00 : f32
          %max3A_1197 = vector.broadcast %max3A_1196 : f32 to vector<16xf32>
          %max3A_1198 = arith.maximumf %add3A_1195, %max3A_1197 : vector<16xf32>
          %min3A_1199 = arith.constant 0.000000e+00 : f32
          %min3A_1200 = vector.broadcast %min3A_1199 : f32 to vector<16xf32>
          %min3A_1201 = arith.minimumf %add3A_1195, %min3A_1200 : vector<16xf32>
          %mul3A_1202 = arith.constant 2.000000e-01 : f32
          %mul3A_1203 = vector.broadcast %mul3A_1202 : f32 to vector<16xf32>
          %mul3A_1204 = arith.mulf %mul3A_1203, %min3A_1201 : vector<16xf32>
          %add3A_1205 = arith.addf %max3A_1198, %mul3A_1204 : vector<16xf32>
          %get3A_1206 = arith.constant 480 : index
          %get3A_1207 = tpu.vector_load %arg8[%get3A_1206] {strides = array<i32>} : memref<512xf32, #tpu.memory_space<vmem>>, vector<16xf32>,
          %get3A_1208 = vector.shape_cast %get3A_1207 : vector<16xf32> to vector<16xf32>
          %mul3A_1209 = arith.mulf %add3A_1205, %get3A_1208 : vector<16xf32>
          %add3A_1210 = arith.addf %add3A_1177, %mul3A_1209 : vector<16xf32>
          %get3A_1211 = arith.index_cast %scan3A_37 : i32 to index
          %get3A_1212 = arith.constant 496 : index
          %get3A_1213 = tpu.vector_load %arg7[%get3A_1211, %get3A_1212] {strides = array<i32>} : memref<48x512xf32, #tpu.memory_space<vmem>>, vector<1x16xf32>,
          %get3A_1214 = vector.shape_cast %get3A_1213 : vector<1x16xf32> to vector<16xf32>
          %add3A_1215 = arith.constant 16 : i32
          %add3A_1216 = arith.addi %add3A_1215, %scan3A_37 : i32
          %get3A_1217 = arith.index_cast %add3A_1216 : i32 to index
          %get3A_1218 = arith.constant 496 : index
          %get3A_1219 = tpu.vector_load %arg7[%get3A_1217, %get3A_1218] {strides = array<i32>} : memref<48x512xf32, #tpu.memory_space<vmem>>, vector<1x16xf32>,
          %get3A_1220 = vector.shape_cast %get3A_1219 : vector<1x16xf32> to vector<16xf32>
          %add3A_1221 = arith.addf %get3A_1214, %get3A_1220 : vector<16xf32>
          %add3A_1222 = arith.constant 32 : i32
          %add3A_1223 = arith.addi %add3A_1222, %scan3A_37 : i32
          %get3A_1224 = arith.index_cast %add3A_1223 : i32 to index
          %get3A_1225 = arith.constant 496 : index
          %get3A_1226 = tpu.vector_load %arg7[%get3A_1224, %get3A_1225] {strides = array<i32>} : memref<48x512xf32, #tpu.memory_space<vmem>>, vector<1x16xf32>,
          %get3A_1227 = vector.shape_cast %get3A_1226 : vector<1x16xf32> to vector<16xf32>
          %add3A_1228 = arith.addf %add3A_1221, %get3A_1227 : vector<16xf32>
          %max3A_1229 = arith.constant 0.000000e+00 : f32
          %max3A_1230 = vector.broadcast %max3A_1229 : f32 to vector<16xf32>
          %max3A_1231 = arith.maximumf %add3A_1228, %max3A_1230 : vector<16xf32>
          %min3A_1232 = arith.constant 0.000000e+00 : f32
          %min3A_1233 = vector.broadcast %min3A_1232 : f32 to vector<16xf32>
          %min3A_1234 = arith.minimumf %add3A_1228, %min3A_1233 : vector<16xf32>
          %mul3A_1235 = arith.constant 2.000000e-01 : f32
          %mul3A_1236 = vector.broadcast %mul3A_1235 : f32 to vector<16xf32>
          %mul3A_1237 = arith.mulf %mul3A_1236, %min3A_1234 : vector<16xf32>
          %add3A_1238 = arith.addf %max3A_1231, %mul3A_1237 : vector<16xf32>
          %get3A_1239 = arith.constant 496 : index
          %get3A_1240 = tpu.vector_load %arg8[%get3A_1239] {strides = array<i32>} : memref<512xf32, #tpu.memory_space<vmem>>, vector<16xf32>,
          %get3A_1241 = vector.shape_cast %get3A_1240 : vector<16xf32> to vector<16xf32>
          %mul3A_1242 = arith.mulf %add3A_1238, %get3A_1241 : vector<16xf32>
          %add3A_1243 = arith.addf %add3A_1210, %mul3A_1242 : vector<16xf32>
          %reshape3A_1244 = vector.shape_cast %xor3A_2 : vector<16xi32> to vector<16x1xi32>
          %gather3A_1245 = vector.shape_cast %reshape3A_1244 : vector<16x1xi32> to vector<16xi32>
          %gather3A_1246 = tpu.dynamic_gather %add3A_1243[%gather3A_1245] in [0] : vector<16xf32>, vector<16xi32> -> vector<16xf32>
          %add3A_1247 = arith.addf %add3A_1243, %gather3A_1246 : vector<16xf32>
          %reshape3A_1248 = vector.shape_cast %xor3A_5 : vector<16xi32> to vector<16x1xi32>
          %gather3A_1249 = vector.shape_cast %reshape3A_1248 : vector<16x1xi32> to vector<16xi32>
          %gather3A_1250 = tpu.dynamic_gather %add3A_1247[%gather3A_1249] in [0] : vector<16xf32>, vector<16xi32> -> vector<16xf32>
          %add3A_1251 = arith.addf %add3A_1247, %gather3A_1250 : vector<16xf32>
          %reshape3A_1252 = vector.shape_cast %xor3A_8 : vector<16xi32> to vector<16x1xi32>
          %gather3A_1253 = vector.shape_cast %reshape3A_1252 : vector<16x1xi32> to vector<16xi32>
          %gather3A_1254 = tpu.dynamic_gather %add3A_1251[%gather3A_1253] in [0] : vector<16xf32>, vector<16xi32> -> vector<16xf32>
          %add3A_1255 = arith.addf %add3A_1251, %gather3A_1254 : vector<16xf32>
          %reshape3A_1256 = vector.shape_cast %xor3A_11 : vector<16xi32> to vector<16x1xi32>
          %gather3A_1257 = vector.shape_cast %reshape3A_1256 : vector<16x1xi32> to vector<16xi32>
          %gather3A_1258 = tpu.dynamic_gather %add3A_1255[%gather3A_1257] in [0] : vector<16xf32>, vector<16xi32> -> vector<16xf32>
          %add3A_1259 = arith.addf %add3A_1255, %gather3A_1258 : vector<16xf32>
          %eq3A_1260 = arith.constant 7 : i32
          %eq3A_1261 = vector.broadcast %eq3A_1260 : i32 to vector<16xi32>
          %eq3A_1262 = arith.cmpi eq, %iota3A, %eq3A_1261 : vector<16xi32>
          %select_n3A_1263 = arith.select %eq3A_1262, %add3A_1259, %select_n3A_1109 : vector<16xi1>, vector<16xf32>
          %lt3A_1264 = arith.constant 8 : i32
          %lt3A_1265 = vector.broadcast %lt3A_1264 : i32 to vector<16xi32>
          %lt3A_1266 = arith.cmpi slt, %iota3A, %lt3A_1265 : vector<16xi32>
          %exp3A = math.exp %select_n3A_1263 : vector<16xf32>
          %jit3A = arith.constant 0.000000e+00 : f32
          %broadcast_in_dim3A_1267 = vector.broadcast %jit3A : f32 to vector<16xf32>
          %select_n3A_1268 = arith.select %lt3A_1266, %exp3A, %broadcast_in_dim3A_1267 : vector<16xi1>, vector<16xf32>
          %swap3A = arith.index_cast %scan3A_37 : i32 to index
          %swap3A_1269 = arith.constant 0 : index
          %swap3A_1270 = tpu.vector_load %arg9[%swap3A, %swap3A_1269] {strides = array<i32>} : memref<16x16xf32, #tpu.memory_space<vmem>>, vector<1x16xf32>,
          %swap3A_1271 = vector.shape_cast %swap3A_1270 : vector<1x16xf32> to vector<16xf32>
          %swap3A_1272 = vector.shape_cast %select_n3A_1268 : vector<16xf32> to vector<1x16xf32>
          tpu.vector_store %arg9[%swap3A, %swap3A_1269], %swap3A_1272 {strides = array<i32>} : memref<16x16xf32, #tpu.memory_space<vmem>>, vector<1x16xf32>,
        }
        %scan3A_36 = arith.constant 16 : i32
        "tpu.region"() ({
          %run_scoped3A = tpu.sem_alloc : memref<!tpu.dma_semaphore, #tpu.memory_space<semaphore_mem>>
          %dma_start3A_37 = arith.constant 0 : i32
          %dma_start3A_38 = tpu.memref_slice %arg5[%mul3A_24, %dma_start3A_37] : memref<160000x16xf32, #tpu.memory_space<hbm>> -> memref<16x16xf32, #tpu.memory_space<hbm>>
          %dma_start3A_39 = arith.constant 0 : i32
          %dma_start3A_40 = tpu.memref_slice %arg5[%mul3A_24, %dma_start3A_39] : memref<160000x16xf32, #tpu.memory_space<hbm>> -> memref<16x16xf32, #tpu.memory_space<hbm>>
          tpu.enqueue_dma source(%arg9 : memref<16x16xf32, #tpu.memory_space<vmem>>) target(%dma_start3A_40 : memref<16x16xf32, #tpu.memory_space<hbm>>) target_semaphore(%run_scoped3A : memref<!tpu.dma_semaphore, #tpu.memory_space<semaphore_mem>>)
          %dma_wait3A_41 = arith.constant 0 : i32
          %dma_wait3A_42 = tpu.memref_slice %arg5[%mul3A_24, %dma_wait3A_41] : memref<160000x16xf32, #tpu.memory_space<hbm>> -> memref<16x16xf32, #tpu.memory_space<hbm>>
          %dma_wait3A_43 = arith.constant 0 : i32
          %dma_wait3A_44 = tpu.memref_slice %arg5[%mul3A_24, %dma_wait3A_43] : memref<160000x16xf32, #tpu.memory_space<hbm>> -> memref<16x16xf32, #tpu.memory_space<hbm>>
          tpu.wait_dma2 semaphore(%run_scoped3A : memref<!tpu.dma_semaphore, #tpu.memory_space<semaphore_mem>>) src(%arg9 : memref<16x16xf32, #tpu.memory_space<vmem>>) dst(%dma_wait3A_44 : memref<16x16xf32, #tpu.memory_space<hbm>>)
          tpu.yield
        }) : () -> ()
      } else {
      }
    }
    %scan3A_16 = arith.constant 313 : i32
    return
  }
}

#map = affine_map<(d0, d1) -> (0, 0)>
#map1 = affine_map<(d0, d1) -> (0)>
module attributes {stable_mosaic.version = 14 : i64} {
  func.func @_sc_p2_body(%arg0: i32, %arg1: i32, %arg2: memref<20032x512xf32, #tpu.memory_space<hbm>>, %arg3: memref<160000xi32, #tpu.memory_space<hbm>>, %arg4: memref<160000x512xf32, #tpu.memory_space<hbm>>, %arg5: memref<64xi32, #tpu.memory_space<vmem>>, %arg6: memref<64x512xf32, #tpu.memory_space<vmem>>, %arg7: memref<!tpu.dma_semaphore, #tpu.memory_space<semaphore_mem>>) attributes {dimension_semantics = [#tpu.dimension_semantics<core_parallel>, #tpu.dimension_semantics<subcore_parallel>], iteration_bounds = array<i64: 2, 16>, scalar_prefetch = 0 : i64, scratch_operands = 3 : i64, tpu.core_type = #tpu.core_type<sc_vector_subcore>, window_params = [{transform_indices = #map}, {transform_indices = #map1}, {transform_indices = #map}]} {
    %mul3A = arith.constant 2 : i32
    %mul3A_0 = arith.muli %arg1, %mul3A : i32
    %add3A = arith.addi %mul3A_0, %arg0 : i32
    %scan3A = arith.constant 0 : i32
    %scan3A_1 = arith.constant 0 : i32
    %scan3A_2 = arith.constant 79 : i32
    %scan3A_3 = arith.addi %scan3A_1, %scan3A_2 : i32
    %scan3A_4 = arith.constant 1 : i32
    scf.for %scan3A_6 = %scan3A_1 to %scan3A_3 step %scan3A_4  : i32 {
      %mul3A_7 = arith.constant 32 : i32
      %mul3A_8 = arith.muli %scan3A_6, %mul3A_7 : i32
      %add3A_9 = arith.addi %add3A, %mul3A_8 : i32
      %lt3A = arith.constant 2500 : i32
      %lt3A_10 = arith.cmpi slt, %add3A_9, %lt3A : i32
      %convert_element_type3A = arith.extui %lt3A_10 : i1 to i32
      %cond3A = arith.constant 0 : i32
      %cond3A_11 = arith.cmpi ne, %convert_element_type3A, %cond3A : i32
      scf.if %cond3A_11 {
        %mul3A_12 = arith.constant 64 : i32
        %mul3A_13 = arith.muli %add3A_9, %mul3A_12 : i32
        "tpu.region"() ({
          %run_scoped3A = tpu.sem_alloc : memref<!tpu.dma_semaphore, #tpu.memory_space<semaphore_mem>>
          %dma_start3A_18 = tpu.memref_slice %arg3[%mul3A_13] : memref<160000xi32, #tpu.memory_space<hbm>> -> memref<64xi32, #tpu.memory_space<hbm>>
          %dma_start3A_19 = tpu.memref_slice %arg3[%mul3A_13] : memref<160000xi32, #tpu.memory_space<hbm>> -> memref<64xi32, #tpu.memory_space<hbm>>
          tpu.enqueue_dma source(%dma_start3A_19 : memref<64xi32, #tpu.memory_space<hbm>>) target(%arg5 : memref<64xi32, #tpu.memory_space<vmem>>) target_semaphore(%run_scoped3A : memref<!tpu.dma_semaphore, #tpu.memory_space<semaphore_mem>>)
          %dma_wait3A_20 = tpu.memref_slice %arg3[%mul3A_13] : memref<160000xi32, #tpu.memory_space<hbm>> -> memref<64xi32, #tpu.memory_space<hbm>>
          %dma_wait3A_21 = tpu.memref_slice %arg3[%mul3A_13] : memref<160000xi32, #tpu.memory_space<hbm>> -> memref<64xi32, #tpu.memory_space<hbm>>
          tpu.wait_dma2 semaphore(%run_scoped3A : memref<!tpu.dma_semaphore, #tpu.memory_space<semaphore_mem>>) src(%dma_wait3A_21 : memref<64xi32, #tpu.memory_space<hbm>>) dst(%arg5 : memref<64xi32, #tpu.memory_space<vmem>>)
          tpu.yield
        }) : () -> ()
        %dma_start3A = arith.constant 0 : i32
        %dma_start3A_14 = arith.constant 0 : i32
        %dma_start3A_15 = tpu.memref_slice %arg2[%dma_start3A, %dma_start3A_14] : memref<20032x512xf32, #tpu.memory_space<hbm>> -> memref<20032x512xf32, #tpu.memory_space<hbm>>
        tpu.enqueue_indirect_dma source(%dma_start3A_15 : memref<20032x512xf32, #tpu.memory_space<hbm>>) target(%arg6 : memref<64x512xf32, #tpu.memory_space<vmem>>) offsets(%arg5 : memref<64xi32, #tpu.memory_space<vmem>>) semaphore(%arg7 : memref<!tpu.dma_semaphore, #tpu.memory_space<semaphore_mem>>)
        %dma_wait3A = arith.constant 0 : i32
        %dma_wait3A_16 = arith.constant 0 : i32
        %dma_wait3A_17 = tpu.memref_slice %arg2[%dma_wait3A, %dma_wait3A_16] : memref<20032x512xf32, #tpu.memory_space<hbm>> -> memref<20032x512xf32, #tpu.memory_space<hbm>>
        tpu.wait_indirect_dma semaphore(%arg7 : memref<!tpu.dma_semaphore, #tpu.memory_space<semaphore_mem>>) src(%dma_wait3A_17 : memref<20032x512xf32, #tpu.memory_space<hbm>>) dst(%arg6 : memref<64x512xf32, #tpu.memory_space<vmem>>)
        "tpu.region"() ({
          %run_scoped3A = tpu.sem_alloc : memref<!tpu.dma_semaphore, #tpu.memory_space<semaphore_mem>>
          %dma_start3A_18 = arith.constant 0 : i32
          %dma_start3A_19 = tpu.memref_slice %arg4[%mul3A_13, %dma_start3A_18] : memref<160000x512xf32, #tpu.memory_space<hbm>> -> memref<64x512xf32, #tpu.memory_space<hbm>>
          %dma_start3A_20 = arith.constant 0 : i32
          %dma_start3A_21 = tpu.memref_slice %arg4[%mul3A_13, %dma_start3A_20] : memref<160000x512xf32, #tpu.memory_space<hbm>> -> memref<64x512xf32, #tpu.memory_space<hbm>>
          tpu.enqueue_dma source(%arg6 : memref<64x512xf32, #tpu.memory_space<vmem>>) target(%dma_start3A_21 : memref<64x512xf32, #tpu.memory_space<hbm>>) target_semaphore(%run_scoped3A : memref<!tpu.dma_semaphore, #tpu.memory_space<semaphore_mem>>)
          %dma_wait3A_22 = arith.constant 0 : i32
          %dma_wait3A_23 = tpu.memref_slice %arg4[%mul3A_13, %dma_wait3A_22] : memref<160000x512xf32, #tpu.memory_space<hbm>> -> memref<64x512xf32, #tpu.memory_space<hbm>>
          %dma_wait3A_24 = arith.constant 0 : i32
          %dma_wait3A_25 = tpu.memref_slice %arg4[%mul3A_13, %dma_wait3A_24] : memref<160000x512xf32, #tpu.memory_space<hbm>> -> memref<64x512xf32, #tpu.memory_space<hbm>>
          tpu.wait_dma2 semaphore(%run_scoped3A : memref<!tpu.dma_semaphore, #tpu.memory_space<semaphore_mem>>) src(%arg6 : memref<64x512xf32, #tpu.memory_space<vmem>>) dst(%dma_wait3A_25 : memref<64x512xf32, #tpu.memory_space<hbm>>)
          tpu.yield
        }) : () -> ()
      } else {
      }
    }
    %scan3A_5 = arith.constant 79 : i32
    return
  }
}

module attributes {stable_mosaic.version = 14 : i64} {
  func.func @_tc_a_body(%arg0: i32, %arg1: memref<400x128xf32, #tpu.memory_space<vmem>>, %arg2: memref<128x512xf32, #tpu.memory_space<vmem>>, %arg3: memref<1x512xf32, #tpu.memory_space<vmem>>, %arg4: memref<128x512xf32, #tpu.memory_space<vmem>>, %arg5: memref<1x512xf32, #tpu.memory_space<vmem>>, %arg6: memref<32x128xf32, #tpu.memory_space<vmem>>, %arg7: memref<128x512xf32, #tpu.memory_space<vmem>>, %arg8: memref<1x1x6400xi32, #tpu.memory_space<vmem>>, %arg9: memref<400x512xf32, #tpu.memory_space<vmem>>, %arg10: memref<400x512xf32, #tpu.memory_space<vmem>>, %arg11: memref<32x512xf32, #tpu.memory_space<vmem>>, %arg12: memref<1x1x32xf32, #tpu.memory_space<vmem>>) attributes {dimension_semantics = [#tpu.dimension_semantics<arbitrary>], iteration_bounds = array<i64: 25>, scalar_prefetch = 0 : i64, scratch_operands = 0 : i64, tpu.core_type = #tpu.core_type<tc>, window_params = [{transform_indices = @transform_0, window_bounds = array<i64: 400, 128>}, {pipeline_mode = #tpu.pipeline_mode<synchronous>, transform_indices = @transform_1, window_bounds = array<i64: 128, 512>}, {pipeline_mode = #tpu.pipeline_mode<synchronous>, transform_indices = @transform_2, window_bounds = array<i64: 1, 512>}, {pipeline_mode = #tpu.pipeline_mode<synchronous>, transform_indices = @transform_3, window_bounds = array<i64: 128, 512>}, {pipeline_mode = #tpu.pipeline_mode<synchronous>, transform_indices = @transform_4, window_bounds = array<i64: 1, 512>}, {pipeline_mode = #tpu.pipeline_mode<synchronous>, transform_indices = @transform_5, window_bounds = array<i64: 32, 128>}, {pipeline_mode = #tpu.pipeline_mode<synchronous>, transform_indices = @transform_6, window_bounds = array<i64: 128, 512>}, {transform_indices = @transform_7, window_bounds = array<i64: 1, 1, 6400>}, {transform_indices = @transform_8, window_bounds = array<i64: 400, 512>}, {transform_indices = @transform_9, window_bounds = array<i64: 400, 512>}, {pipeline_mode = #tpu.pipeline_mode<synchronous>, transform_indices = @transform_10, window_bounds = array<i64: 32, 512>}, {transform_indices = @transform_11, window_bounds = array<i64: 1, 1, 32>}]} {
    %get3A = arith.constant 0 : index
    %get3A_0 = arith.constant 0 : index
    %get3A_1 = vector.load %arg1[%get3A, %get3A_0] : memref<400x128xf32, #tpu.memory_space<vmem>>, vector<400x128xf32>
    %get3A_2 = arith.constant 0 : index
    %get3A_3 = arith.constant 0 : index
    %get3A_4 = vector.load %arg2[%get3A_2, %get3A_3] : memref<128x512xf32, #tpu.memory_space<vmem>>, vector<128x512xf32>
    %dot_general3A = arith.constant dense<0.000000e+00> : vector<400x512xf32>
    %dot_general3A_5 = tpu.matmul %get3A_1, %get3A_4, %dot_general3A {dimension_numbers = #tpu.dot_dimension_numbers<[1], [0], [0], [1], [0, 0, 1, 1], [], []>, transpose_lhs_hint = false} : vector<400x128xf32>, vector<128x512xf32>, vector<400x512xf32> -> vector<400x512xf32>
    %get3A_6 = arith.constant 0 : index
    %get3A_7 = arith.constant 0 : index
    %get3A_8 = vector.load %arg3[%get3A_6, %get3A_7] : memref<1x512xf32, #tpu.memory_space<vmem>>, vector<1x512xf32>
    %add3A = vector.broadcast %get3A_8 : vector<1x512xf32> to vector<400x512xf32>
    %add3A_9 = arith.addf %dot_general3A_5, %add3A : vector<400x512xf32>
    %swap3A = arith.constant 0 : index
    %swap3A_10 = arith.constant 0 : index
    %swap3A_11 = vector.load %arg9[%swap3A, %swap3A_10] : memref<400x512xf32, #tpu.memory_space<vmem>>, vector<400x512xf32>
    tpu.vector_store %arg9[%swap3A, %swap3A_10], %add3A_9 {strides = array<i32>} : memref<400x512xf32, #tpu.memory_space<vmem>>, vector<400x512xf32>,
    %get3A_12 = arith.constant 0 : index
    %get3A_13 = arith.constant 0 : index
    %get3A_14 = vector.load %arg4[%get3A_12, %get3A_13] : memref<128x512xf32, #tpu.memory_space<vmem>>, vector<128x512xf32>
    %dot_general3A_15 = arith.constant dense<0.000000e+00> : vector<400x512xf32>
    %dot_general3A_16 = tpu.matmul %get3A_1, %get3A_14, %dot_general3A_15 {dimension_numbers = #tpu.dot_dimension_numbers<[1], [0], [0], [1], [0, 0, 1, 1], [], []>, transpose_lhs_hint = false} : vector<400x128xf32>, vector<128x512xf32>, vector<400x512xf32> -> vector<400x512xf32>
    %get3A_17 = arith.constant 0 : index
    %get3A_18 = arith.constant 0 : index
    %get3A_19 = vector.load %arg5[%get3A_17, %get3A_18] : memref<1x512xf32, #tpu.memory_space<vmem>>, vector<1x512xf32>
    %add3A_20 = vector.broadcast %get3A_19 : vector<1x512xf32> to vector<400x512xf32>
    %add3A_21 = arith.addf %dot_general3A_16, %add3A_20 : vector<400x512xf32>
    %swap3A_22 = arith.constant 0 : index
    %swap3A_23 = arith.constant 0 : index
    %swap3A_24 = vector.load %arg10[%swap3A_22, %swap3A_23] : memref<400x512xf32, #tpu.memory_space<vmem>>, vector<400x512xf32>
    tpu.vector_store %arg10[%swap3A_22, %swap3A_23], %add3A_21 {strides = array<i32>} : memref<400x512xf32, #tpu.memory_space<vmem>>, vector<400x512xf32>,
    %get3A_25 = arith.constant 0 : index
    %get3A_26 = arith.constant 0 : index
    %get3A_27 = vector.load %arg6[%get3A_25, %get3A_26] : memref<32x128xf32, #tpu.memory_space<vmem>>, vector<32x128xf32>
    %get3A_28 = arith.constant 0 : index
    %get3A_29 = arith.constant 0 : index
    %get3A_30 = vector.load %arg7[%get3A_28, %get3A_29] : memref<128x512xf32, #tpu.memory_space<vmem>>, vector<128x512xf32>
    %dot_general3A_31 = arith.constant dense<0.000000e+00> : vector<32x512xf32>
    %dot_general3A_32 = tpu.matmul %get3A_27, %get3A_30, %dot_general3A_31 {dimension_numbers = #tpu.dot_dimension_numbers<[1], [0], [0], [1], [0, 0, 1, 1], [], []>, transpose_lhs_hint = false} : vector<32x128xf32>, vector<128x512xf32>, vector<32x512xf32> -> vector<32x512xf32>
    %swap3A_33 = arith.constant 0 : index
    %swap3A_34 = arith.constant 0 : index
    %swap3A_35 = vector.load %arg11[%swap3A_33, %swap3A_34] : memref<32x512xf32, #tpu.memory_space<vmem>>, vector<32x512xf32>
    tpu.vector_store %arg11[%swap3A_33, %swap3A_34], %dot_general3A_32 {strides = array<i32>} : memref<32x512xf32, #tpu.memory_space<vmem>>, vector<32x512xf32>,
    %get3A_36 = arith.constant 0 : index
    %get3A_37 = arith.constant 0 : index
    %get3A_38 = arith.constant 0 : index
    %get3A_39 = vector.load %arg8[%get3A_36, %get3A_37, %get3A_38] : memref<1x1x6400xi32, #tpu.memory_space<vmem>>, vector<1x1x6400xi32>
    %reshape3A = vector.shape_cast %get3A_39 : vector<1x1x6400xi32> to vector<1x6400xi32>
    %iota3A = tpu.iota {dimensions = array<i32: 0>} : vector<32x6400xi32>
    %broadcast_in_dim3A = vector.shape_cast %reshape3A : vector<1x6400xi32> to vector<1x6400xi32>
    %broadcast_in_dim3A_40 = vector.broadcast %broadcast_in_dim3A : vector<1x6400xi32> to vector<32x6400xi32>
    %eq3A = arith.cmpi eq, %iota3A, %broadcast_in_dim3A_40 : vector<32x6400xi32>
    %convert_element_type3A = arith.extui %eq3A : vector<32x6400xi1> to vector<32x6400xi32>
    %convert_element_type3A_41 = arith.sitofp %convert_element_type3A : vector<32x6400xi32> to vector<32x6400xf32>
    %reduce_sum3A = arith.constant dense<0.000000e+00> : vector<32xf32>
    %reduce_sum3A_42 = vector.multi_reduction <add>, %convert_element_type3A_41, %reduce_sum3A [1] : vector<32x6400xf32> to vector<32xf32>
    %reshape3A_43 = vector.shape_cast %reduce_sum3A_42 : vector<32xf32> to vector<1x1x32xf32>
    %swap3A_44 = arith.constant 0 : index
    %swap3A_45 = arith.constant 0 : index
    %swap3A_46 = arith.constant 0 : index
    %swap3A_47 = vector.load %arg12[%swap3A_44, %swap3A_45, %swap3A_46] : memref<1x1x32xf32, #tpu.memory_space<vmem>>, vector<1x1x32xf32>
    tpu.vector_store %arg12[%swap3A_44, %swap3A_45, %swap3A_46], %reshape3A_43 {strides = array<i32>} : memref<1x1x32xf32, #tpu.memory_space<vmem>>, vector<1x1x32xf32>,
    return
  }
  func.func @transform_0(%arg0: i32) -> (i32, i32) {
    %c0_i32 = arith.constant 0 : i32
    %c0_i32_0 = arith.constant 0 : i32
    return %arg0, %c0_i32 : i32, i32
  }
  func.func @transform_1(%arg0: i32) -> (i32, i32) {
    %c0_i32 = arith.constant 0 : i32
    %c0_i32_0 = arith.constant 0 : i32
    %c0_i32_1 = arith.constant 0 : i32
    return %c0_i32, %c0_i32_0 : i32, i32
  }
  func.func @transform_2(%arg0: i32) -> (i32, i32) {
    %c0_i32 = arith.constant 0 : i32
    %c0_i32_0 = arith.constant 0 : i32
    %c0_i32_1 = arith.constant 0 : i32
    return %c0_i32, %c0_i32_0 : i32, i32
  }
  func.func @transform_3(%arg0: i32) -> (i32, i32) {
    %c0_i32 = arith.constant 0 : i32
    %c0_i32_0 = arith.constant 0 : i32
    %c0_i32_1 = arith.constant 0 : i32
    return %c0_i32, %c0_i32_0 : i32, i32
  }
  func.func @transform_4(%arg0: i32) -> (i32, i32) {
    %c0_i32 = arith.constant 0 : i32
    %c0_i32_0 = arith.constant 0 : i32
    %c0_i32_1 = arith.constant 0 : i32
    return %c0_i32, %c0_i32_0 : i32, i32
  }
  func.func @transform_5(%arg0: i32) -> (i32, i32) {
    %c0_i32 = arith.constant 0 : i32
    %c0_i32_0 = arith.constant 0 : i32
    %c0_i32_1 = arith.constant 0 : i32
    return %c0_i32, %c0_i32_0 : i32, i32
  }
  func.func @transform_6(%arg0: i32) -> (i32, i32) {
    %c0_i32 = arith.constant 0 : i32
    %c0_i32_0 = arith.constant 0 : i32
    %c0_i32_1 = arith.constant 0 : i32
    return %c0_i32, %c0_i32_0 : i32, i32
  }
  func.func @transform_7(%arg0: i32) -> (i32, i32, i32) {
    %c0_i32 = arith.constant 0 : i32
    %c0_i32_0 = arith.constant 0 : i32
    %c0_i32_1 = arith.constant 0 : i32
    return %arg0, %c0_i32, %c0_i32_0 : i32, i32, i32
  }
  func.func @transform_8(%arg0: i32) -> (i32, i32) {
    %c0_i32 = arith.constant 0 : i32
    %c0_i32_0 = arith.constant 0 : i32
    return %arg0, %c0_i32 : i32, i32
  }
  func.func @transform_9(%arg0: i32) -> (i32, i32) {
    %c0_i32 = arith.constant 0 : i32
    %c0_i32_0 = arith.constant 0 : i32
    return %arg0, %c0_i32 : i32, i32
  }
  func.func @transform_10(%arg0: i32) -> (i32, i32) {
    %c0_i32 = arith.constant 0 : i32
    %c0_i32_0 = arith.constant 0 : i32
    %c0_i32_1 = arith.constant 0 : i32
    return %c0_i32, %c0_i32_0 : i32, i32
  }
  func.func @transform_11(%arg0: i32) -> (i32, i32, i32) {
    %c0_i32 = arith.constant 0 : i32
    %c0_i32_0 = arith.constant 0 : i32
    %c0_i32_1 = arith.constant 0 : i32
    return %arg0, %c0_i32, %c0_i32_0 : i32, i32, i32
  }
}

module attributes {stable_mosaic.version = 14 : i64} {
  func.func @_tc_e0_body(%arg0: i32, %arg1: memref<256x16xf32, #tpu.memory_space<vmem>>, %arg2: memref<1x1x256xi32, #tpu.memory_space<vmem>>, %arg3: memref<10000x16xf32, #tpu.memory_space<vmem>>, %arg4: memref<10000x16xf32, #tpu.memory_space<vmem>>) attributes {dimension_semantics = [#tpu.dimension_semantics<arbitrary>], iteration_bounds = array<i64: 625>, scalar_prefetch = 0 : i64, scratch_operands = 1 : i64, tpu.core_type = #tpu.core_type<tc>, window_params = [{transform_indices = @transform_0, window_bounds = array<i64: 256, 16>}, {transform_indices = @transform_1, window_bounds = array<i64: 1, 1, 256>}, {pipeline_mode = #tpu.pipeline_mode<synchronous>, transform_indices = @transform_2, window_bounds = array<i64: 10000, 16>}]} {
    %get3A = arith.constant 0 : index
    %get3A_0 = arith.constant 0 : index
    %get3A_1 = arith.constant 0 : index
    %get3A_2 = vector.load %arg2[%get3A, %get3A_0, %get3A_1] : memref<1x1x256xi32, #tpu.memory_space<vmem>>, vector<1x1x256xi32>
    %reshape3A = vector.shape_cast %get3A_2 : vector<1x1x256xi32> to vector<1x256xi32>
    %iota3A = tpu.iota {dimensions = array<i32: 0>} : vector<10000x256xi32>
    %broadcast_in_dim3A = vector.shape_cast %reshape3A : vector<1x256xi32> to vector<1x256xi32>
    %broadcast_in_dim3A_3 = vector.broadcast %broadcast_in_dim3A : vector<1x256xi32> to vector<10000x256xi32>
    %eq3A = arith.cmpi eq, %iota3A, %broadcast_in_dim3A_3 : vector<10000x256xi32>
    %convert_element_type3A = arith.extui %eq3A : vector<10000x256xi1> to vector<10000x256xi32>
    %convert_element_type3A_4 = arith.sitofp %convert_element_type3A : vector<10000x256xi32> to vector<10000x256xf32>
    %eq3A_5 = arith.constant 0 : i32
    %eq3A_6 = arith.cmpi eq, %arg0, %eq3A_5 : i32
    %convert_element_type3A_7 = arith.extui %eq3A_6 : i1 to i32
    %cond3A = arith.constant 0 : i32
    %cond3A_8 = arith.cmpi ne, %convert_element_type3A_7, %cond3A : i32
    scf.if %cond3A_8 {
      %broadcast_in_dim3A_23 = arith.constant 0.000000e+00 : f32
      %broadcast_in_dim3A_24 = vector.broadcast %broadcast_in_dim3A_23 : f32 to vector<10000x16xf32>
      %swap3A_25 = arith.constant 0 : index
      %swap3A_26 = arith.constant 0 : index
      %swap3A_27 = vector.load %arg4[%swap3A_25, %swap3A_26] : memref<10000x16xf32, #tpu.memory_space<vmem>>, vector<10000x16xf32>
      tpu.vector_store %arg4[%swap3A_25, %swap3A_26], %broadcast_in_dim3A_24 {strides = array<i32>} : memref<10000x16xf32, #tpu.memory_space<vmem>>, vector<10000x16xf32>,
    } else {
    }
    %get3A_9 = arith.constant 0 : index
    %get3A_10 = arith.constant 0 : index
    %get3A_11 = vector.load %arg4[%get3A_9, %get3A_10] : memref<10000x16xf32, #tpu.memory_space<vmem>>, vector<10000x16xf32>
    %get3A_12 = arith.constant 0 : index
    %get3A_13 = arith.constant 0 : index
    %get3A_14 = vector.load %arg1[%get3A_12, %get3A_13] : memref<256x16xf32, #tpu.memory_space<vmem>>, vector<256x16xf32>
    %dot_general3A = arith.constant dense<0.000000e+00> : vector<10000x16xf32>
    %dot_general3A_15 = tpu.matmul %convert_element_type3A_4, %get3A_14, %dot_general3A {dimension_numbers = #tpu.dot_dimension_numbers<[1], [0], [0], [1], [0, 0, 1, 1], [], []>, transpose_lhs_hint = false} : vector<10000x256xf32>, vector<256x16xf32>, vector<10000x16xf32> -> vector<10000x16xf32>
    %add3A = arith.addf %get3A_11, %dot_general3A_15 : vector<10000x16xf32>
    %swap3A = arith.constant 0 : index
    %swap3A_16 = arith.constant 0 : index
    %swap3A_17 = vector.load %arg4[%swap3A, %swap3A_16] : memref<10000x16xf32, #tpu.memory_space<vmem>>, vector<10000x16xf32>
    tpu.vector_store %arg4[%swap3A, %swap3A_16], %add3A {strides = array<i32>} : memref<10000x16xf32, #tpu.memory_space<vmem>>, vector<10000x16xf32>,
    %eq3A_18 = arith.constant 624 : i32
    %eq3A_19 = arith.cmpi eq, %arg0, %eq3A_18 : i32
    %convert_element_type3A_20 = arith.extui %eq3A_19 : i1 to i32
    %cond3A_21 = arith.constant 0 : i32
    %cond3A_22 = arith.cmpi ne, %convert_element_type3A_20, %cond3A_21 : i32
    scf.if %cond3A_22 {
      %get3A_23 = arith.constant 0 : index
      %get3A_24 = arith.constant 0 : index
      %get3A_25 = vector.load %arg4[%get3A_23, %get3A_24] : memref<10000x16xf32, #tpu.memory_space<vmem>>, vector<10000x16xf32>
      %swap3A_26 = arith.constant 0 : index
      %swap3A_27 = arith.constant 0 : index
      %swap3A_28 = vector.load %arg3[%swap3A_26, %swap3A_27] : memref<10000x16xf32, #tpu.memory_space<vmem>>, vector<10000x16xf32>
      tpu.vector_store %arg3[%swap3A_26, %swap3A_27], %get3A_25 {strides = array<i32>} : memref<10000x16xf32, #tpu.memory_space<vmem>>, vector<10000x16xf32>,
    } else {
    }
    return
  }
  func.func @transform_0(%arg0: i32) -> (i32, i32) {
    %c0_i32 = arith.constant 0 : i32
    %c0_i32_0 = arith.constant 0 : i32
    return %arg0, %c0_i32 : i32, i32
  }
  func.func @transform_1(%arg0: i32) -> (i32, i32, i32) {
    %c0_i32 = arith.constant 0 : i32
    %c0_i32_0 = arith.constant 0 : i32
    %c0_i32_1 = arith.constant 0 : i32
    return %arg0, %c0_i32, %c0_i32_0 : i32, i32, i32
  }
  func.func @transform_2(%arg0: i32) -> (i32, i32) {
    %c0_i32 = arith.constant 0 : i32
    %c0_i32_0 = arith.constant 0 : i32
    %c0_i32_1 = arith.constant 0 : i32
    return %c0_i32, %c0_i32_0 : i32, i32
  }
}

module attributes {stable_mosaic.version = 14 : i64} {
  func.func @_tc_b_body(%arg0: i32, %arg1: memref<25x1x32xf32, #tpu.memory_space<vmem>>, %arg2: memref<32x512xf32, #tpu.memory_space<vmem>>, %arg3: memref<400x512xf32, #tpu.memory_space<vmem>>, %arg4: memref<400x512xf32, #tpu.memory_space<vmem>>, %arg5: memref<400x16xf32, #tpu.memory_space<vmem>>, %arg6: memref<512x8xf32, #tpu.memory_space<vmem>>, %arg7: memref<400x128xf32, #tpu.memory_space<vmem>>, %arg8: memref<400x64xf32, #tpu.memory_space<vmem>>) attributes {dimension_semantics = [#tpu.dimension_semantics<arbitrary>], iteration_bounds = array<i64: 25>, scalar_prefetch = 0 : i64, scratch_operands = 0 : i64, tpu.core_type = #tpu.core_type<tc>, window_params = [{pipeline_mode = #tpu.pipeline_mode<synchronous>, transform_indices = @transform_0, window_bounds = array<i64: 25, 1, 32>}, {pipeline_mode = #tpu.pipeline_mode<synchronous>, transform_indices = @transform_1, window_bounds = array<i64: 32, 512>}, {transform_indices = @transform_2, window_bounds = array<i64: 400, 512>}, {transform_indices = @transform_3, window_bounds = array<i64: 400, 512>}, {transform_indices = @transform_4, window_bounds = array<i64: 400, 16>}, {pipeline_mode = #tpu.pipeline_mode<synchronous>, transform_indices = @transform_5, window_bounds = array<i64: 512, 8>}, {transform_indices = @transform_6, window_bounds = array<i64: 400, 128>}, {transform_indices = @transform_7, window_bounds = array<i64: 400, 64>}]} {
    %get3A = arith.constant 0 : index
    %get3A_0 = arith.constant 0 : index
    %get3A_1 = arith.constant 0 : index
    %get3A_2 = vector.load %arg1[%get3A, %get3A_0, %get3A_1] : memref<25x1x32xf32, #tpu.memory_space<vmem>>, vector<25x1x32xf32>
    %reshape3A = vector.shape_cast %get3A_2 : vector<25x1x32xf32> to vector<25x32xf32>
    %reduce_sum3A = arith.constant dense<0.000000e+00> : vector<32xf32>
    %reduce_sum3A_3 = vector.multi_reduction <add>, %reshape3A, %reduce_sum3A [0] : vector<25x32xf32> to vector<32xf32>
    %div3A = arith.constant 1.600000e+05 : f32
    %div3A_4 = vector.broadcast %div3A : f32 to vector<32xf32>
    %div3A_5 = arith.divf %reduce_sum3A_3, %div3A_4 : vector<32xf32>
    %reshape3A_6 = vector.shape_cast %div3A_5 : vector<32xf32> to vector<1x32xf32>
    %get3A_7 = arith.constant 0 : index
    %get3A_8 = arith.constant 0 : index
    %get3A_9 = vector.load %arg2[%get3A_7, %get3A_8] : memref<32x512xf32, #tpu.memory_space<vmem>>, vector<32x512xf32>
    %dot_general3A = arith.constant dense<0.000000e+00> : vector<1x512xf32>
    %dot_general3A_10 = tpu.matmul %reshape3A_6, %get3A_9, %dot_general3A {dimension_numbers = #tpu.dot_dimension_numbers<[1], [0], [0], [1], [0, 0, 1, 1], [], []>, transpose_lhs_hint = false} : vector<1x32xf32>, vector<32x512xf32>, vector<1x512xf32> -> vector<1x512xf32>
    %get3A_11 = arith.constant 0 : index
    %get3A_12 = arith.constant 0 : index
    %get3A_13 = vector.load %arg3[%get3A_11, %get3A_12] : memref<400x512xf32, #tpu.memory_space<vmem>>, vector<400x512xf32>
    %get3A_14 = arith.constant 0 : index
    %get3A_15 = arith.constant 0 : index
    %get3A_16 = vector.load %arg4[%get3A_14, %get3A_15] : memref<400x512xf32, #tpu.memory_space<vmem>>, vector<400x512xf32>
    %add3A = arith.addf %get3A_13, %get3A_16 : vector<400x512xf32>
    %add3A_17 = vector.broadcast %dot_general3A_10 : vector<1x512xf32> to vector<400x512xf32>
    %add3A_18 = arith.addf %add3A, %add3A_17 : vector<400x512xf32>
    %max3A = arith.constant 0.000000e+00 : f32
    %max3A_19 = vector.broadcast %max3A : f32 to vector<400x512xf32>
    %max3A_20 = arith.maximumf %add3A_18, %max3A_19 : vector<400x512xf32>
    %min3A = arith.constant 0.000000e+00 : f32
    %min3A_21 = vector.broadcast %min3A : f32 to vector<400x512xf32>
    %min3A_22 = arith.minimumf %add3A_18, %min3A_21 : vector<400x512xf32>
    %mul3A = arith.constant 2.000000e-01 : f32
    %mul3A_23 = vector.broadcast %mul3A : f32 to vector<400x512xf32>
    %mul3A_24 = arith.mulf %mul3A_23, %min3A_22 : vector<400x512xf32>
    %add3A_25 = arith.addf %max3A_20, %mul3A_24 : vector<400x512xf32>
    %get3A_26 = arith.constant 0 : index
    %get3A_27 = arith.constant 0 : index
    %get3A_28 = vector.load %arg6[%get3A_26, %get3A_27] : memref<512x8xf32, #tpu.memory_space<vmem>>, vector<512x8xf32>
    %dot_general3A_29 = arith.constant dense<0.000000e+00> : vector<400x8xf32>
    %dot_general3A_30 = tpu.matmul %add3A_25, %get3A_28, %dot_general3A_29 {dimension_numbers = #tpu.dot_dimension_numbers<[1], [0], [0], [1], [0, 0, 1, 1], [], []>, transpose_lhs_hint = false} : vector<400x512xf32>, vector<512x8xf32>, vector<400x8xf32> -> vector<400x8xf32>
    %exp3A = math.exp %dot_general3A_30 : vector<400x8xf32>
    %get3A_31 = arith.constant 0 : index
    %get3A_32 = arith.constant 0 : index
    %get3A_33 = vector.load %arg5[%get3A_31, %get3A_32] : memref<400x16xf32, #tpu.memory_space<vmem>>, vector<400x16xf32>
    %slice3A = vector.extract_strided_slice %get3A_33 {offsets = [0, 0], sizes = [400, 8], strides = [1, 1]} : vector<400x16xf32> to vector<400x8xf32>
    %add3A_34 = arith.addf %slice3A, %exp3A : vector<400x8xf32>
    %broadcast_in_dim3A = arith.constant 1.000000e+00 : f32
    %broadcast_in_dim3A_35 = vector.broadcast %broadcast_in_dim3A : f32 to vector<400x120xf32>
    %concatenate3A = tpu.concatenate %add3A_34, %broadcast_in_dim3A_35 in 1 : vector<400x8xf32>, vector<400x120xf32> -> vector<400x128xf32>
    %swap3A = arith.constant 0 : index
    %swap3A_36 = arith.constant 0 : index
    %swap3A_37 = vector.load %arg7[%swap3A, %swap3A_36] : memref<400x128xf32, #tpu.memory_space<vmem>>, vector<400x128xf32>
    tpu.vector_store %arg7[%swap3A, %swap3A_36], %concatenate3A {strides = array<i32>} : memref<400x128xf32, #tpu.memory_space<vmem>>, vector<400x128xf32>,
    %add3A_38 = arith.constant 1.000000e-16 : f32
    %add3A_39 = vector.broadcast %add3A_38 : f32 to vector<400x8xf32>
    %add3A_40 = arith.addf %add3A_34, %add3A_39 : vector<400x8xf32>
    %div3A_41 = arith.divf %exp3A, %add3A_40 : vector<400x8xf32>
    %broadcast_in_dim3A_42 = arith.constant 0.000000e+00 : f32
    %broadcast_in_dim3A_43 = vector.broadcast %broadcast_in_dim3A_42 : f32 to vector<400x64xf32>
    %slice3A_44 = vector.extract_strided_slice %div3A_41 {offsets = [0, 0], sizes = [400, 1], strides = [1, 1]} : vector<400x8xf32> to vector<400x1xf32>
    %slice3A_45 = vector.extract_strided_slice %get3A_13 {offsets = [0, 0], sizes = [400, 64], strides = [1, 1]} : vector<400x512xf32> to vector<400x64xf32>
    %mul3A_46 = vector.broadcast %slice3A_44 : vector<400x1xf32> to vector<400x64xf32>
    %mul3A_47 = arith.mulf %mul3A_46, %slice3A_45 : vector<400x64xf32>
    %add3A_48 = arith.addf %broadcast_in_dim3A_43, %mul3A_47 : vector<400x64xf32>
    %slice3A_49 = vector.extract_strided_slice %div3A_41 {offsets = [0, 1], sizes = [400, 1], strides = [1, 1]} : vector<400x8xf32> to vector<400x1xf32>
    %slice3A_50 = vector.extract_strided_slice %get3A_13 {offsets = [0, 64], sizes = [400, 64], strides = [1, 1]} : vector<400x512xf32> to vector<400x64xf32>
    %mul3A_51 = vector.broadcast %slice3A_49 : vector<400x1xf32> to vector<400x64xf32>
    %mul3A_52 = arith.mulf %mul3A_51, %slice3A_50 : vector<400x64xf32>
    %add3A_53 = arith.addf %add3A_48, %mul3A_52 : vector<400x64xf32>
    %slice3A_54 = vector.extract_strided_slice %div3A_41 {offsets = [0, 2], sizes = [400, 1], strides = [1, 1]} : vector<400x8xf32> to vector<400x1xf32>
    %slice3A_55 = vector.extract_strided_slice %get3A_13 {offsets = [0, 128], sizes = [400, 64], strides = [1, 1]} : vector<400x512xf32> to vector<400x64xf32>
    %mul3A_56 = vector.broadcast %slice3A_54 : vector<400x1xf32> to vector<400x64xf32>
    %mul3A_57 = arith.mulf %mul3A_56, %slice3A_55 : vector<400x64xf32>
    %add3A_58 = arith.addf %add3A_53, %mul3A_57 : vector<400x64xf32>
    %slice3A_59 = vector.extract_strided_slice %div3A_41 {offsets = [0, 3], sizes = [400, 1], strides = [1, 1]} : vector<400x8xf32> to vector<400x1xf32>
    %slice3A_60 = vector.extract_strided_slice %get3A_13 {offsets = [0, 192], sizes = [400, 64], strides = [1, 1]} : vector<400x512xf32> to vector<400x64xf32>
    %mul3A_61 = vector.broadcast %slice3A_59 : vector<400x1xf32> to vector<400x64xf32>
    %mul3A_62 = arith.mulf %mul3A_61, %slice3A_60 : vector<400x64xf32>
    %add3A_63 = arith.addf %add3A_58, %mul3A_62 : vector<400x64xf32>
    %slice3A_64 = vector.extract_strided_slice %div3A_41 {offsets = [0, 4], sizes = [400, 1], strides = [1, 1]} : vector<400x8xf32> to vector<400x1xf32>
    %slice3A_65 = vector.extract_strided_slice %get3A_13 {offsets = [0, 256], sizes = [400, 64], strides = [1, 1]} : vector<400x512xf32> to vector<400x64xf32>
    %mul3A_66 = vector.broadcast %slice3A_64 : vector<400x1xf32> to vector<400x64xf32>
    %mul3A_67 = arith.mulf %mul3A_66, %slice3A_65 : vector<400x64xf32>
    %add3A_68 = arith.addf %add3A_63, %mul3A_67 : vector<400x64xf32>
    %slice3A_69 = vector.extract_strided_slice %div3A_41 {offsets = [0, 5], sizes = [400, 1], strides = [1, 1]} : vector<400x8xf32> to vector<400x1xf32>
    %slice3A_70 = vector.extract_strided_slice %get3A_13 {offsets = [0, 320], sizes = [400, 64], strides = [1, 1]} : vector<400x512xf32> to vector<400x64xf32>
    %mul3A_71 = vector.broadcast %slice3A_69 : vector<400x1xf32> to vector<400x64xf32>
    %mul3A_72 = arith.mulf %mul3A_71, %slice3A_70 : vector<400x64xf32>
    %add3A_73 = arith.addf %add3A_68, %mul3A_72 : vector<400x64xf32>
    %slice3A_74 = vector.extract_strided_slice %div3A_41 {offsets = [0, 6], sizes = [400, 1], strides = [1, 1]} : vector<400x8xf32> to vector<400x1xf32>
    %slice3A_75 = vector.extract_strided_slice %get3A_13 {offsets = [0, 384], sizes = [400, 64], strides = [1, 1]} : vector<400x512xf32> to vector<400x64xf32>
    %mul3A_76 = vector.broadcast %slice3A_74 : vector<400x1xf32> to vector<400x64xf32>
    %mul3A_77 = arith.mulf %mul3A_76, %slice3A_75 : vector<400x64xf32>
    %add3A_78 = arith.addf %add3A_73, %mul3A_77 : vector<400x64xf32>
    %slice3A_79 = vector.extract_strided_slice %div3A_41 {offsets = [0, 7], sizes = [400, 1], strides = [1, 1]} : vector<400x8xf32> to vector<400x1xf32>
    %slice3A_80 = vector.extract_strided_slice %get3A_13 {offsets = [0, 448], sizes = [400, 64], strides = [1, 1]} : vector<400x512xf32> to vector<400x64xf32>
    %mul3A_81 = vector.broadcast %slice3A_79 : vector<400x1xf32> to vector<400x64xf32>
    %mul3A_82 = arith.mulf %mul3A_81, %slice3A_80 : vector<400x64xf32>
    %add3A_83 = arith.addf %add3A_78, %mul3A_82 : vector<400x64xf32>
    %mul3A_84 = arith.constant 1.250000e-01 : f32
    %mul3A_85 = vector.broadcast %mul3A_84 : f32 to vector<400x64xf32>
    %mul3A_86 = arith.mulf %add3A_83, %mul3A_85 : vector<400x64xf32>
    %swap3A_87 = arith.constant 0 : index
    %swap3A_88 = arith.constant 0 : index
    %swap3A_89 = vector.load %arg8[%swap3A_87, %swap3A_88] : memref<400x64xf32, #tpu.memory_space<vmem>>, vector<400x64xf32>
    tpu.vector_store %arg8[%swap3A_87, %swap3A_88], %mul3A_86 {strides = array<i32>} : memref<400x64xf32, #tpu.memory_space<vmem>>, vector<400x64xf32>,
    return
  }
  func.func @transform_0(%arg0: i32) -> (i32, i32, i32) {
    %c0_i32 = arith.constant 0 : i32
    %c0_i32_0 = arith.constant 0 : i32
    %c0_i32_1 = arith.constant 0 : i32
    %c0_i32_2 = arith.constant 0 : i32
    return %c0_i32, %c0_i32_0, %c0_i32_1 : i32, i32, i32
  }
  func.func @transform_1(%arg0: i32) -> (i32, i32) {
    %c0_i32 = arith.constant 0 : i32
    %c0_i32_0 = arith.constant 0 : i32
    %c0_i32_1 = arith.constant 0 : i32
    return %c0_i32, %c0_i32_0 : i32, i32
  }
  func.func @transform_2(%arg0: i32) -> (i32, i32) {
    %c0_i32 = arith.constant 0 : i32
    %c0_i32_0 = arith.constant 0 : i32
    return %arg0, %c0_i32 : i32, i32
  }
  func.func @transform_3(%arg0: i32) -> (i32, i32) {
    %c0_i32 = arith.constant 0 : i32
    %c0_i32_0 = arith.constant 0 : i32
    return %arg0, %c0_i32 : i32, i32
  }
  func.func @transform_4(%arg0: i32) -> (i32, i32) {
    %c0_i32 = arith.constant 0 : i32
    %c0_i32_0 = arith.constant 0 : i32
    return %arg0, %c0_i32 : i32, i32
  }
  func.func @transform_5(%arg0: i32) -> (i32, i32) {
    %c0_i32 = arith.constant 0 : i32
    %c0_i32_0 = arith.constant 0 : i32
    %c0_i32_1 = arith.constant 0 : i32
    return %c0_i32, %c0_i32_0 : i32, i32
  }
  func.func @transform_6(%arg0: i32) -> (i32, i32) {
    %c0_i32 = arith.constant 0 : i32
    %c0_i32_0 = arith.constant 0 : i32
    return %arg0, %c0_i32 : i32, i32
  }
  func.func @transform_7(%arg0: i32) -> (i32, i32) {
    %c0_i32 = arith.constant 0 : i32
    %c0_i32_0 = arith.constant 0 : i32
    return %arg0, %c0_i32 : i32, i32
  }
}

module attributes {stable_mosaic.version = 14 : i64} {
  func.func @_tc_e_body(%arg0: i32, %arg1: memref<256x512xf32, #tpu.memory_space<vmem>>, %arg2: memref<256x16xf32, #tpu.memory_space<vmem>>, %arg3: memref<1x1x256xi32, #tpu.memory_space<vmem>>, %arg4: memref<10000x64xf32, #tpu.memory_space<vmem>>, %arg5: memref<10000x64xf32, #tpu.memory_space<vmem>>) attributes {dimension_semantics = [#tpu.dimension_semantics<arbitrary>], iteration_bounds = array<i64: 625>, scalar_prefetch = 0 : i64, scratch_operands = 1 : i64, tpu.core_type = #tpu.core_type<tc>, window_params = [{transform_indices = @transform_0, window_bounds = array<i64: 256, 512>}, {transform_indices = @transform_1, window_bounds = array<i64: 256, 16>}, {transform_indices = @transform_2, window_bounds = array<i64: 1, 1, 256>}, {pipeline_mode = #tpu.pipeline_mode<synchronous>, transform_indices = @transform_3, window_bounds = array<i64: 10000, 64>}]} {
    %get3A = arith.constant 0 : index
    %get3A_0 = arith.constant 0 : index
    %get3A_1 = vector.load %arg2[%get3A, %get3A_0] : memref<256x16xf32, #tpu.memory_space<vmem>>, vector<256x16xf32>
    %get3A_2 = arith.constant 0 : index
    %get3A_3 = arith.constant 0 : index
    %get3A_4 = vector.load %arg1[%get3A_2, %get3A_3] : memref<256x512xf32, #tpu.memory_space<vmem>>, vector<256x512xf32>
    %broadcast_in_dim3A = arith.constant 0.000000e+00 : f32
    %broadcast_in_dim3A_5 = vector.broadcast %broadcast_in_dim3A : f32 to vector<256x64xf32>
    %slice3A = vector.extract_strided_slice %get3A_1 {offsets = [0, 0], sizes = [256, 1], strides = [1, 1]} : vector<256x16xf32> to vector<256x1xf32>
    %slice3A_6 = vector.extract_strided_slice %get3A_4 {offsets = [0, 0], sizes = [256, 64], strides = [1, 1]} : vector<256x512xf32> to vector<256x64xf32>
    %mul3A = vector.broadcast %slice3A : vector<256x1xf32> to vector<256x64xf32>
    %mul3A_7 = arith.mulf %mul3A, %slice3A_6 : vector<256x64xf32>
    %add3A = arith.addf %broadcast_in_dim3A_5, %mul3A_7 : vector<256x64xf32>
    %slice3A_8 = vector.extract_strided_slice %get3A_1 {offsets = [0, 1], sizes = [256, 1], strides = [1, 1]} : vector<256x16xf32> to vector<256x1xf32>
    %slice3A_9 = vector.extract_strided_slice %get3A_4 {offsets = [0, 64], sizes = [256, 64], strides = [1, 1]} : vector<256x512xf32> to vector<256x64xf32>
    %mul3A_10 = vector.broadcast %slice3A_8 : vector<256x1xf32> to vector<256x64xf32>
    %mul3A_11 = arith.mulf %mul3A_10, %slice3A_9 : vector<256x64xf32>
    %add3A_12 = arith.addf %add3A, %mul3A_11 : vector<256x64xf32>
    %slice3A_13 = vector.extract_strided_slice %get3A_1 {offsets = [0, 2], sizes = [256, 1], strides = [1, 1]} : vector<256x16xf32> to vector<256x1xf32>
    %slice3A_14 = vector.extract_strided_slice %get3A_4 {offsets = [0, 128], sizes = [256, 64], strides = [1, 1]} : vector<256x512xf32> to vector<256x64xf32>
    %mul3A_15 = vector.broadcast %slice3A_13 : vector<256x1xf32> to vector<256x64xf32>
    %mul3A_16 = arith.mulf %mul3A_15, %slice3A_14 : vector<256x64xf32>
    %add3A_17 = arith.addf %add3A_12, %mul3A_16 : vector<256x64xf32>
    %slice3A_18 = vector.extract_strided_slice %get3A_1 {offsets = [0, 3], sizes = [256, 1], strides = [1, 1]} : vector<256x16xf32> to vector<256x1xf32>
    %slice3A_19 = vector.extract_strided_slice %get3A_4 {offsets = [0, 192], sizes = [256, 64], strides = [1, 1]} : vector<256x512xf32> to vector<256x64xf32>
    %mul3A_20 = vector.broadcast %slice3A_18 : vector<256x1xf32> to vector<256x64xf32>
    %mul3A_21 = arith.mulf %mul3A_20, %slice3A_19 : vector<256x64xf32>
    %add3A_22 = arith.addf %add3A_17, %mul3A_21 : vector<256x64xf32>
    %slice3A_23 = vector.extract_strided_slice %get3A_1 {offsets = [0, 4], sizes = [256, 1], strides = [1, 1]} : vector<256x16xf32> to vector<256x1xf32>
    %slice3A_24 = vector.extract_strided_slice %get3A_4 {offsets = [0, 256], sizes = [256, 64], strides = [1, 1]} : vector<256x512xf32> to vector<256x64xf32>
    %mul3A_25 = vector.broadcast %slice3A_23 : vector<256x1xf32> to vector<256x64xf32>
    %mul3A_26 = arith.mulf %mul3A_25, %slice3A_24 : vector<256x64xf32>
    %add3A_27 = arith.addf %add3A_22, %mul3A_26 : vector<256x64xf32>
    %slice3A_28 = vector.extract_strided_slice %get3A_1 {offsets = [0, 5], sizes = [256, 1], strides = [1, 1]} : vector<256x16xf32> to vector<256x1xf32>
    %slice3A_29 = vector.extract_strided_slice %get3A_4 {offsets = [0, 320], sizes = [256, 64], strides = [1, 1]} : vector<256x512xf32> to vector<256x64xf32>
    %mul3A_30 = vector.broadcast %slice3A_28 : vector<256x1xf32> to vector<256x64xf32>
    %mul3A_31 = arith.mulf %mul3A_30, %slice3A_29 : vector<256x64xf32>
    %add3A_32 = arith.addf %add3A_27, %mul3A_31 : vector<256x64xf32>
    %slice3A_33 = vector.extract_strided_slice %get3A_1 {offsets = [0, 6], sizes = [256, 1], strides = [1, 1]} : vector<256x16xf32> to vector<256x1xf32>
    %slice3A_34 = vector.extract_strided_slice %get3A_4 {offsets = [0, 384], sizes = [256, 64], strides = [1, 1]} : vector<256x512xf32> to vector<256x64xf32>
    %mul3A_35 = vector.broadcast %slice3A_33 : vector<256x1xf32> to vector<256x64xf32>
    %mul3A_36 = arith.mulf %mul3A_35, %slice3A_34 : vector<256x64xf32>
    %add3A_37 = arith.addf %add3A_32, %mul3A_36 : vector<256x64xf32>
    %slice3A_38 = vector.extract_strided_slice %get3A_1 {offsets = [0, 7], sizes = [256, 1], strides = [1, 1]} : vector<256x16xf32> to vector<256x1xf32>
    %slice3A_39 = vector.extract_strided_slice %get3A_4 {offsets = [0, 448], sizes = [256, 64], strides = [1, 1]} : vector<256x512xf32> to vector<256x64xf32>
    %mul3A_40 = vector.broadcast %slice3A_38 : vector<256x1xf32> to vector<256x64xf32>
    %mul3A_41 = arith.mulf %mul3A_40, %slice3A_39 : vector<256x64xf32>
    %add3A_42 = arith.addf %add3A_37, %mul3A_41 : vector<256x64xf32>
    %mul3A_43 = arith.constant 1.250000e-01 : f32
    %mul3A_44 = vector.broadcast %mul3A_43 : f32 to vector<256x64xf32>
    %mul3A_45 = arith.mulf %add3A_42, %mul3A_44 : vector<256x64xf32>
    %get3A_46 = arith.constant 0 : index
    %get3A_47 = arith.constant 0 : index
    %get3A_48 = arith.constant 0 : index
    %get3A_49 = vector.load %arg3[%get3A_46, %get3A_47, %get3A_48] : memref<1x1x256xi32, #tpu.memory_space<vmem>>, vector<1x1x256xi32>
    %reshape3A = vector.shape_cast %get3A_49 : vector<1x1x256xi32> to vector<1x256xi32>
    %iota3A = tpu.iota {dimensions = array<i32: 0>} : vector<10000x256xi32>
    %broadcast_in_dim3A_50 = vector.shape_cast %reshape3A : vector<1x256xi32> to vector<1x256xi32>
    %broadcast_in_dim3A_51 = vector.broadcast %broadcast_in_dim3A_50 : vector<1x256xi32> to vector<10000x256xi32>
    %eq3A = arith.cmpi eq, %iota3A, %broadcast_in_dim3A_51 : vector<10000x256xi32>
    %convert_element_type3A = arith.extui %eq3A : vector<10000x256xi1> to vector<10000x256xi32>
    %convert_element_type3A_52 = arith.sitofp %convert_element_type3A : vector<10000x256xi32> to vector<10000x256xf32>
    %eq3A_53 = arith.constant 0 : i32
    %eq3A_54 = arith.cmpi eq, %arg0, %eq3A_53 : i32
    %convert_element_type3A_55 = arith.extui %eq3A_54 : i1 to i32
    %cond3A = arith.constant 0 : i32
    %cond3A_56 = arith.cmpi ne, %convert_element_type3A_55, %cond3A : i32
    scf.if %cond3A_56 {
      %broadcast_in_dim3A_69 = arith.constant 0.000000e+00 : f32
      %broadcast_in_dim3A_70 = vector.broadcast %broadcast_in_dim3A_69 : f32 to vector<10000x64xf32>
      %swap3A_71 = arith.constant 0 : index
      %swap3A_72 = arith.constant 0 : index
      %swap3A_73 = vector.load %arg5[%swap3A_71, %swap3A_72] : memref<10000x64xf32, #tpu.memory_space<vmem>>, vector<10000x64xf32>
      tpu.vector_store %arg5[%swap3A_71, %swap3A_72], %broadcast_in_dim3A_70 {strides = array<i32>} : memref<10000x64xf32, #tpu.memory_space<vmem>>, vector<10000x64xf32>,
    } else {
    }
    %get3A_57 = arith.constant 0 : index
    %get3A_58 = arith.constant 0 : index
    %get3A_59 = vector.load %arg5[%get3A_57, %get3A_58] : memref<10000x64xf32, #tpu.memory_space<vmem>>, vector<10000x64xf32>
    %dot_general3A = arith.constant dense<0.000000e+00> : vector<10000x64xf32>
    %dot_general3A_60 = tpu.matmul %convert_element_type3A_52, %mul3A_45, %dot_general3A {dimension_numbers = #tpu.dot_dimension_numbers<[1], [0], [0], [1], [0, 0, 1, 1], [], []>, transpose_lhs_hint = false} : vector<10000x256xf32>, vector<256x64xf32>, vector<10000x64xf32> -> vector<10000x64xf32>
    %add3A_61 = arith.addf %get3A_59, %dot_general3A_60 : vector<10000x64xf32>
    %swap3A = arith.constant 0 : index
    %swap3A_62 = arith.constant 0 : index
    %swap3A_63 = vector.load %arg5[%swap3A, %swap3A_62] : memref<10000x64xf32, #tpu.memory_space<vmem>>, vector<10000x64xf32>
    tpu.vector_store %arg5[%swap3A, %swap3A_62], %add3A_61 {strides = array<i32>} : memref<10000x64xf32, #tpu.memory_space<vmem>>, vector<10000x64xf32>,
    %eq3A_64 = arith.constant 624 : i32
    %eq3A_65 = arith.cmpi eq, %arg0, %eq3A_64 : i32
    %convert_element_type3A_66 = arith.extui %eq3A_65 : i1 to i32
    %cond3A_67 = arith.constant 0 : i32
    %cond3A_68 = arith.cmpi ne, %convert_element_type3A_66, %cond3A_67 : i32
    scf.if %cond3A_68 {
      %get3A_69 = arith.constant 0 : index
      %get3A_70 = arith.constant 0 : index
      %get3A_71 = vector.load %arg5[%get3A_69, %get3A_70] : memref<10000x64xf32, #tpu.memory_space<vmem>>, vector<10000x64xf32>
      %swap3A_72 = arith.constant 0 : index
      %swap3A_73 = arith.constant 0 : index
      %swap3A_74 = vector.load %arg4[%swap3A_72, %swap3A_73] : memref<10000x64xf32, #tpu.memory_space<vmem>>, vector<10000x64xf32>
      tpu.vector_store %arg4[%swap3A_72, %swap3A_73], %get3A_71 {strides = array<i32>} : memref<10000x64xf32, #tpu.memory_space<vmem>>, vector<10000x64xf32>,
    } else {
    }
    return
  }
  func.func @transform_0(%arg0: i32) -> (i32, i32) {
    %c0_i32 = arith.constant 0 : i32
    %c0_i32_0 = arith.constant 0 : i32
    return %arg0, %c0_i32 : i32, i32
  }
  func.func @transform_1(%arg0: i32) -> (i32, i32) {
    %c0_i32 = arith.constant 0 : i32
    %c0_i32_0 = arith.constant 0 : i32
    return %arg0, %c0_i32 : i32, i32
  }
  func.func @transform_2(%arg0: i32) -> (i32, i32, i32) {
    %c0_i32 = arith.constant 0 : i32
    %c0_i32_0 = arith.constant 0 : i32
    %c0_i32_1 = arith.constant 0 : i32
    return %arg0, %c0_i32, %c0_i32_0 : i32, i32, i32
  }
  func.func @transform_3(%arg0: i32) -> (i32, i32) {
    %c0_i32 = arith.constant 0 : i32
    %c0_i32_0 = arith.constant 0 : i32
    %c0_i32_1 = arith.constant 0 : i32
    return %c0_i32, %c0_i32_0 : i32, i32
  }
}

module attributes {stable_mosaic.version = 14 : i64} {
  func.func @_tc_c_body(%arg0: i32, %arg1: memref<400x64xf32, #tpu.memory_space<vmem>>, %arg2: memref<400x64xf32, #tpu.memory_space<vmem>>, %arg3: memref<1x1x400xi32, #tpu.memory_space<vmem>>, %arg4: memref<1x64xf32, #tpu.memory_space<vmem>>, %arg5: memref<64x64xf32, #tpu.memory_space<vmem>>, %arg6: memref<1x64xf32, #tpu.memory_space<vmem>>, %arg7: memref<16x64xf32, #tpu.memory_space<vmem>>, %arg8: memref<16x64xf32, #tpu.memory_space<vmem>>, %arg9: memref<16x128xf32, #tpu.memory_space<vmem>>) attributes {dimension_semantics = [#tpu.dimension_semantics<arbitrary>], iteration_bounds = array<i64: 25>, scalar_prefetch = 0 : i64, scratch_operands = 2 : i64, tpu.core_type = #tpu.core_type<tc>, window_params = [{transform_indices = @transform_0, window_bounds = array<i64: 400, 64>}, {transform_indices = @transform_1, window_bounds = array<i64: 400, 64>}, {transform_indices = @transform_2, window_bounds = array<i64: 1, 1, 400>}, {pipeline_mode = #tpu.pipeline_mode<synchronous>, transform_indices = @transform_3, window_bounds = array<i64: 1, 64>}, {pipeline_mode = #tpu.pipeline_mode<synchronous>, transform_indices = @transform_4, window_bounds = array<i64: 64, 64>}, {pipeline_mode = #tpu.pipeline_mode<synchronous>, transform_indices = @transform_5, window_bounds = array<i64: 1, 64>}, {pipeline_mode = #tpu.pipeline_mode<synchronous>, transform_indices = @transform_6, window_bounds = array<i64: 16, 64>}]} {
    %get3A = arith.constant 0 : index
    %get3A_0 = arith.constant 0 : index
    %get3A_1 = vector.load %arg1[%get3A, %get3A_0] : memref<400x64xf32, #tpu.memory_space<vmem>>, vector<400x64xf32>
    %get3A_2 = arith.constant 0 : index
    %get3A_3 = arith.constant 0 : index
    %get3A_4 = vector.load %arg2[%get3A_2, %get3A_3] : memref<400x64xf32, #tpu.memory_space<vmem>>, vector<400x64xf32>
    %add3A = arith.addf %get3A_1, %get3A_4 : vector<400x64xf32>
    %get3A_5 = arith.constant 0 : index
    %get3A_6 = arith.constant 0 : index
    %get3A_7 = vector.load %arg4[%get3A_5, %get3A_6] : memref<1x64xf32, #tpu.memory_space<vmem>>, vector<1x64xf32>
    %add3A_8 = vector.broadcast %get3A_7 : vector<1x64xf32> to vector<400x64xf32>
    %add3A_9 = arith.addf %add3A, %add3A_8 : vector<400x64xf32>
    %tanh3A = math.tanh %add3A_9 : vector<400x64xf32>
    %get3A_10 = arith.constant 0 : index
    %get3A_11 = arith.constant 0 : index
    %get3A_12 = arith.constant 0 : index
    %get3A_13 = vector.load %arg3[%get3A_10, %get3A_11, %get3A_12] : memref<1x1x400xi32, #tpu.memory_space<vmem>>, vector<1x1x400xi32>
    %reshape3A = vector.shape_cast %get3A_13 : vector<1x1x400xi32> to vector<1x400xi32>
    %iota3A = tpu.iota {dimensions = array<i32: 0>} : vector<16x400xi32>
    %broadcast_in_dim3A = vector.shape_cast %reshape3A : vector<1x400xi32> to vector<1x400xi32>
    %broadcast_in_dim3A_14 = vector.broadcast %broadcast_in_dim3A : vector<1x400xi32> to vector<16x400xi32>
    %eq3A = arith.cmpi eq, %iota3A, %broadcast_in_dim3A_14 : vector<16x400xi32>
    %convert_element_type3A = arith.extui %eq3A : vector<16x400xi1> to vector<16x400xi32>
    %convert_element_type3A_15 = arith.sitofp %convert_element_type3A : vector<16x400xi32> to vector<16x400xf32>
    %eq3A_16 = arith.constant 0 : i32
    %eq3A_17 = arith.cmpi eq, %arg0, %eq3A_16 : i32
    %convert_element_type3A_18 = arith.extui %eq3A_17 : i1 to i32
    %cond3A = arith.constant 0 : i32
    %cond3A_19 = arith.cmpi ne, %convert_element_type3A_18, %cond3A : i32
    scf.if %cond3A_19 {
      %broadcast_in_dim3A_60 = arith.constant 0.000000e+00 : f32
      %broadcast_in_dim3A_61 = vector.broadcast %broadcast_in_dim3A_60 : f32 to vector<16x64xf32>
      %swap3A_62 = arith.constant 0 : index
      %swap3A_63 = arith.constant 0 : index
      %swap3A_64 = vector.load %arg8[%swap3A_62, %swap3A_63] : memref<16x64xf32, #tpu.memory_space<vmem>>, vector<16x64xf32>
      tpu.vector_store %arg8[%swap3A_62, %swap3A_63], %broadcast_in_dim3A_61 {strides = array<i32>} : memref<16x64xf32, #tpu.memory_space<vmem>>, vector<16x64xf32>,
      %broadcast_in_dim3A_65 = arith.constant 0.000000e+00 : f32
      %broadcast_in_dim3A_66 = vector.broadcast %broadcast_in_dim3A_65 : f32 to vector<16x128xf32>
      %swap3A_67 = arith.constant 0 : index
      %swap3A_68 = arith.constant 0 : index
      %swap3A_69 = vector.load %arg9[%swap3A_67, %swap3A_68] : memref<16x128xf32, #tpu.memory_space<vmem>>, vector<16x128xf32>
      tpu.vector_store %arg9[%swap3A_67, %swap3A_68], %broadcast_in_dim3A_66 {strides = array<i32>} : memref<16x128xf32, #tpu.memory_space<vmem>>, vector<16x128xf32>,
    } else {
    }
    %get3A_20 = arith.constant 0 : index
    %get3A_21 = arith.constant 0 : index
    %get3A_22 = vector.load %arg8[%get3A_20, %get3A_21] : memref<16x64xf32, #tpu.memory_space<vmem>>, vector<16x64xf32>
    %dot_general3A = arith.constant dense<0.000000e+00> : vector<16x64xf32>
    %dot_general3A_23 = tpu.matmul %convert_element_type3A_15, %tanh3A, %dot_general3A {dimension_numbers = #tpu.dot_dimension_numbers<[1], [0], [0], [1], [0, 0, 1, 1], [], []>, transpose_lhs_hint = false} : vector<16x400xf32>, vector<400x64xf32>, vector<16x64xf32> -> vector<16x64xf32>
    %add3A_24 = arith.addf %get3A_22, %dot_general3A_23 : vector<16x64xf32>
    %swap3A = arith.constant 0 : index
    %swap3A_25 = arith.constant 0 : index
    %swap3A_26 = vector.load %arg8[%swap3A, %swap3A_25] : memref<16x64xf32, #tpu.memory_space<vmem>>, vector<16x64xf32>
    tpu.vector_store %arg8[%swap3A, %swap3A_25], %add3A_24 {strides = array<i32>} : memref<16x64xf32, #tpu.memory_space<vmem>>, vector<16x64xf32>,
    %get3A_27 = arith.constant 0 : index
    %get3A_28 = arith.constant 0 : index
    %get3A_29 = vector.load %arg9[%get3A_27, %get3A_28] : memref<16x128xf32, #tpu.memory_space<vmem>>, vector<16x128xf32>
    %broadcast_in_dim3A_30 = arith.constant 1.000000e+00 : f32
    %broadcast_in_dim3A_31 = vector.broadcast %broadcast_in_dim3A_30 : f32 to vector<400x128xf32>
    %dot_general3A_32 = arith.constant dense<0.000000e+00> : vector<16x128xf32>
    %dot_general3A_33 = tpu.matmul %convert_element_type3A_15, %broadcast_in_dim3A_31, %dot_general3A_32 {dimension_numbers = #tpu.dot_dimension_numbers<[1], [0], [0], [1], [0, 0, 1, 1], [], []>, transpose_lhs_hint = false} : vector<16x400xf32>, vector<400x128xf32>, vector<16x128xf32> -> vector<16x128xf32>
    %add3A_34 = arith.addf %get3A_29, %dot_general3A_33 : vector<16x128xf32>
    %swap3A_35 = arith.constant 0 : index
    %swap3A_36 = arith.constant 0 : index
    %swap3A_37 = vector.load %arg9[%swap3A_35, %swap3A_36] : memref<16x128xf32, #tpu.memory_space<vmem>>, vector<16x128xf32>
    tpu.vector_store %arg9[%swap3A_35, %swap3A_36], %add3A_34 {strides = array<i32>} : memref<16x128xf32, #tpu.memory_space<vmem>>, vector<16x128xf32>,
    %get3A_38 = arith.constant 0 : index
    %get3A_39 = arith.constant 0 : index
    %get3A_40 = vector.load %arg8[%get3A_38, %get3A_39] : memref<16x64xf32, #tpu.memory_space<vmem>>, vector<16x64xf32>
    %get3A_41 = arith.constant 0 : index
    %get3A_42 = arith.constant 0 : index
    %get3A_43 = vector.load %arg9[%get3A_41, %get3A_42] : memref<16x128xf32, #tpu.memory_space<vmem>>, vector<16x128xf32>
    %slice3A = vector.extract_strided_slice %get3A_43 {offsets = [0, 0], sizes = [16, 64], strides = [1, 1]} : vector<16x128xf32> to vector<16x64xf32>
    %max3A = arith.constant 1.000000e+00 : f32
    %max3A_44 = vector.broadcast %max3A : f32 to vector<16x64xf32>
    %max3A_45 = arith.maximumf %slice3A, %max3A_44 : vector<16x64xf32>
    %div3A = arith.divf %get3A_40, %max3A_45 : vector<16x64xf32>
    %get3A_46 = arith.constant 0 : index
    %get3A_47 = arith.constant 0 : index
    %get3A_48 = vector.load %arg5[%get3A_46, %get3A_47] : memref<64x64xf32, #tpu.memory_space<vmem>>, vector<64x64xf32>
    %dot_general3A_49 = arith.constant dense<0.000000e+00> : vector<16x64xf32>
    %dot_general3A_50 = tpu.matmul %div3A, %get3A_48, %dot_general3A_49 {dimension_numbers = #tpu.dot_dimension_numbers<[1], [0], [0], [1], [0, 0, 1, 1], [], []>, transpose_lhs_hint = false} : vector<16x64xf32>, vector<64x64xf32>, vector<16x64xf32> -> vector<16x64xf32>
    %get3A_51 = arith.constant 0 : index
    %get3A_52 = arith.constant 0 : index
    %get3A_53 = vector.load %arg6[%get3A_51, %get3A_52] : memref<1x64xf32, #tpu.memory_space<vmem>>, vector<1x64xf32>
    %add3A_54 = vector.broadcast %get3A_53 : vector<1x64xf32> to vector<16x64xf32>
    %add3A_55 = arith.addf %dot_general3A_50, %add3A_54 : vector<16x64xf32>
    %tanh3A_56 = math.tanh %add3A_55 : vector<16x64xf32>
    %swap3A_57 = arith.constant 0 : index
    %swap3A_58 = arith.constant 0 : index
    %swap3A_59 = vector.load %arg7[%swap3A_57, %swap3A_58] : memref<16x64xf32, #tpu.memory_space<vmem>>, vector<16x64xf32>
    tpu.vector_store %arg7[%swap3A_57, %swap3A_58], %tanh3A_56 {strides = array<i32>} : memref<16x64xf32, #tpu.memory_space<vmem>>, vector<16x64xf32>,
    return
  }
  func.func @transform_0(%arg0: i32) -> (i32, i32) {
    %c0_i32 = arith.constant 0 : i32
    %c0_i32_0 = arith.constant 0 : i32
    return %arg0, %c0_i32 : i32, i32
  }
  func.func @transform_1(%arg0: i32) -> (i32, i32) {
    %c0_i32 = arith.constant 0 : i32
    %c0_i32_0 = arith.constant 0 : i32
    return %arg0, %c0_i32 : i32, i32
  }
  func.func @transform_2(%arg0: i32) -> (i32, i32, i32) {
    %c0_i32 = arith.constant 0 : i32
    %c0_i32_0 = arith.constant 0 : i32
    %c0_i32_1 = arith.constant 0 : i32
    return %arg0, %c0_i32, %c0_i32_0 : i32, i32, i32
  }
  func.func @transform_3(%arg0: i32) -> (i32, i32) {
    %c0_i32 = arith.constant 0 : i32
    %c0_i32_0 = arith.constant 0 : i32
    %c0_i32_1 = arith.constant 0 : i32
    return %c0_i32, %c0_i32_0 : i32, i32
  }
  func.func @transform_4(%arg0: i32) -> (i32, i32) {
    %c0_i32 = arith.constant 0 : i32
    %c0_i32_0 = arith.constant 0 : i32
    %c0_i32_1 = arith.constant 0 : i32
    return %c0_i32, %c0_i32_0 : i32, i32
  }
  func.func @transform_5(%arg0: i32) -> (i32, i32) {
    %c0_i32 = arith.constant 0 : i32
    %c0_i32_0 = arith.constant 0 : i32
    %c0_i32_1 = arith.constant 0 : i32
    return %c0_i32, %c0_i32_0 : i32, i32
  }
  func.func @transform_6(%arg0: i32) -> (i32, i32) {
    %c0_i32 = arith.constant 0 : i32
    %c0_i32_0 = arith.constant 0 : i32
    %c0_i32_1 = arith.constant 0 : i32
    return %c0_i32, %c0_i32_0 : i32, i32
  }
}

</mosaic_0001>

<sc_bundles>
// kernel: kernel.10.cloned.1.call-start
scs
__scs_entry_jumppad:
0x0: {  	(pc) =	sbr.rel $0x88, $3  }
0x1: {  	(tag) =	ssettag $0x0;
	lr =	simm.s32 $0x1  }
0x2: {  	[smem:$0x3F93] =	sst lr;
	_ =	strace $0xD0000000  }
0x3: {  	_ = 	snop  }
0x4: {  	_ = 	snop  }
0x5: {  	_ = 	snop  }
0x6: {  	_ = 	snop  }
0x7: {  	_ = 	snop  }
__scs_overlays_trampoline_lowered:
0x8: {  	[smem:$0x3FA2] =	sst s0  }
0x9: {  	[smem:$0x3FA3] =	sst s1  }
0xa: {  	[smem:$0x3FA4] =	sst s2  }
0xb: {  	[smem:$0x3FA5] =	sst s3  }
0xc: {  	[smem:$0x3FA6] =	sst s4  }
0xd: {  	[smem:$0x3FA7] =	sst s5  }
0xe: {  	[smem:$0x3FA8] =	sst s6  }
0xf: {  	[smem:$0x3FA9] =	sst s7  }
0x10: {  	[smem:$0x3FAA] =	sst s8  }
0x11: {  	[smem:$0x3FAB] =	sst s9;
	s0 =	simm.s32 @!p0 $0x0  }
0x12: {  	s1 =	sld [smem:$0x3F91];
	s0 =	simm.s32 @p0 $0x1  }
0x13: {  	[smem:$0x3FAC] =	sst s0;
	s0 =	simm.s32 @!p1 $0x0  }
0x14: {  	s2 =	sld [smem:$0x3F90];
	s0 =	simm.s32 @p1 $0x1  }
0x15: {  	[smem:$0x3FAD] =	sst s0;
	s0 =	simm.s32 @!p2 $0x0  }
0x16: {  	s3 =	sld [smem:$0x3FDB];
	s0 =	simm.s32 @p2 $0x1  }
0x17: {  	s4 =	simm.s32 $0x1BF5;
	[smem:$0x3FAF] =	sst s0  }
0x18: {  	s0 =	sld [smem:$0x3F92];
	_ =	swait.ge [sflag:s4], $0x0  }
0x19: {  	s7 =	sld [smem:$0x3F93]  }
0x1a: {  	s8 =	sadd.s32 $0xFFFFE003, lr  }
0x1b: {  	s9 =	sadd.s32 $0xFFFFFEF7, lr;
	s5 =	simm.s32 $0xFFFFFFFF;
	p2 =	slt.u32 s8, $0xFFFFF086  }
0x1c: {  	p1 =	slt.u32 s9, $0xF7A;
	s5 =	simm.s32 @!p2 $0x0  }
0x1d: {  	s5 =	simm.s32 @p1 $0x1;
	p0 =	seq.s32 s7, s2  }
0x1e: {  	s7 =	smul.u32 @!p0 $0xF7A, s2;
	p2 =	seq.s32 @!p0 s5, $0x0  }
0x1f: {  	s9 =	smul.u32 $0xF7A, s1;
	s8 =	simm.s32 @!p0 $0x1BF5;
	p2 =	por !p2, p0  }
0x20: {  	[sflag:s8] =	ssyncset.s32 @!p0 $0xFFFFF086;
	s6 =	sadd.s32 @!p0 s3, s7;
	s7 =	simm.s32 @!p0 $0x108  }
0x21: {  	s3 =	sadd.s32 s3, s9;
	s6 =	sadd.s32 @!p0 $0x88, s6;
	s7 =	simm.s32 @p2 $0x1082  }
0x22: {  	[simem:s7], [sflag:s8] =	dma.local @!p0 [hbm:s6], $0xF7A  }
0x23: {  	s9 =	sor.u32 $0xD0000000, s2;
	s6 =	simm.s32 $0x108;
	_ =	swait.ge @!p0 [sflag:s8], $0x0  }
0x24: {  	s3 =	sadd.s32 $0x88, s3;
	s6 =	simm.s32 @!p1 $0x1082;
	[sflag:s4] =	ssyncset.s32 $0xFFFFF086  }
0x25: {  	[simem:s6], [sflag:s4] =	dma.local [hbm:s3], $0xF7A  }
0x26: {  	[smem:$0x3F93] =	sst s1;
	(tag) =	ssettag s2;
	_ =	strace s9  }
0x27: {  	s1 =	sld [smem:$0x3FA3]  }
0x28: {  	s2 =	sld [smem:$0x3FA4]  }
0x29: {  	s4 =	sld [smem:$0x3FA6]  }
0x2a: {  	p0 =	seq.s32 s5, $0x0;
	s5 =	sld [smem:$0x3FA7]  }
0x2b: {  	s6 =	sld [smem:$0x3FA8]  }
0x2c: {  	s7 =	sld [smem:$0x3FA9]  }
0x2d: {  	s3 =	simm.s32 $0x108;
	s8 =	sld [smem:$0x3FAA]  }
0x2e: {  	s3 =	simm.s32 @!p0 $0x1082;
	s9 =	sld [smem:$0x3FAB]  }
0x2f: {  	lr =	sadd.s32 s0, s3;
	s0 =	sld [smem:$0x3FA2]  }
0x30: {  	s3 =	sld [smem:$0x3FA5]  }
0x31: {  	[smem:$0x3FAE] =	sst s10  }
0x32: {  	s10 =	sld [smem:$0x3FAC];
	_ =	sdelay $0x3  }
0x33: {  	p0 =	seq.s32 s10, $0x1;
	s10 =	sld [smem:$0x3FAE];
	_ =	sdelay $0x3  }
0x34: {  	[smem:$0x3FAE] =	sst s10  }
0x35: {  	s10 =	sld [smem:$0x3FAD];
	_ =	sdelay $0x3  }
0x36: {  	p1 =	seq.s32 s10, $0x1;
	s10 =	sld [smem:$0x3FAE];
	_ =	sdelay $0x3  }
0x37: {  	[smem:$0x3FAE] =	sst s10  }
0x38: {  	s10 =	sld [smem:$0x3FAF]  }
0x39: {  	_ = 	snop;
	(pc) =	sbr.ind lr, $3  }
0x3a: {  	_ = 	snop  }
0x3b: {  	_ = 	snop  }
0x3c: {  	p2 =	seq.s32 s10, $0x1;
	s10 =	sld [smem:$0x3FAE]  }
0x3d: {  	_ =	shalt  }
0x3e: {  	_ =	shalt  }
0x3f: {  	_ =	shalt  }
0x40: {  	_ =	shalt  }
0x41: {  	_ =	shalt  }
0x42: {  	_ =	shalt  }
0x43: {  	_ =	shalt  }
0x44: {  	_ =	shalt  }
0x45: {  	_ =	shalt  }
0x46: {  	_ =	shalt  }
0x47: {  	_ =	shalt  }
0x48: {  	_ =	shalt  }
0x49: {  	_ =	shalt  }
0x4a: {  	_ =	shalt  }
0x4b: {  	_ =	shalt  }
0x4c: {  	_ =	shalt  }
0x4d: {  	_ =	shalt  }
0x4e: {  	_ =	shalt  }
0x4f: {  	_ =	shalt  }
0x50: {  	_ =	shalt  }
0x51: {  	_ =	shalt  }
0x52: {  	_ =	shalt  }
0x53: {  	_ =	shalt  }
0x54: {  	_ =	shalt  }
0x55: {  	_ =	shalt  }
0x56: {  	_ =	shalt  }
0x57: {  	_ =	shalt  }
0x58: {  	_ =	shalt  }
0x59: {  	_ =	shalt  }
0x5a: {  	_ =	shalt  }
0x5b: {  	_ =	shalt  }
0x5c: {  	_ =	shalt  }
0x5d: {  	_ =	shalt  }
0x5e: {  	_ =	shalt  }
0x5f: {  	_ =	shalt  }
0x60: {  	_ =	shalt  }
0x61: {  	_ =	shalt  }
0x62: {  	_ =	shalt  }
0x63: {  	_ =	shalt  }
0x64: {  	_ =	shalt  }
0x65: {  	_ =	shalt  }
0x66: {  	_ =	shalt  }
0x67: {  	_ =	shalt  }
0x68: {  	_ =	shalt  }
0x69: {  	_ =	shalt  }
0x6a: {  	_ =	shalt  }
0x6b: {  	_ =	shalt  }
0x6c: {  	_ =	shalt  }
0x6d: {  	_ =	shalt  }
0x6e: {  	_ =	shalt  }
0x6f: {  	_ =	shalt  }
0x70: {  	_ =	shalt  }
0x71: {  	_ =	shalt  }
0x72: {  	_ =	shalt  }
0x73: {  	_ =	shalt  }
0x74: {  	_ =	shalt  }
0x75: {  	_ =	shalt  }
0x76: {  	_ =	shalt  }
0x77: {  	_ =	shalt  }
0x78: {  	_ =	shalt  }
0x79: {  	_ =	shalt  }
0x7a: {  	_ =	shalt  }
0x7b: {  	_ =	shalt  }
0x7c: {  	_ =	shalt  }
0x7d: {  	_ =	shalt  }
0x7e: {  	_ =	shalt  }
0x7f: {  	_ =	shalt  }
0x80: {  	_ =	shalt  }
0x81: {  	_ =	shalt  }
0x82: {  	_ =	shalt  }
0x83: {  	_ =	shalt  }
0x84: {  	_ =	shalt  }
0x85: {  	_ =	shalt  }
0x86: {  	_ =	shalt  }
0x87: {  	_ =	shalt  }
.Lfunc_end0:
.L_simem_size_0:
called_computation_lowered:
.L_overlay_start_0:
0x88: {  	s2 =	sld [smem:$0x3FD9]  }
0x89: {  	s3 =	sld [smem:$0x3FFE];
	_ =	sdelay $0x1  }
0x8a: {  	s1 =	srdreg.scid  }
0x8b: {  	s0 =	sand.u32 $0x1, s1  }
0x8c: {  	s17 =	sshll.u32 s0, $0xA;
	s2 =	sadd.s32 s3, s2  }
0x8d: {  	s2 =	sadd.s32 s2, s17  }
0x8e: {  	[smem:$0x3FBA] =	sst s2  }
0x8f: {  	_ = 	snop  }
0x90: {  	s2 =	sld [smem:$0x3FD0];
	(tm) =	ssettm $0x1  }
0x91: {  	s18 =	sld [smem:$0x3FFB];
	_ =	sdelay $0x3  }
0x92: {  	_ =	strace s18  }
0x93: {  	s3 =	sld [smem:$0x3FFC];
	_ =	sdelay $0x3  }
0x94: {  	_ =	strace s3  }
0x95: {  	s3 =	sld [smem:$0x3FFD];
	_ =	sdelay $0x3  }
0x96: {  	_ =	strace s3  }
0x97: {  	_ =	strace $0x8FFFFFFF  }
0x98: {  	s19 =	sld [smem:$0x3FDB];
	_ =	sdelay $0x1  }
0x99: {  	s4 =	simm.s32 $_scs_section_size  }
0x9a: {  	s5 =	simm.s32 $_size__tile_overlayer_lowered;
	s6 =	simm.s32 $_tile_overlayer_lowered  }
0x9b: {  	s22 =	simm.s32 $0x1BFF;
	s21 =	sshll.u32 s6, $0x1;
	s3 =	sadd.s32 s4, s19  }
0x9c: {  	s7 =	simm.s32 $0x0;
	s20 =	sshll.u32 s5, $0x1;
	s5 =	sadd.s32 s21, s3  }
0x9d: {  	[timem:s7], [sflag:s22] =	dma.local [hbm:s5], s20  }
0x9e: {  	_ =	swait.ge [sflag:s22], s20  }
0x9f: {  	s4 =	ssub.s32 $0x0, s20;
	[sflag:s22] =	ssyncset.done $0x0  }
0xa0: {  	[sflag:s22] =	ssyncadd.s32 s4;
	_ =	sdelay $0x1  }
0xa1: {  	s23 =	simm.s32 $0x1B8B  }
0xa2: {  	_ =	swait.ge [sflag:s23], $0x1  }
0xa3: {  	[sflag:s23] =	ssyncset.done $0x0  }
0xa4: {  	s25 =	simm.s32 $0x1B8E;
	s24 =	sld [smem:$0x3FFE];
	[sflag:s23] =	ssyncadd.s32 $0xFFFFFFFF  }
0xa5: {  	s26 =	simm.s32 $execute0_lowered;
	[smem:$0x3FD2] =	sst s25  }
0xa6: {  	s5 =	sshll.u32 s26, $0x1;
	_ =	strace $0x80000046;
	[dreg:$0x1] =	wrdreg $0xFFFFFFFF  }
0xa7: {  	s28 =	simm.s32 $_size_execute0_lowered;
	s3 =	sadd.s32 s3, s5;
	[dreg:$0x0] =	wrdreg $0x0  }
0xa8: {  	s5 =	sshll.u32 s28, $0x1;
	[dreg:$0x2] =	wrdreg s3  }
0xa9: {  	[dreg:$0x3] =	wrdreg s5  }
0xaa: {  	[dreg:$0x4] =	wrdreg $0xC0  }
0xab: {  	_ =	task [dreg:s7], $0x5FFFF  }
0xac: {  	[dreg:$0x1] =	wrdreg $0xFFFFFFFF  }
0xad: {  	[dreg:$0x0] =	wrdreg $0x60  }
0xae: {  	[dreg:$0x2] =	wrdreg s24  }
0xaf: {  	[dreg:$0x3] =	wrdreg s2  }
0xb0: {  	[dreg:$0x4] =	wrdreg $0xA  }
0xb1: {  	_ =	task.clear_ibuf [dreg:s7], $0x5FFFF;
	_ =	strace $0x90000046  }
0xb2: {  	s29 =	simm.s32 $0xA;
	_ =	strace $0x80000048  }
0xb3: {  	_ =	swait.ge [sflag:s29], $0x1  }
0xb4: {  	[sflag:s29] =	ssyncadd.s32 $0xFFFFFFFF  }
0xb5: {  	_ =	strace $0x90000048  }
0xb6: {  	_ =	sfence  }
0xb7: {  	s30 =	sld [smem:$0x0];
	_ =	sdelay $0x2  }
0xb8: {  	s31 =	sshll.u32 s1, $0xD;
	s1 =	sshrl.u32 s1, $0x2  }
0xb9: {  	s3 =	sand.u32 $0x4000, s31;
	s1 =	sadd.s32 s1, s30  }
0xba: {  	s0 =	sor.u32 s3, s0;
	s1 =	sshll.u32 s1, $0x11  }
0xbb: {  	s0 =	sor.u32 s1, s0  }
0xbc: {  	s0 =	sadd.s32 $0x8F2B, s0  }
0xbd: {  	[sflag:s0] =	ssyncadd.remote.s32 $0x1  }
0xbe: {  	_ =	sfence.sel $0xFFFF  }
0xbf: {  	[dreg:$0x0] =	wrdreg $0xFFFFFFFF;
	(pc) =	sbr.abs _section_cstart, $3  }
0xc0: {  	[dreg:$0x1] =	wrdreg $0xFFFFFFFF  }
0xc1: {  	_ =	task.clear_ibuf [dreg:s7], $0x2FFFF;
	_ =	strace $0x9FFFFFFF  }
0xc2: {  	(tm) =	ssettm $0x7FFFFFFF  }
0xc3: {  	_ =	shalt  }
tec
execute0_lowered:
.L_overlay_start_1:
0x0: {  	(tag) =	ssettag $0x1  }
0x1: {  	v0 =	vimm.s32 $0xBA98FEDC;
	v1 =	vimm.s32 $0x76543210  }
0x2: {  	v2 =	vimm.s32 $0xFEDCBA98;
	v3 =	vimm.s32 $0x32107654;
	v4 =	vimm.s32 $0xDCFE98BA  }
0x3: {  	v5 =	vimm.s32 $0x54761032;
	v6 =	vimm.s32 $0xEFCDAB89;
	v7 =	vimm.s32 $0x67452301  }
0x4: {  	vm0 =	vmmov $0xffff;
	vm1 =	vmmov $0x1;
	vm2 =	vcmask $0x320  }
0x5: {  	vm3 =	vcmask $0x720;
	vm4 =	vcmask $0xB20;
	vm5 =	vcmask $0xF20  }
0x6: {  	s0 =	rddreg [dreg:$0x0];
	s2 =	simm.s32 $0x0;
	s1 =	srdreg.scid;
	vm6 =	vcmask $0x1320;
	vm7 =	vcmask $0x1720;
	vm8 =	vcmask $0x1B20  }
0x7: {  	s8 =	stileid.u32;
	s12 =	simm.s32 $0x2;
	s13 =	simm.s32 $0x3;
	vm9 =	vmmov $0xff;
	v0 =	vunpack.c.l.s4.s8 v0;
	v3 =	vunpack.c.l.s4.s8 v3  }
0x8: {  	s16 =	simm.s32 $0x1080;
	s17 =	simm.s32 $0x1880;
	s18 =	simm.s32 $0x2080;
	v1 =	vunpack.c.l.s4.s8 v1;
	v4 =	vunpack.c.l.s4.s8 v4;
	v5 =	vunpack.c.l.s4.s8 v5  }
0x9: {  	s19 =	simm.s32 $0x2880;
	s20 =	simm.s32 $0x3080;
	s21 =	simm.s32 $0x3880;
	v2 =	vunpack.c.l.s4.s8 v2;
	v0 =	vunpack.c.0.s8.s32 v0;
	v3 =	vunpack.c.0.s8.s32 v3  }
0xa: {  	s22 =	simm.s32 $0x4080;
	s23 =	simm.s32 $0x4880;
	s24 =	simm.s32 $0x5080;
	v6 =	vunpack.c.l.s4.s8 v6;
	v7 =	vunpack.c.l.s4.s8 v7;
	v4 =	vunpack.c.0.s8.s32 v4  }
0xb: {  	s25 =	simm.s32 $0x5880;
	s26 =	simm.s32 $0x1;
	s3 =	sand.u32 $0x1, s1;
	v5 =	vunpack.c.0.s8.s32 v5;
	v2 =	vunpack.c.0.s8.s32 v2;
	v8 =	vcombine.low v3, v0  }
.Ltmp0:
0xc: {  	s28 =	simm.s32 $0x6280;
	s1 =	ssub.s32 $0x2, s3;
	v0 =	vunpack.c.0.s8.s32 v6;
	v3 =	vunpack.c.0.s8.s32 v7;
	v6 =	vlaneseq.u32;
	(pc) =	sbr.rel .LBB2_1-.Ltmp0, $4  }
0xd: {  	[smem:$0x7FF] =	sst s2;
	s4 =	sadd.s32 $0x13DE00, s0;
	s6 =	sshrl.u32 s1, $0x1;
	v5 =	vcombine.low v5, v4;
	v7 =	vunpack.c.0.s8.s32 v1;
	v4 =	vshrl.u32 v6, $0x3  }
0xe: {  	s5 =	sadd.s32 $0x285E00, s0;
	s7 =	sadd.s32 $0x294A00, s0;
	s1 =	ssub.s32 s1, s6;
	v9 =	vcombine.low v3, v0;
	v0 =	vand.u32 $0x7, v6;
	v1 =	vmul.u32 $0x8, v4  }
0xf: {  	s8 =	sshll.u32 s8, $0x1;
	s9 =	sadd.s32 $0x13DF00, s0;
	s31 =	smax.u32 s1, $0x1;
	v3 =	vand.u32 $0xF, v2;
	v2 =	vor.u32 $0x8, v6;
	v4 =	vand.u32 $0xF, v8  }
0x10: {  	_ =	strace $0x80000047;
	s1 =	simm.s32 $0x0;
	[dreg:$0x3] =	wrdreg s31;
	v5 =	vand.u32 $0xF, v5;
	v3 =	vcombine.low v3, v7;
	v6 =	vand.u32 $0xF, v9  }
.LBB2_7:
0x11: {  	s1 =	rddreg [dreg:$0x4]  }
0x12: {  	s0 =	rddreg [dreg:$0x3];
	s1 =	sadd.s32 $0x1, s1  }
0x13: {  	p0 =	sne.s32 s1, s0  }
.Ltmp1:
0x14: {  	_ = 	snop;
	(pc) =	sbr.rel @!p0 .LBB2_8-.Ltmp1, $1  }
0x15: {  	_ =	sdelay $0x3  }
.LBB2_1:
0x16: {  	[dreg:$0x4] =	wrdreg s1  }
.Ltmp2:
0x17: {  	s0 =	rddreg [dreg:$0x1];
	s31 =	simm.s32 $0x6080;
	(pc) =	sbr.rel .LBB2_2-.Ltmp2, $4  }
0x18: {  	[tilespmem:s31], [sflag:$0x2] =	stream.linear.gather [hbm4b:s0+s2], $0x200, $0x38;
	[tilespmem:$0x6A80] =	vst v63  }
0x19: {  	_ =	swait.ge [sflag:s12], $0x200  }
0x1a: {  	[sflag:s12] =	ssyncset.done $0x0  }
0x1b: {  	s30 =	simm.s32 $0x0;
	[sflag:s12] =	ssyncadd.s32 $0xFFFFFE00  }
.LBB2_6:
0x1c: {  	s30 =	sadd.s32 $0x1, s30  }
0x1d: {  	p0 =	sne.s32 s30, $0x139  }
.Ltmp3:
0x1e: {  	_ = 	snop;
	(pc) =	sbr.rel @!p0 .LBB2_7-.Ltmp3, $1  }
0x1f: {  	_ =	sdelay $0x3  }
.LBB2_2:
0x20: {  	s0 =	sshll.u32 s30, $0x5  }
0x21: {  	s0 =	sor.u32 s8, s0  }
0x22: {  	p0 =	sgt.u32 s0, $0x270F  }
.Ltmp4:
0x23: {  	_ = 	snop;
	(pc) =	sbr.rel @p0 .LBB2_6-.Ltmp4, $1  }
0x24: {  	_ =	sdelay $0x3  }
0x25: {  	s31 =	sor.u32 s3, s0  }
0x26: {  	s0 =	smul.u32 $0x6, s31;
	_ =	sdelay $0x1  }
0x27: {  	s1 =	sadd.s32 s5, s0;
	s0 =	simm.s32 $0x0  }
0x28: {  	[tilespmem:s0], [sflag:$0x3] =	stream.linear.gather [hbm4b:s1+s0], $0x30, $0x38;
	[tilespmem:$0x6A80] =	vst v63  }
0x29: {  	_ =	swait.ge [sflag:s13], $0x30  }
0x2a: {  	[sflag:s13] =	ssyncset.done $0x0  }
0x2b: {  	[sflag:s13] =	ssyncadd.s32 $0xFFFFFFD0  }
0x2c: {  	v7 =	vld [tilespmem:$0x0];
	_ =	sdelay $0x4  }
0x2d: {  	v8 =	vshll.u32 v7, $0x2  }
0x2e: {  	v7 =	vand.u32 $0x7, v7;
	v8 =	vand.u32 $0xFFFFFFE0, v8  }
0x2f: {  	v7 =	vor.u32 v7, v8  }
0x30: {  	v8 =	vperm.xlane v7, v0;
	_ =	sdelay $0x1  }
0x31: {  	v8 =	vadd.s32 v1, v8;
	_ =	sdelay $0x1  }
0x32: {  	v7 =	vperm.xlane v7, v2;
	_ =	sdelay $0x1  }
0x33: {  	s10 =	simm.s32 $0x80;
	v7 =	vadd.s32 v1, v7  }
0x34: {  	[tilespmem:s10], [sflag:$0x1] =	stream.indirect_vreg.gather [hbm4b:s4+s0], $0x80, v8, vm0, $0xb8;
	[tilespmem:$0x6A80] =	vst v63  }
0x35: {  	s11 =	simm.s32 $0x880  }
0x36: {  	[tilespmem:s11], [sflag:$0x1] =	stream.indirect_vreg.gather [hbm4b:s9+s0], $0x80, v8, vm0, $0xb8;
	[tilespmem:$0x6A80] =	vst v63  }
0x37: {  	_ = 	snop  }
0x38: {  	[tilespmem:s16], [sflag:$0x1] =	stream.indirect_vreg.gather [hbm4b:s4+s0], $0x80, v7, vm0, $0xb8;
	[tilespmem:$0x6A80] =	vst v63  }
0x39: {  	_ = 	snop  }
0x3a: {  	[tilespmem:s17], [sflag:$0x1] =	stream.indirect_vreg.gather [hbm4b:s9+s0], $0x80, v7, vm0, $0xb8;
	[tilespmem:$0x6A80] =	vst v63  }
0x3b: {  	v7 =	vld [tilespmem:$0x10];
	_ =	sdelay $0x4  }
0x3c: {  	v8 =	vshll.u32 v7, $0x2  }
0x3d: {  	v7 =	vand.u32 $0x7, v7;
	v8 =	vand.u32 $0xFFFFFFE0, v8  }
0x3e: {  	v7 =	vor.u32 v7, v8  }
0x3f: {  	v8 =	vperm.xlane v7, v0;
	_ =	sdelay $0x1  }
0x40: {  	v8 =	vadd.s32 v1, v8;
	_ =	sdelay $0x1  }
0x41: {  	v7 =	vperm.xlane v7, v2;
	_ =	sdelay $0x1  }
0x42: {  	v7 =	vadd.s32 v1, v7  }
0x43: {  	[tilespmem:s18], [sflag:$0x1] =	stream.indirect_vreg.gather [hbm4b:s4+s0], $0x80, v8, vm0, $0xb8;
	[tilespmem:$0x6A80] =	vst v63  }
0x44: {  	_ = 	snop  }
0x45: {  	[tilespmem:s19], [sflag:$0x1] =	stream.indirect_vreg.gather [hbm4b:s9+s0], $0x80, v8, vm0, $0xb8;
	[tilespmem:$0x6A80] =	vst v63  }
0x46: {  	_ = 	snop  }
0x47: {  	[tilespmem:s20], [sflag:$0x1] =	stream.indirect_vreg.gather [hbm4b:s4+s0], $0x80, v7, vm0, $0xb8;
	[tilespmem:$0x6A80] =	vst v63  }
0x48: {  	_ = 	snop  }
0x49: {  	[tilespmem:s21], [sflag:$0x1] =	stream.indirect_vreg.gather [hbm4b:s9+s0], $0x80, v7, vm0, $0xb8;
	[tilespmem:$0x6A80] =	vst v63  }
0x4a: {  	v7 =	vld [tilespmem:$0x20];
	_ =	sdelay $0x4  }
0x4b: {  	v8 =	vshll.u32 v7, $0x2  }
0x4c: {  	v7 =	vand.u32 $0x7, v7;
	v8 =	vand.u32 $0xFFFFFFE0, v8  }
0x4d: {  	v7 =	vor.u32 v7, v8  }
0x4e: {  	v8 =	vperm.xlane v7, v0;
	_ =	sdelay $0x1  }
0x4f: {  	v8 =	vadd.s32 v1, v8;
	_ =	sdelay $0x1  }
0x50: {  	v7 =	vperm.xlane v7, v2;
	_ =	sdelay $0x1  }
0x51: {  	v7 =	vadd.s32 v1, v7  }
0x52: {  	[tilespmem:s22], [sflag:$0x1] =	stream.indirect_vreg.gather [hbm4b:s4+s0], $0x80, v8, vm0, $0xb8;
	[tilespmem:$0x6A80] =	vst v63  }
0x53: {  	_ = 	snop  }
0x54: {  	[tilespmem:s23], [sflag:$0x1] =	stream.indirect_vreg.gather [hbm4b:s9+s0], $0x80, v8, vm0, $0xb8;
	[tilespmem:$0x6A80] =	vst v63  }
0x55: {  	_ = 	snop  }
0x56: {  	[tilespmem:s24], [sflag:$0x1] =	stream.indirect_vreg.gather [hbm4b:s4+s0], $0x80, v7, vm0, $0xb8;
	[tilespmem:$0x6A80] =	vst v63  }
0x57: {  	_ = 	snop  }
0x58: {  	[tilespmem:s25], [sflag:$0x1] =	stream.indirect_vreg.gather [hbm4b:s9+s0], $0x80, v7, vm0, $0xb8;
	[tilespmem:$0x6A80] =	vst v63  }
0x59: {  	_ =	swait.ge [sflag:s26], $0x6000  }
0x5a: {  	[sflag:s26] =	ssyncset.done $0x0  }
0x5b: {  	[sflag:s26] =	ssyncadd.s32 $0xFFFFA000  }
0x5c: {  	v15 =	vld [tilespmem:$0x6270]  }
0x5d: {  	v23 =	vld [tilespmem:$0x6230]  }
0x5e: {  	v24 =	vld [tilespmem:$0x6260]  }
0x5f: {  	v9 =	vld [tilespmem:$0x61F0]  }
0x60: {  	v11 =	vld [tilespmem:$0x6220]  }
0x61: {  	v25 =	vld [tilespmem:$0x6250]  }
0x62: {  	v8 =	vld [tilespmem:$0x61B0]  }
0x63: {  	v10 =	vld [tilespmem:$0x61E0]  }
0x64: {  	v13 =	vld [tilespmem:$0x6210]  }
0x65: {  	v26 =	vld [tilespmem:$0x6240]  }
0x66: {  	v14 =	vld [tilespmem:$0x61A0]  }
0x67: {  	v20 =	vld [tilespmem:$0x61D0]  }
0x68: {  	v27 =	vld [tilespmem:$0x6200]  }
0x69: {  	s14 =	sand.u32 $0xFFFFF000, s0;
	v21 =	vld [tilespmem:$0x6160]  }
0x6a: {  	s10 =	sadd.s32 $0x0, s14;
	v17 =	vld [tilespmem:$0x6190]  }
0x6b: {  	s11 =	sor.u32 $0x4C00, s10;
	v22 =	vld [tilespmem:$0x61C0]  }
0x6c: {  	v28 =	vld [tilespmem:s11+$0xF0]  }
0x6d: {  	v18 =	vld [tilespmem:$0x6120]  }
0x6e: {  	v16 =	vld [tilespmem:$0x6150]  }
0x6f: {  	v19 =	vld [tilespmem:$0x6180]  }
0x70: {  	v29 =	vld [tilespmem:s11+$0xB0]  }
0x71: {  	s15 =	sand.u32 $0x1000, s0;
	s6 =	sand.u32 $0x380, s0;
	s14 =	sor.u32 $0x2C00, s10;
	v30 =	vld [tilespmem:s11+$0xE0]  }
0x72: {  	s6 =	sor.u32 s6, s15;
	v31 =	vld [tilespmem:s14+$0xF0]  }
0x73: {  	v32 =	vld [tilespmem:s6+$0xCF0]  }
0x74: {  	v7 =	vld [tilespmem:$0x6110]  }
0x75: {  	v33 =	vld [tilespmem:s6+$0x48F0]  }
0x76: {  	v34 =	vld [tilespmem:s11+$0xA0]  }
0x77: {  	v35 =	vld [tilespmem:s14+$0xB0]  }
0x78: {  	v36 =	vld [tilespmem:s6+$0xCB0]  }
0x79: {  	v37 =	vld [tilespmem:s11+$0xD0]  }
0x7a: {  	v38 =	vld [tilespmem:s14+$0xE0]  }
0x7b: {  	v39 =	vld [tilespmem:s6+$0xCE0]  }
0x7c: {  	v40 =	vld [tilespmem:s6+$0x48B0]  }
0x7d: {  	v41 =	vld [tilespmem:s6+$0x48E0]  }
0x7e: {  	v42 =	vld [tilespmem:s6+$0x28F0]  }
0x7f: {  	v43 =	vld [tilespmem:s6+$0x8F0]  }
0x80: {  	v44 =	vld [tilespmem:s11+$0x90]  }
0x81: {  	v45 =	vld [tilespmem:s14+$0xA0]  }
0x82: {  	v46 =	vld [tilespmem:s6+$0xCA0]  }
0x83: {  	v47 =	vld [tilespmem:s11+$0xC0]  }
0x84: {  	v48 =	vld [tilespmem:s14+$0xD0]  }
0x85: {  	s29 =	sor.u32 $0x4400, s10;
	v49 =	vld [tilespmem:s6+$0xCD0]  }
0x86: {  	v50 =	vld [tilespmem:s29+$0xF0]  }
0x87: {  	v12 =	vld [tilespmem:s6+$0x48A0]  }
0x88: {  	v51 =	vld [tilespmem:s6+$0x28B0]  }
0x89: {  	v63 =	vld [tilespmem:s14+$0xC0];
	v31 =	vadd.f32 v31, v32  }
0x8a: {  	v53 =	vld [tilespmem:s6+$0x8E0];
	v35 =	vadd.f32 v35, v36;
	v38 =	vadd.f32 v38, v39  }
0x8b: {  	v55 =	vld [tilespmem:s11+$0x80];
	v59 =	vadd.f32 v42, v43;
	v62 =	vadd.f32 v48, v49  }
0x8c: {  	v58 =	vld [tilespmem:s14+$0x80];
	v45 =	vadd.f32 v45, v46;
	v28 =	vadd.f32 v28, v31  }
0x8d: {  	v32 =	vld [tilespmem:s6+$0x8B0];
	v29 =	vadd.f32 v29, v35;
	v30 =	vadd.f32 v30, v38  }
0x8e: {  	v31 =	vld [tilespmem:s6+$0xCC0];
	v33 =	vadd.f32 v33, v59;
	v37 =	vadd.f32 v37, v62  }
0x8f: {  	v60 =	vld [tilespmem:s6+$0xC80];
	v34 =	vadd.f32 v34, v45;
	v57 =	vmin.f32 v28, $0.0e+00;
	v52 =	vmin.f32 v29, $0.0e+00  }
0x90: {  	s10 =	sor.u32 $0x2400, s10;
	v61 =	vld [tilespmem:s14+$0x90];
	v54 =	vmin.f32 v30, $0.0e+00;
	v28 =	vmax.f32 v28, $0.0e+00;
	v38 =	vmul.f32 $2.000000030e-01, v57  }
0x91: {  	v56 =	vld [tilespmem:s10+$0xF0];
	v29 =	vmax.f32 v29, $0.0e+00;
	v30 =	vmax.f32 v30, $0.0e+00;
	v52 =	vmul.f32 $2.000000030e-01, v52  }
0x92: {  	v39 =	vld [tilespmem:s6+$0x28E0];
	v54 =	vmul.f32 $2.000000030e-01, v54;
	v32 =	vadd.f32 v51, v32;
	v28 =	vadd.f32 v38, v28  }
0x93: {  	v43 =	vld [tilespmem:s6+$0x28A0];
	v57 =	vmin.f32 v37, $0.0e+00;
	v29 =	vadd.f32 v52, v29;
	v31 =	vadd.f32 v63, v31  }
0x94: {  	v46 =	vld [tilespmem:s6+$0x48C0];
	v37 =	vmax.f32 v37, $0.0e+00;
	v30 =	vadd.f32 v54, v30;
	v38 =	vadd.f32 v58, v60  }
0x95: {  	v63 =	vld [tilespmem:s6+$0xC90];
	v60 =	vmax.f32 v34, $0.0e+00;
	v34 =	vmin.f32 v34, $0.0e+00;
	v31 =	vadd.f32 v47, v31  }
0x96: {  	v49 =	vld [tilespmem:s29+$0xA0];
	v42 =	vmul.f32 $2.000000030e-01, v57;
	v32 =	vadd.f32 v40, v32;
	v34 =	vmul.f32 $2.000000030e-01, v34  }
0x97: {  	v48 =	vld [tilespmem:s10+$0xA0];
	v23 =	vmul.f32 v29, v23;
	v24 =	vmul.f32 v30, v24;
	v52 =	vmin.f32 v31, $0.0e+00  }
0x98: {  	v35 =	vld [tilespmem:s6+$0x48D0];
	v30 =	vmax.f32 v33, $0.0e+00;
	v38 =	vadd.f32 v55, v38;
	v54 =	vmul.f32 $2.000000030e-01, v52  }
0x99: {  	v45 =	vld [tilespmem:s6+$0x4890];
	v33 =	vmin.f32 v33, $0.0e+00;
	v55 =	vmin.f32 v32, $0.0e+00;
	v31 =	vmax.f32 v31, $0.0e+00  }
0x9a: {  	v62 =	vld [tilespmem:s6+$0x8D0];
	v32 =	vmax.f32 v32, $0.0e+00;
	v36 =	vadd.f32 v61, v63;
	v31 =	vadd.f32 v54, v31  }
0x9b: {  	v58 =	vld [tilespmem:s6+$0x4F0];
	v33 =	vmul.f32 $2.000000030e-01, v33;
	v34 =	vadd.f32 v34, v60;
	v59 =	vmin.f32 v38, $0.0e+00  }
0x9c: {  	v29 =	vld [tilespmem:s29+$0xB0];
	v36 =	vadd.f32 v44, v36;
	v26 =	vmul.f32 v31, v26;
	v31 =	vadd.f32 v42, v37  }
0x9d: {  	v60 =	vld [tilespmem:s6+$0x8C0];
	v38 =	vmax.f32 v38, $0.0e+00;
	v30 =	vadd.f32 v33, v30;
	v42 =	vmul.f32 $2.000000030e-01, v59  }
0x9e: {  	v61 =	vmin.f32 v36, $0.0e+00;
	v26 =	vadd.f32 $0.0e+00, v26;
	v25 =	vmul.f32 v31, v25;
	v31 =	vld [tilespmem:s6+$0x28D0]  }
0x9f: {  	v11 =	vmul.f32 v34, v11;
	v37 =	vld [tilespmem:s6+$0x8A0];
	v63 =	vmul.f32 $2.000000030e-01, v61;
	v38 =	vadd.f32 v42, v38  }
0xa0: {  	v33 =	vld [tilespmem:s10+$0xE0];
	v34 =	vmul.f32 $2.000000030e-01, v55;
	v36 =	vmax.f32 v36, $0.0e+00;
	v25 =	vadd.f32 v25, v26  }
0xa1: {  	v54 =	vadd.f32 v39, v53;
	v36 =	vadd.f32 v63, v36;
	v27 =	vmul.f32 v38, v27;
	v38 =	vld [tilespmem:s6+$0x4B0]  }
0xa2: {  	v28 =	vmul.f32 v28, v15;
	v32 =	vadd.f32 v34, v32;
	v24 =	vadd.f32 v24, v25;
	v25 =	vld [tilespmem:s10+$0xB0]  }
0xa3: {  	v44 =	vld [tilespmem:s6+$0x20F0];
	v13 =	vmul.f32 v36, v13;
	v27 =	vadd.f32 $0.0e+00, v27;
	v31 =	vadd.f32 v31, v62  }
0xa4: {  	v59 =	vld [tilespmem:s6+$0x28C0];
	v37 =	vadd.f32 v43, v37;
	v24 =	vadd.f32 v28, v24  }
0xa5: {  	v9 =	vmul.f32 v30, v9;
	v62 =	vld [tilespmem:s6+$0xF0];
	v13 =	vadd.f32 v13, v27;
	v31 =	vadd.f32 v35, v31  }
0xa6: {  	v39 =	vld [tilespmem:s6+$0x4E0];
	v36 =	vadd.f32 v41, v54;
	v37 =	vadd.f32 v12, v37;
	v27 =	vperm.xlane v24, v3  }
0xa7: {  	v51 =	vld [tilespmem:s6+$0xE0];
	v11 =	vadd.f32 v11, v13;
	v63 =	vmin.f32 v31, $0.0e+00;
	v25 =	vadd.f32 v25, v38  }
0xa8: {  	v26 =	vld [tilespmem:s6+$0x40F0];
	v31 =	vmax.f32 v31, $0.0e+00;
	v13 =	vadd.f32 v24, v27;
	v24 =	vadd.f32 v56, v58  }
0xa9: {  	v57 =	vld [tilespmem:s6+$0x890];
	v56 =	vmin.f32 v36, $0.0e+00;
	v23 =	vadd.f32 v23, v11;
	v11 =	vmul.f32 v32, v8  }
0xaa: {  	v15 =	vld [tilespmem:s29+$0xE0];
	v47 =	vmul.f32 $2.000000030e-01, v63;
	v32 =	vadd.f32 v59, v60;
	v35 =	vadd.f32 v44, v62  }
0xab: {  	v27 =	vld [tilespmem:s6+$0x2890];
	v34 =	vmul.f32 $2.000000030e-01, v56;
	v29 =	vadd.f32 v29, v25;
	v25 =	vadd.f32 v33, v39  }
0xac: {  	v59 =	vld [tilespmem:s6+$0x880];
	v58 =	vperm.xlane v13, v4;
	v24 =	vadd.f32 v50, v24;
	v31 =	vadd.f32 v47, v31  }
0xad: {  	v8 =	vmax.f32 v36, $0.0e+00;
	v56 =	vld [tilespmem:s6+$0x2880];
	v32 =	vadd.f32 v46, v32;
	v35 =	vadd.f32 v26, v35  }
0xae: {  	v55 =	vld [tilespmem:s6+$0x4D0];
	v34 =	vadd.f32 v34, v8;
	v8 =	vperm.xlane v23, v3;
	v13 =	vadd.f32 v13, v58  }
0xaf: {  	v30 =	vld [tilespmem:s6+$0x4880];
	v61 =	vmin.f32 v24, $0.0e+00;
	v24 =	vmax.f32 v24, $0.0e+00;
	v58 =	vadd.f32 v15, v25  }
0xb0: {  	v50 =	vld [tilespmem:s6+$0x4A0];
	v15 =	vmax.f32 v29, $0.0e+00;
	v42 =	vmul.f32 $2.000000030e-01, v61;
	v23 =	vadd.f32 v23, v8  }
0xb1: {  	v41 =	vld [tilespmem:s6+$0x40B0];
	v20 =	vmul.f32 v31, v20;
	v27 =	vadd.f32 v27, v57;
	v8 =	vperm.xlane v13, v5  }
0xb2: {  	v43 =	vld [tilespmem:s6+$0x40E0];
	v33 =	vadd.f32 v56, v59;
	v12 =	vadd.f32 v42, v24;
	v24 =	vperm.xlane v23, v4  }
0xb3: {  	v54 =	vld [tilespmem:s10+$0xD0];
	v57 =	vmin.f32 v32, $0.0e+00;
	v27 =	vadd.f32 v45, v27;
	v8 =	vadd.f32 v13, v8  }
0xb4: {  	v28 =	vld [tilespmem:s29+$0xD0];
	v13 =	vmax.f32 v37, $0.0e+00;
	v37 =	vmin.f32 v37, $0.0e+00;
	v24 =	vadd.f32 v23, v24  }
0xb5: {  	v60 =	vld [tilespmem:s6+$0x20B0];
	v36 =	vmul.f32 $2.000000030e-01, v57;
	v31 =	vadd.f32 v48, v50;
	v37 =	vmul.f32 $2.000000030e-01, v37  }
0xb6: {  	v25 =	vld [tilespmem:s6+$0x40A0];
	v30 =	vadd.f32 v30, v33;
	v63 =	vmin.f32 v27, $0.0e+00;
	v53 =	vperm.xlane v24, v5  }
0xb7: {  	v61 =	vld [tilespmem:s6+$0xB0];
	v26 =	vmax.f32 v27, $0.0e+00;
	v52 =	vadd.f32 v37, v13;
	v13 =	vmul.f32 v34, v10  }
0xb8: {  	v56 =	vld [tilespmem:s6+$0x4C0];
	v10 =	vadd.f32 v24, v53;
	v24 =	vmin.f32 v29, $0.0e+00;
	v29 =	vmax.f32 v32, $0.0e+00  }
0xb9: {  	v42 =	vld [tilespmem:s29+$0x90];
	v27 =	vmin.f32 v35, $0.0e+00;
	v31 =	vadd.f32 v49, v31;
	v29 =	vadd.f32 v36, v29  }
0xba: {  	v23 =	vld [tilespmem:s29+$0xC0];
	v44 =	vmul.f32 $2.000000030e-01, v63;
	v57 =	vmin.f32 v30, $0.0e+00;
	v34 =	vadd.f32 v54, v55  }
0xbb: {  	v30 =	vmax.f32 v30, $0.0e+00;
	v54 =	vld [tilespmem:s10+$0xC0];
	v59 =	vmul.f32 $2.000000030e-01, v57;
	v22 =	vmul.f32 v29, v22  }
0xbc: {  	v44 =	vadd.f32 v44, v26;
	v26 =	vld [tilespmem:s29+$0x80];
	v28 =	vadd.f32 v28, v34;
	v24 =	vmul.f32 $2.000000030e-01, v24  }
0xbd: {  	v14 =	vmul.f32 v52, v14;
	v52 =	vld [tilespmem:s10+$0x90];
	v32 =	vadd.f32 v60, v61;
	v22 =	vadd.f32 $0.0e+00, v22  }
0xbe: {  	v27 =	vmul.f32 $2.000000030e-01, v27;
	v53 =	vld [tilespmem:s6+$0x490];
	v61 =	vadd.f32 v59, v30;
	v15 =	vadd.f32 v24, v15  }
0xbf: {  	v34 =	vld [tilespmem:s6+$0xA0];
	v24 =	vmin.f32 v58, $0.0e+00;
	v20 =	vadd.f32 v20, v22;
	v22 =	vmax.f32 v35, $0.0e+00  }
0xc0: {  	v30 =	vld [tilespmem:s10+$0x80];
	v62 =	vmul.f32 $2.000000030e-01, v24;
	v22 =	vadd.f32 v27, v22;
	v27 =	vmin.f32 v31, $0.0e+00  }
0xc1: {  	v37 =	vmax.f32 v58, $0.0e+00;
	v55 =	vmax.f32 v31, $0.0e+00;
	v29 =	vld [tilespmem:s6+$0x20E0];
	v58 =	vmul.f32 $2.000000030e-01, v27  }
0xc2: {  	v44 =	vmul.f32 v44, v17;
	v41 =	vadd.f32 v41, v32;
	v32 =	vld [tilespmem:s6+$0xD0];
	v37 =	vadd.f32 v62, v37  }
0xc3: {  	v38 =	vadd.f32 v54, v56;
	v24 =	vld [tilespmem:s6+$0x40D0];
	v27 =	vmin.f32 v28, $0.0e+00;
	v33 =	vadd.f32 v58, v55  }
0xc4: {  	v62 =	vadd.f32 v52, v53;
	v35 =	vld [tilespmem:s6+$0x480];
	v21 =	vmul.f32 v37, v21;
	v60 =	vmul.f32 $2.000000030e-01, v27  }
0xc5: {  	v31 =	vld [tilespmem:s6+$0x20A0];
	v28 =	vmax.f32 v28, $0.0e+00;
	v17 =	vmul.f32 v33, v18;
	v18 =	vmul.f32 v61, v19  }
0xc6: {  	v63 =	vadd.f32 v29, v51;
	v29 =	vld [tilespmem:s6+$0x4080];
	v28 =	vadd.f32 v60, v28;
	v19 =	vmin.f32 v41, $0.0e+00  }
0xc7: {  	v36 =	vadd.f32 v42, v62;
	v27 =	vld [tilespmem:s6+$0x20D0];
	v19 =	vmul.f32 $2.000000030e-01, v19;
	v18 =	vadd.f32 $0.0e+00, v18  }
0xc8: {  	v37 =	vadd.f32 v43, v63;
	v33 =	vld [tilespmem:s6+$0x2090];
	v16 =	vmul.f32 v28, v16;
	v28 =	vmax.f32 v41, $0.0e+00  }
0xc9: {  	s1 =	simm.s32 $0x200;
	s11 =	simm.s32 $0x0;
	v39 =	vmin.f32 v36, $0.0e+00;
	v19 =	vadd.f32 v19, v28;
	v28 =	vld [tilespmem:s6+$0x20C0];
	v18 =	vadd.f32 v44, v18  }
.LBB2_4:
0xca: {  	p0 =	sne.s32 s1, $0x1E00;
	v40 =	vld [tilespmem:s6+$0x2080];
	v41 =	vmin.f32 v37, $0.0e+00;
	v39 =	vmul.f32 $2.000000030e-01, v39;
	v23 =	vadd.f32 v23, v38  }
0xcb: {  	v31 =	vadd.f32 v31, v34;
	v36 =	vmax.f32 v36, $0.0e+00;
	v38 =	vld [tilespmem:s6+$0x80];
	v34 =	vmul.f32 $2.000000030e-01, v41  }
0xcc: {  	v37 =	vmax.f32 v37, $0.0e+00;
	v41 =	vld [tilespmem:s6+$0xC0];
	v36 =	vadd.f32 v39, v36;
	v39 =	vmin.f32 v23, $0.0e+00  }
0xcd: {  	v25 =	vadd.f32 v25, v31;
	v42 =	vld [tilespmem:s6+$0x90];
	v31 =	vadd.f32 v34, v37;
	v34 =	vmul.f32 $2.000000030e-01, v39  }
0xce: {  	v27 =	vadd.f32 v27, v32;
	v23 =	vmax.f32 v23, $0.0e+00;
	v37 =	vld [tilespmem:s6+$0x40C0];
	v7 =	vmul.f32 v36, v7  }
0xcf: {  	v30 =	vadd.f32 v30, v35;
	v36 =	vmax.f32 v25, $0.0e+00;
	v32 =	vld [tilespmem:s6+$0x4090];
	v23 =	vadd.f32 v34, v23  }
0xd0: {  	v24 =	vadd.f32 v24, v27;
	v25 =	vmin.f32 v25, $0.0e+00;
	v34 =	vadd.f32 v40, v38  }
0xd1: {  	v26 =	vadd.f32 v26, v30;
	v25 =	vmul.f32 $2.000000030e-01, v25;
	v27 =	vadd.f32 v28, v41  }
0xd2: {  	v30 =	vmin.f32 v24, $0.0e+00;
	v28 =	vadd.f32 v29, v34;
	v29 =	vadd.f32 v33, v42;
	v33 =	vld [tilespmem:$0x6140]  }
0xd3: {  	v24 =	vmax.f32 v24, $0.0e+00;
	v30 =	vmul.f32 $2.000000030e-01, v30;
	v27 =	vadd.f32 v37, v27;
	v34 =	vld [tilespmem:$0x6100]  }
0xd4: {  	v35 =	vmin.f32 v28, $0.0e+00;
	v37 =	vld [tilespmem:$0x6080];
	v29 =	vadd.f32 v32, v29;
	v32 =	vmin.f32 v26, $0.0e+00  }
0xd5: {  	v35 =	vmul.f32 $2.000000030e-01, v35;
	v38 =	vmin.f32 v27, $0.0e+00;
	v39 =	vld [tilespmem:$0x60C0];
	v32 =	vmul.f32 $2.000000030e-01, v32  }
0xd6: {  	v28 =	vmax.f32 v28, $0.0e+00;
	v40 =	vmin.f32 v29, $0.0e+00;
	v41 =	vld [tilespmem:$0x6090];
	v38 =	vmul.f32 $2.000000030e-01, v38  }
0xd7: {  	v27 =	vmax.f32 v27, $0.0e+00;
	v28 =	vadd.f32 v35, v28;
	v35 =	vmul.f32 $2.000000030e-01, v40;
	v40 =	vld [tilespmem:$0x60D0]  }
0xd8: {  	v26 =	vmax.f32 v26, $0.0e+00;
	v29 =	vmax.f32 v29, $0.0e+00;
	v42 =	vld [tilespmem:$0x60A0];
	v27 =	vadd.f32 v38, v27  }
0xd9: {  	v26 =	vadd.f32 v32, v26;
	v28 =	vmul.f32 v28, v37;
	v29 =	vadd.f32 v35, v29;
	v35 =	vld [tilespmem:$0x60E0]  }
0xda: {  	v25 =	vadd.f32 v25, v36;
	v24 =	vadd.f32 v30, v24;
	v32 =	vld [tilespmem:$0x60B0];
	v27 =	vmul.f32 v27, v39  }
0xdb: {  	v26 =	vmul.f32 v26, v34;
	v28 =	vadd.f32 $0.0e+00, v28;
	v29 =	vmul.f32 v29, v41;
	v30 =	vld [tilespmem:$0x60F0]  }
0xdc: {  	v23 =	vmul.f32 v23, v33;
	v27 =	vadd.f32 $0.0e+00, v27;
	v24 =	vmul.f32 v24, v40;
	v34 =	vld [tilespmem:$0x6130]  }
0xdd: {  	v26 =	vadd.f32 $0.0e+00, v26;
	v28 =	vadd.f32 v29, v28;
	v25 =	vmul.f32 v25, v42;
	v29 =	vld [tilespmem:$0x6170]  }
0xde: {  	v23 =	vadd.f32 $0.0e+00, v23;
	v24 =	vadd.f32 v24, v27;
	v27 =	vmul.f32 v31, v35  }
0xdf: {  	v7 =	vadd.f32 v7, v26;
	v25 =	vadd.f32 v25, v28;
	v19 =	vmul.f32 v19, v32  }
0xe0: {  	v16 =	vadd.f32 v16, v23;
	v24 =	vadd.f32 v27, v24;
	v22 =	vmul.f32 v22, v30  }
0xe1: {  	v7 =	vadd.f32 v17, v7;
	v19 =	vadd.f32 v19, v25;
	v15 =	vmul.f32 v15, v34  }
0xe2: {  	v16 =	vadd.f32 v21, v16;
	v17 =	vadd.f32 v22, v24;
	v12 =	vmul.f32 v12, v29  }
0xe3: {  	v14 =	vadd.f32 v14, v18;
	v21 =	vperm.xlane v19, v3;
	v7 =	vadd.f32 v15, v7  }
0xe4: {  	v13 =	vadd.f32 v13, v20;
	v15 =	vperm.xlane v17, v3;
	v12 =	vadd.f32 v12, v16  }
0xe5: {  	v11 =	vadd.f32 v11, v14;
	v16 =	vadd.f32 v19, v21;
	v18 =	vperm.xlane v7, v3  }
0xe6: {  	v9 =	vadd.f32 v9, v13;
	v14 =	vadd.f32 v17, v15;
	v15 =	vperm.xlane v12, v3  }
0xe7: {  	v17 =	vperm.xlane v11, v3;
	v13 =	vperm.xlane v16, v4;
	v7 =	vadd.f32 v7, v18  }
0xe8: {  	v18 =	vperm.xlane v14, v4;
	v12 =	vadd.f32 v12, v15;
	v15 =	vperm.xlane v9, v3  }
0xe9: {  	v11 =	vadd.f32 v11, v17;
	v13 =	vadd.f32 v16, v13;
	v16 =	vperm.xlane v7, v4  }
0xea: {  	v14 =	vadd.f32 v14, v18;
	v17 =	vperm.xlane v12, v4;
	v9 =	vadd.f32 v9, v15  }
0xeb: {  	v15 =	vperm.xlane v13, v5;
	v7 =	vadd.f32 v7, v16;
	v16 =	vperm.xlane v11, v4  }
0xec: {  	v18 =	vperm.xlane v14, v5;
	v12 =	vadd.f32 v12, v17;
	v17 =	vperm.xlane v9, v4  }
0xed: {  	v13 =	vadd.f32 v13, v15;
	v15 =	vperm.xlane v7, v5;
	v11 =	vadd.f32 v11, v16  }
0xee: {  	v14 =	vadd.f32 v14, v18;
	v16 =	vperm.xlane v12, v5;
	v9 =	vadd.f32 v9, v17  }
0xef: {  	v17 =	vperm.xlane v13, v6;
	v7 =	vadd.f32 v7, v15;
	v15 =	vperm.xlane v11, v5  }
0xf0: {  	v18 =	vperm.xlane v14, v6;
	v12 =	vadd.f32 v12, v16;
	v16 =	vperm.xlane v9, v5  }
0xf1: {  	v13 =	vadd.f32 v13, v17;
	v17 =	vperm.xlane v7, v6;
	v11 =	vadd.f32 v11, v15  }
0xf2: {  	v14 =	vadd.f32 v14, v18;
	v15 =	vperm.xlane v12, v6;
	v9 =	vadd.f32 v9, v16  }
0xf3: {  	v13 =	vnsel vm1, $0x0, v13;
	v7 =	vadd.f32 v7, v17;
	v16 =	vperm.xlane v11, v6  }
0xf4: {  	v13 =	vsel vm2, v13, v14;
	v12 =	vadd.f32 v12, v15;
	v14 =	vperm.xlane v9, v6  }
0xf5: {  	v7 =	vsel vm3, v13, v7;
	v11 =	vadd.f32 v11, v16;
	v13 =	vperm.xlane v10, v6  }
0xf6: {  	v7 =	vsel vm4, v7, v12;
	v9 =	vadd.f32 v9, v14;
	v12 =	vperm.xlane v8, v6  }
0xf7: {  	v7 =	vsel vm5, v7, v11;
	v10 =	vadd.f32 v10, v13  }
0xf8: {  	v7 =	vsel vm6, v7, v9;
	v8 =	vadd.f32 v8, v12  }
0xf9: {  	v7 =	vsel vm7, v7, v10  }
0xfa: {  	v7 =	vsel vm8, v7, v8  }
0xfb: {  	v7 =	vmul.f32 $1.442695020e+00, v7;
	_ =	sdelay $0x1  }
0xfc: {  	(erf) = vpow2.f32 v7;
	_ =	sdelay $0x8  }
0xfd: {  	v7 =	vpop (erf)  }
0xfe: {  	s6 =	sshra.s32 s0, $0x2;
	s0 =	smov.u32 s1;
	v7 =	vnsel vm9, $0x0, v7  }
0xff: {  	[tilespmem:s6+$0x6280] =	vst v7  }
0x100: {  	v27 =	vld [tilespmem:$0x6270]  }
0x101: {  	v30 =	vld [tilespmem:$0x6230]  }
0x102: {  	v24 =	vld [tilespmem:$0x6260]  }
0x103: {  	v9 =	vld [tilespmem:$0x61F0]  }
0x104: {  	v11 =	vld [tilespmem:$0x6220]  }
0x105: {  	v15 =	vld [tilespmem:$0x6250]  }
0x106: {  	v8 =	vld [tilespmem:$0x61B0]  }
0x107: {  	v10 =	vld [tilespmem:$0x61E0]  }
0x108: {  	v12 =	vld [tilespmem:$0x6210]  }
0x109: {  	v26 =	vld [tilespmem:$0x6240]  }
0x10a: {  	v14 =	vld [tilespmem:$0x61A0]  }
0x10b: {  	v20 =	vld [tilespmem:$0x61D0]  }
0x10c: {  	v13 =	vld [tilespmem:$0x6200]  }
0x10d: {  	s11 =	sadd.s32 $0x80, s11;
	s6 =	sand.u32 $0xFFFFF000, s1;
	v21 =	vld [tilespmem:$0x6160]  }
0x10e: {  	s29 =	sadd.s32 s6, s11;
	v17 =	vld [tilespmem:$0x6190]  }
0x10f: {  	s15 =	sor.u32 $0x4C00, s29;
	v22 =	vld [tilespmem:$0x61C0]  }
0x110: {  	v25 =	vld [tilespmem:s15+$0xF0]  }
0x111: {  	v18 =	vld [tilespmem:$0x6120]  }
0x112: {  	v16 =	vld [tilespmem:$0x6150]  }
0x113: {  	v19 =	vld [tilespmem:$0x6180]  }
0x114: {  	v31 =	vld [tilespmem:s15+$0xB0]  }
0x115: {  	s10 =	sand.u32 $0x380, s11;
	s6 =	sand.u32 $0x1000, s1;
	s14 =	sor.u32 $0x2C00, s29;
	v33 =	vld [tilespmem:s15+$0xE0]  }
0x116: {  	s6 =	sor.u32 s10, s6;
	v34 =	vld [tilespmem:s14+$0xF0]  }
0x117: {  	v35 =	vld [tilespmem:s6+$0xCF0]  }
0x118: {  	v7 =	vld [tilespmem:$0x6110]  }
0x119: {  	v36 =	vld [tilespmem:s6+$0x48F0]  }
0x11a: {  	v37 =	vld [tilespmem:s15+$0xA0]  }
0x11b: {  	v38 =	vld [tilespmem:s14+$0xB0]  }
0x11c: {  	v39 =	vld [tilespmem:s6+$0xCB0]  }
0x11d: {  	v40 =	vld [tilespmem:s15+$0xD0]  }
0x11e: {  	v41 =	vld [tilespmem:s14+$0xE0]  }
0x11f: {  	v42 =	vld [tilespmem:s6+$0xCE0]  }
0x120: {  	v32 =	vld [tilespmem:s6+$0x48B0]  }
0x121: {  	v28 =	vld [tilespmem:s6+$0x48E0]  }
0x122: {  	v43 =	vld [tilespmem:s6+$0x28F0]  }
0x123: {  	v44 =	vld [tilespmem:s6+$0x8F0]  }
0x124: {  	v45 =	vld [tilespmem:s15+$0x90]  }
0x125: {  	v46 =	vld [tilespmem:s14+$0xA0]  }
0x126: {  	v47 =	vld [tilespmem:s6+$0xCA0]  }
0x127: {  	v48 =	vld [tilespmem:s15+$0xC0]  }
0x128: {  	v49 =	vld [tilespmem:s14+$0xD0]  }
0x129: {  	s10 =	sor.u32 $0x4400, s29;
	v50 =	vld [tilespmem:s6+$0xCD0]  }
0x12a: {  	v29 =	vld [tilespmem:s10+$0xF0]  }
0x12b: {  	v23 =	vld [tilespmem:s6+$0x48A0]  }
0x12c: {  	v34 =	vadd.f32 v34, v35;
	v51 =	vld [tilespmem:s6+$0x28B0]  }
0x12d: {  	v38 =	vadd.f32 v38, v39;
	v35 =	vld [tilespmem:s6+$0x8B0]  }
0x12e: {  	v34 =	vadd.f32 v25, v34;
	v41 =	vadd.f32 v41, v42;
	v39 =	vld [tilespmem:s14+$0xC0]  }
0x12f: {  	v31 =	vadd.f32 v31, v38;
	v38 =	vld [tilespmem:s6+$0xCC0]  }
0x130: {  	v33 =	vadd.f32 v33, v41;
	v41 =	vmin.f32 v34, $0.0e+00;
	v25 =	vld [tilespmem:s6+$0x48D0]  }
0x131: {  	v52 =	vmin.f32 v31, $0.0e+00;
	v41 =	vmul.f32 $2.000000030e-01, v41;
	v42 =	vld [tilespmem:s6+$0x28E0]  }
0x132: {  	v52 =	vmul.f32 $2.000000030e-01, v52;
	v34 =	vmax.f32 v34, $0.0e+00;
	v54 =	vmin.f32 v33, $0.0e+00;
	v53 =	vld [tilespmem:s6+$0x8E0]  }
0x133: {  	v31 =	vmax.f32 v31, $0.0e+00;
	v54 =	vmul.f32 $2.000000030e-01, v54;
	v34 =	vadd.f32 v41, v34;
	v55 =	vld [tilespmem:s15+$0x80]  }
0x134: {  	v31 =	vadd.f32 v52, v31;
	v33 =	vmax.f32 v33, $0.0e+00;
	v41 =	vld [tilespmem:s14+$0x80];
	v38 =	vadd.f32 v39, v38  }
0x135: {  	v33 =	vadd.f32 v54, v33;
	v39 =	vadd.f32 v43, v44;
	v43 =	vld [tilespmem:s6+$0xC80]  }
0x136: {  	v44 =	vld [tilespmem:s14+$0x90];
	v38 =	vadd.f32 v48, v38;
	v48 =	vadd.f32 v49, v50  }
0x137: {  	v34 =	vmul.f32 v34, v27;
	v36 =	vadd.f32 v36, v39;
	v49 =	vmul.f32 v31, v30;
	v39 =	vld [tilespmem:s6+$0xC90]  }
0x138: {  	v33 =	vmul.f32 v33, v24;
	v31 =	vld [tilespmem:s10+$0xB0];
	v27 =	vmin.f32 v38, $0.0e+00;
	v40 =	vadd.f32 v40, v48  }
0x139: {  	s29 =	sor.u32 $0x2400, s29;
	v30 =	vadd.f32 v46, v47;
	v48 =	vmax.f32 v36, $0.0e+00;
	v24 =	vld [tilespmem:s10+$0xE0];
	v27 =	vmul.f32 $2.000000030e-01, v27  }
0x13a: {  	v38 =	vmax.f32 v38, $0.0e+00;
	v46 =	vld [tilespmem:s29+$0xF0];
	v41 =	vadd.f32 v41, v43;
	v43 =	vmin.f32 v40, $0.0e+00  }
0x13b: {  	v37 =	vadd.f32 v37, v30;
	v47 =	vld [tilespmem:s6+$0x4F0];
	v27 =	vadd.f32 v27, v38;
	v38 =	vmul.f32 $2.000000030e-01, v43  }
0x13c: {  	v40 =	vmax.f32 v40, $0.0e+00;
	v30 =	vld [tilespmem:s6+$0x4890];
	v41 =	vadd.f32 v55, v41;
	v39 =	vadd.f32 v44, v39  }
0x13d: {  	v36 =	vmin.f32 v36, $0.0e+00;
	v43 =	vld [tilespmem:s6+$0x28A0];
	v26 =	vmul.f32 v27, v26;
	v27 =	vadd.f32 v38, v40  }
0x13e: {  	v44 =	vmax.f32 v37, $0.0e+00;
	v38 =	vld [tilespmem:s6+$0x8A0];
	v40 =	vmin.f32 v41, $0.0e+00;
	v39 =	vadd.f32 v45, v39  }
0x13f: {  	v45 =	vld [tilespmem:s6+$0x48C0];
	v40 =	vmul.f32 $2.000000030e-01, v40;
	v26 =	vadd.f32 $0.0e+00, v26;
	v15 =	vmul.f32 v27, v15  }
0x140: {  	v37 =	vmin.f32 v37, $0.0e+00;
	v27 =	vmax.f32 v41, $0.0e+00;
	v50 =	vld [tilespmem:s6+$0x28D0];
	v41 =	vmin.f32 v39, $0.0e+00  }
0x141: {  	v52 =	vld [tilespmem:s6+$0x8D0];
	v40 =	vadd.f32 v40, v27;
	v41 =	vmul.f32 $2.000000030e-01, v41;
	v15 =	vadd.f32 v15, v26  }
0x142: {  	v35 =	vadd.f32 v51, v35;
	v37 =	vmul.f32 $2.000000030e-01, v37;
	v39 =	vmax.f32 v39, $0.0e+00;
	v26 =	vld [tilespmem:s6+$0x40F0]  }
0x143: {  	v27 =	vld [tilespmem:s10+$0xA0];
	v13 =	vmul.f32 v40, v13;
	v39 =	vadd.f32 v41, v39;
	v15 =	vadd.f32 v33, v15  }
0x144: {  	v35 =	vadd.f32 v32, v35;
	v36 =	vmul.f32 $2.000000030e-01, v36;
	v37 =	vadd.f32 v37, v44;
	v33 =	vld [tilespmem:s29+$0xB0]  }
0x145: {  	v40 =	vld [tilespmem:s6+$0x4B0];
	v13 =	vadd.f32 $0.0e+00, v13;
	v12 =	vmul.f32 v39, v12;
	v15 =	vadd.f32 v34, v15  }
0x146: {  	v36 =	vadd.f32 v36, v48;
	v11 =	vmul.f32 v37, v11;
	v34 =	vadd.f32 v42, v53;
	v32 =	vld [tilespmem:s10+$0xD0]  }
0x147: {  	v39 =	vmin.f32 v35, $0.0e+00;
	v37 =	vld [tilespmem:s29+$0xE0];
	v12 =	vadd.f32 v12, v13;
	v13 =	vperm.xlane v15, v3  }
0x148: {  	v9 =	vmul.f32 v36, v9;
	v39 =	vmul.f32 $2.000000030e-01, v39;
	v28 =	vadd.f32 v28, v34;
	v41 =	vld [tilespmem:s6+$0x4E0]  }
0x149: {  	v35 =	vmax.f32 v35, $0.0e+00;
	v34 =	vld [tilespmem:s6+$0x4880];
	v11 =	vadd.f32 v11, v12;
	v12 =	vadd.f32 v15, v13  }
0x14a: {  	v35 =	vadd.f32 v39, v35;
	v13 =	vadd.f32 v46, v47;
	v36 =	vmin.f32 v28, $0.0e+00;
	v15 =	vld [tilespmem:s6+$0x2890]  }
0x14b: {  	v36 =	vmul.f32 $2.000000030e-01, v36;
	v39 =	vld [tilespmem:s6+$0x890];
	v42 =	vadd.f32 v49, v11;
	v44 =	vperm.xlane v12, v4  }
0x14c: {  	v13 =	vadd.f32 v29, v13;
	v11 =	vmul.f32 v35, v8;
	v8 =	vmax.f32 v28, $0.0e+00;
	v35 =	vld [tilespmem:s6+$0x28C0]  }
0x14d: {  	v36 =	vadd.f32 v36, v8;
	v46 =	vld [tilespmem:s6+$0x8C0];
	v8 =	vperm.xlane v42, v3;
	v44 =	vadd.f32 v12, v44  }
0x14e: {  	v38 =	vadd.f32 v43, v38;
	v43 =	vadd.f32 v50, v52;
	v12 =	vmin.f32 v13, $0.0e+00;
	v29 =	vld [tilespmem:s6+$0x40B0]  }
0x14f: {  	v12 =	vmul.f32 $2.000000030e-01, v12;
	v28 =	vld [tilespmem:s6+$0x40E0];
	v42 =	vadd.f32 v42, v8;
	v8 =	vperm.xlane v44, v5  }
0x150: {  	v23 =	vadd.f32 v23, v38;
	v25 =	vadd.f32 v25, v43;
	v13 =	vmax.f32 v13, $0.0e+00;
	v47 =	vld [tilespmem:s6+$0x20F0]  }
0x151: {  	v12 =	vadd.f32 v12, v13;
	v38 =	vld [tilespmem:s6+$0xF0];
	v13 =	vperm.xlane v42, v4;
	v8 =	vadd.f32 v44, v8  }
0x152: {  	v48 =	vmin.f32 v25, $0.0e+00;
	v44 =	vmax.f32 v23, $0.0e+00;
	v23 =	vmin.f32 v23, $0.0e+00;
	v43 =	vld [tilespmem:s10+$0x90]  }
0x153: {  	v48 =	vmul.f32 $2.000000030e-01, v48;
	v50 =	vmul.f32 $2.000000030e-01, v23;
	v49 =	vld [tilespmem:s29+$0xA0];
	v42 =	vadd.f32 v42, v13  }
0x154: {  	v25 =	vmax.f32 v25, $0.0e+00;
	v13 =	vadd.f32 v33, v40;
	v33 =	vadd.f32 v35, v46;
	v51 =	vld [tilespmem:s6+$0x4A0]  }
0x155: {  	v40 =	vadd.f32 v48, v25;
	v35 =	vadd.f32 v50, v44;
	v23 =	vld [tilespmem:s10+$0xC0];
	v25 =	vperm.xlane v42, v5  }
0x156: {  	v31 =	vadd.f32 v31, v13;
	v33 =	vadd.f32 v45, v33;
	v13 =	vmul.f32 v36, v10;
	v44 =	vld [tilespmem:s29+$0xD0]  }
0x157: {  	v37 =	vadd.f32 v37, v41;
	v14 =	vmul.f32 v35, v14;
	v36 =	vld [tilespmem:s6+$0x4D0];
	v10 =	vadd.f32 v42, v25  }
0x158: {  	v15 =	vadd.f32 v15, v39;
	v25 =	vmin.f32 v31, $0.0e+00;
	v39 =	vmin.f32 v33, $0.0e+00;
	v35 =	vld [tilespmem:s6+$0x2880]  }
0x159: {  	v37 =	vadd.f32 v24, v37;
	v41 =	vmul.f32 $2.000000030e-01, v25;
	v24 =	vmul.f32 $2.000000030e-01, v39;
	v42 =	vld [tilespmem:s6+$0x880]  }
0x15a: {  	v30 =	vadd.f32 v30, v15;
	v31 =	vmax.f32 v31, $0.0e+00;
	v33 =	vmax.f32 v33, $0.0e+00;
	v25 =	vld [tilespmem:s6+$0x40A0]  }
0x15b: {  	v15 =	vadd.f32 v41, v31;
	v31 =	vmin.f32 v37, $0.0e+00;
	v33 =	vadd.f32 v24, v33;
	v39 =	vld [tilespmem:s6+$0x20B0]  }
0x15c: {  	v45 =	vmin.f32 v30, $0.0e+00;
	v38 =	vadd.f32 v47, v38;
	v31 =	vmul.f32 $2.000000030e-01, v31;
	v41 =	vld [tilespmem:s6+$0xB0]  }
0x15d: {  	v45 =	vmul.f32 $2.000000030e-01, v45;
	v37 =	vmax.f32 v37, $0.0e+00;
	v22 =	vmul.f32 v33, v22;
	v24 =	vld [tilespmem:s6+$0x40D0]  }
0x15e: {  	v38 =	vadd.f32 v26, v38;
	v26 =	vmax.f32 v30, $0.0e+00;
	v31 =	vadd.f32 v31, v37;
	v33 =	vld [tilespmem:s6+$0x20E0]  }
0x15f: {  	v20 =	vmul.f32 v40, v20;
	v30 =	vadd.f32 v45, v26;
	v22 =	vadd.f32 $0.0e+00, v22;
	v37 =	vld [tilespmem:s6+$0xE0]  }
0x160: {  	v45 =	vadd.f32 v49, v51;
	v40 =	vmin.f32 v38, $0.0e+00;
	v35 =	vadd.f32 v35, v42;
	v26 =	vld [tilespmem:s10+$0x80]  }
0x161: {  	v40 =	vmul.f32 $2.000000030e-01, v40;
	v36 =	vadd.f32 v44, v36;
	v20 =	vadd.f32 v20, v22;
	v42 =	vld [tilespmem:s29+$0x90]  }
0x162: {  	v27 =	vadd.f32 v27, v45;
	v22 =	vmax.f32 v38, $0.0e+00;
	v35 =	vadd.f32 v34, v35;
	v38 =	vld [tilespmem:s6+$0x490]  }
0x163: {  	v32 =	vadd.f32 v32, v36;
	v21 =	vmul.f32 v31, v21;
	v22 =	vadd.f32 v40, v22;
	v40 =	vld [tilespmem:s29+$0xC0]  }
0x164: {  	v36 =	vmax.f32 v27, $0.0e+00;
	v27 =	vmin.f32 v27, $0.0e+00;
	v34 =	vmin.f32 v35, $0.0e+00;
	v44 =	vld [tilespmem:s6+$0x4C0]  }
0x165: {  	v45 =	vmul.f32 $2.000000030e-01, v27;
	v27 =	vmin.f32 v32, $0.0e+00;
	v46 =	vmul.f32 $2.000000030e-01, v34;
	v31 =	vld [tilespmem:s6+$0x20A0]  }
0x166: {  	v39 =	vadd.f32 v39, v41;
	v41 =	vmul.f32 $2.000000030e-01, v27;
	v35 =	vmax.f32 v35, $0.0e+00;
	v34 =	vld [tilespmem:s6+$0xA0]  }
0x167: {  	v36 =	vadd.f32 v45, v36;
	v45 =	vmax.f32 v32, $0.0e+00;
	v35 =	vadd.f32 v46, v35;
	v27 =	vld [tilespmem:s6+$0x20D0]  }
0x168: {  	v39 =	vadd.f32 v29, v39;
	v29 =	vadd.f32 v41, v45;
	v41 =	vmul.f32 v30, v17;
	v32 =	vld [tilespmem:s6+$0xD0]  }
.Ltmp5:
0x169: {  	v17 =	vmul.f32 v36, v18;
	v38 =	vadd.f32 v42, v38;
	v18 =	vmul.f32 v35, v19;
	v30 =	vld [tilespmem:s29+$0x80];
	(pc) =	sbr.rel @p0 .LBB2_4-.Ltmp5, $4  }
0x16a: {  	v37 =	vadd.f32 v33, v37;
	v16 =	vmul.f32 v29, v16;
	v19 =	vmin.f32 v39, $0.0e+00;
	v35 =	vld [tilespmem:s6+$0x480]  }
0x16b: {  	v19 =	vmul.f32 $2.000000030e-01, v19;
	v36 =	vadd.f32 v43, v38;
	v18 =	vadd.f32 $0.0e+00, v18;
	v29 =	vld [tilespmem:s6+$0x4080]  }
0x16c: {  	v37 =	vadd.f32 v28, v37;
	v39 =	vmax.f32 v39, $0.0e+00;
	v38 =	vadd.f32 v40, v44;
	v33 =	vld [tilespmem:s6+$0x2090]  }
0x16d: {  	s1 =	sadd.s32 $0x200, s1;
	v19 =	vadd.f32 v19, v39;
	v39 =	vmin.f32 v36, $0.0e+00;
	v18 =	vadd.f32 v41, v18;
	v28 =	vld [tilespmem:s6+$0x20C0]  }
0x16e: {  	v40 =	vld [tilespmem:s6+$0x2080];
	v41 =	vmin.f32 v37, $0.0e+00;
	v39 =	vmul.f32 $2.000000030e-01, v39;
	v23 =	vadd.f32 v23, v38  }
0x16f: {  	v55 =	vld [tilespmem:s6+$0x80];
	v31 =	vadd.f32 v31, v34;
	v36 =	vmax.f32 v36, $0.0e+00;
	v58 =	vmax.f32 v37, $0.0e+00  }
0x170: {  	v57 =	vld [tilespmem:s6+$0xC0];
	v27 =	vadd.f32 v27, v32;
	v56 =	vmul.f32 $2.000000030e-01, v41;
	v30 =	vadd.f32 v30, v35  }
0x171: {  	v42 =	vld [tilespmem:s6+$0x90];
	v36 =	vadd.f32 v39, v36;
	v59 =	vmin.f32 v23, $0.0e+00;
	v25 =	vadd.f32 v25, v31  }
0x172: {  	v61 =	vld [tilespmem:s6+$0x40C0];
	v23 =	vmax.f32 v23, $0.0e+00;
	v24 =	vadd.f32 v24, v27;
	v31 =	vadd.f32 v56, v58  }
0x173: {  	v62 =	vld [tilespmem:s6+$0x4090];
	v60 =	vmul.f32 $2.000000030e-01, v59;
	v26 =	vadd.f32 v26, v30;
	v7 =	vmul.f32 v36, v7  }
0x174: {  	v63 =	vmax.f32 v25, $0.0e+00;
	v25 =	vmin.f32 v25, $0.0e+00;
	v43 =	vadd.f32 v40, v55  }
0x175: {  	v47 =	vmin.f32 v24, $0.0e+00;
	v23 =	vadd.f32 v60, v23;
	v44 =	vadd.f32 v28, v57  }
0x176: {  	v48 =	vld [tilespmem:$0x6140];
	v24 =	vmax.f32 v24, $0.0e+00;
	v46 =	vadd.f32 v33, v42;
	v45 =	vadd.f32 v29, v43  }
0x177: {  	v49 =	vld [tilespmem:$0x6100];
	v25 =	vmul.f32 $2.000000030e-01, v25;
	v30 =	vmul.f32 $2.000000030e-01, v47;
	v27 =	vadd.f32 v61, v44  }
0x178: {  	v51 =	vld [tilespmem:$0x6080];
	v52 =	vmin.f32 v26, $0.0e+00;
	v29 =	vadd.f32 v62, v46;
	v50 =	vmin.f32 v45, $0.0e+00  }
0x179: {  	v54 =	vld [tilespmem:$0x60C0];
	v32 =	vmul.f32 $2.000000030e-01, v52;
	v53 =	vmin.f32 v27, $0.0e+00;
	v35 =	vmul.f32 $2.000000030e-01, v50  }
0x17a: {  	v56 =	vld [tilespmem:$0x6090];
	v28 =	vmax.f32 v45, $0.0e+00;
	v55 =	vmin.f32 v29, $0.0e+00;
	v38 =	vmul.f32 $2.000000030e-01, v53  }
0x17b: {  	v58 =	vld [tilespmem:$0x60D0];
	v27 =	vmax.f32 v27, $0.0e+00;
	v57 =	vmul.f32 $2.000000030e-01, v55;
	v28 =	vadd.f32 v35, v28  }
0x17c: {  	v59 =	vld [tilespmem:$0x60A0];
	v26 =	vmax.f32 v26, $0.0e+00;
	v29 =	vmax.f32 v29, $0.0e+00;
	v27 =	vadd.f32 v38, v27  }
0x17d: {  	v60 =	vld [tilespmem:$0x60E0];
	v26 =	vadd.f32 v32, v26;
	v29 =	vadd.f32 v57, v29;
	v28 =	vmul.f32 v28, v51  }
0x17e: {  	v25 =	vadd.f32 v25, v63;
	v61 =	vld [tilespmem:$0x60B0];
	v24 =	vadd.f32 v30, v24;
	v27 =	vmul.f32 v27, v54  }
0x17f: {  	v62 =	vld [tilespmem:$0x60F0];
	v26 =	vmul.f32 v26, v49;
	v29 =	vmul.f32 v29, v56;
	v28 =	vadd.f32 $0.0e+00, v28  }
0x180: {  	v63 =	vld [tilespmem:$0x6130];
	v23 =	vmul.f32 v23, v48;
	v24 =	vmul.f32 v24, v58;
	v27 =	vadd.f32 $0.0e+00, v27  }
0x181: {  	v33 =	vld [tilespmem:$0x6170];
	v25 =	vmul.f32 v25, v59;
	v26 =	vadd.f32 $0.0e+00, v26;
	v28 =	vadd.f32 v29, v28  }
0x182: {  	v23 =	vadd.f32 $0.0e+00, v23;
	v36 =	vmul.f32 v31, v60;
	v24 =	vadd.f32 v24, v27  }
0x183: {  	v19 =	vmul.f32 v19, v61;
	v7 =	vadd.f32 v7, v26;
	v25 =	vadd.f32 v25, v28  }
0x184: {  	v16 =	vadd.f32 v16, v23;
	v22 =	vmul.f32 v22, v62;
	v24 =	vadd.f32 v36, v24  }
0x185: {  	v15 =	vmul.f32 v15, v63;
	v7 =	vadd.f32 v17, v7;
	v19 =	vadd.f32 v19, v25  }
0x186: {  	v12 =	vmul.f32 v12, v33;
	v16 =	vadd.f32 v21, v16;
	v37 =	vadd.f32 v22, v24  }
0x187: {  	v14 =	vadd.f32 v14, v18;
	v7 =	vadd.f32 v15, v7;
	v38 =	vperm.xlane v19, v3  }
0x188: {  	v13 =	vadd.f32 v13, v20;
	v12 =	vadd.f32 v12, v16;
	v39 =	vperm.xlane v37, v3  }
0x189: {  	v11 =	vadd.f32 v11, v14;
	v41 =	vperm.xlane v7, v3;
	v40 =	vadd.f32 v19, v38  }
0x18a: {  	v9 =	vadd.f32 v9, v13;
	v43 =	vperm.xlane v12, v3;
	v42 =	vadd.f32 v37, v39  }
0x18b: {  	v45 =	vperm.xlane v11, v3;
	v7 =	vadd.f32 v7, v41;
	v44 =	vperm.xlane v40, v4  }
0x18c: {  	v47 =	vperm.xlane v9, v3;
	v12 =	vadd.f32 v12, v43;
	v46 =	vperm.xlane v42, v4  }
0x18d: {  	v11 =	vadd.f32 v11, v45;
	v48 =	vperm.xlane v7, v4;
	v13 =	vadd.f32 v40, v44  }
0x18e: {  	v9 =	vadd.f32 v9, v47;
	v49 =	vperm.xlane v12, v4;
	v14 =	vadd.f32 v42, v46  }
0x18f: {  	v51 =	vperm.xlane v11, v4;
	v7 =	vadd.f32 v7, v48;
	v50 =	vperm.xlane v13, v5  }
0x190: {  	v52 =	vperm.xlane v9, v4;
	v12 =	vadd.f32 v12, v49;
	v18 =	vperm.xlane v14, v5  }
0x191: {  	v11 =	vadd.f32 v11, v51;
	v53 =	vperm.xlane v7, v5;
	v13 =	vadd.f32 v13, v50  }
0x192: {  	v9 =	vadd.f32 v9, v52;
	v54 =	vperm.xlane v12, v5;
	v14 =	vadd.f32 v14, v18  }
0x193: {  	v56 =	vperm.xlane v11, v5;
	v7 =	vadd.f32 v7, v53;
	v55 =	vperm.xlane v13, v6  }
0x194: {  	v57 =	vperm.xlane v9, v5;
	v12 =	vadd.f32 v12, v54;
	v18 =	vperm.xlane v14, v6  }
0x195: {  	v11 =	vadd.f32 v11, v56;
	v58 =	vperm.xlane v7, v6;
	v13 =	vadd.f32 v13, v55  }
0x196: {  	v9 =	vadd.f32 v9, v57;
	v59 =	vperm.xlane v12, v6;
	v14 =	vadd.f32 v14, v18  }
0x197: {  	v60 =	vperm.xlane v11, v6;
	v7 =	vadd.f32 v7, v58;
	v13 =	vnsel vm1, $0x0, v13  }
0x198: {  	v61 =	vperm.xlane v9, v6;
	v12 =	vadd.f32 v12, v59;
	v13 =	vsel vm2, v13, v14  }
0x199: {  	v62 =	vperm.xlane v10, v6;
	v11 =	vadd.f32 v11, v60;
	v7 =	vsel vm3, v13, v7  }
0x19a: {  	v63 =	vperm.xlane v8, v6;
	v9 =	vadd.f32 v9, v61;
	v7 =	vsel vm4, v7, v12  }
0x19b: {  	v10 =	vadd.f32 v10, v62;
	v7 =	vsel vm5, v7, v11  }
0x19c: {  	v8 =	vadd.f32 v8, v63;
	v7 =	vsel vm6, v7, v9  }
0x19d: {  	v7 =	vsel vm7, v7, v10  }
0x19e: {  	v7 =	vsel vm8, v7, v8  }
0x19f: {  	v7 =	vmul.f32 $1.442695020e+00, v7;
	_ =	sdelay $0x1  }
0x1a0: {  	(erf) = vpow2.f32 v7;
	_ =	sdelay $0x8  }
0x1a1: {  	v7 =	vpop (erf)  }
0x1a2: {  	s0 =	sshra.s32 s0, $0x2;
	s1 =	sshll.u32 s31, $0x8;
	v7 =	vnsel vm9, $0x0, v7  }
.Ltmp6:
0x1a3: {  	s31 =	sadd.s32 s7, s1;
	[tilespmem:s0+$0x6280] =	vst v7;
	(pc) =	sbr.rel .LBB2_6-.Ltmp6, $4  }
0x1a4: {  	[hbm4b:s31+s2] =	stream.linear.scatter [tilespmem:s28], [sflag:$0x2], $0x800, $0x38;
	[tilespmem:$0x6A80] =	vst v63  }
0x1a5: {  	_ =	swait.ge [sflag:s12], $0x800  }
0x1a6: {  	[sflag:s12] =	ssyncset.done $0x0  }
0x1a7: {  	[sflag:s12] =	ssyncadd.s32 $0xFFFFF800  }
.LBB2_8:
0x1a8: {  	_ =	sfence.sel $0x180000  }
0x1a9: {  	[bflag:$0x0] =	sbarrier.arrive $0xFFFF  }
0x1aa: {  	_ =	strace $0x90000047  }
0x1ab: {  	s0 =	stileid.u32;
	[bflag:$0x2] =	sbarrier.arrive $0xFFFF  }
0x1ac: {  	p0 =	sne.s32 s0, $0x0;
	s0 =	rddreg [dreg:$0x2]  }
0x1ad: {  	s0 =	sadd.s32 @!p0 $0x100000, s0  }
0x1ae: {  	[sflag:s0] =	ssyncadd.tile.s32 @!p0 $0x1;
	_ =	shalt  }
.Lfunc_end2:
_tile_overlayer_lowered:
.L_overlay_start_2:
0x1af: {  	(tag) =	ssettag $0x2  }
0x1b0: {  	s0 =	rddreg [dreg:$0x0];
	s2 =	stileid.u32  }
0x1b1: {  	s1 =	rddreg [dreg:$0x1];
	p0 =	sne.s32 s2, $0x0  }
0x1b2: {  	s3 =	rddreg [dreg:$0x2];
	[bflag:$0x3] =	sbarrier.arrive $0xFFFF;
	s2 =	simm.s32 @!p0 $0x1C02  }
0x1b3: {  	[timem:s3], [sflag:s2] =	dma.local @!p0 [hbm:s0], s1  }
0x1b4: {  	s0 =	simm.s32 @!p0 $0x2  }
0x1b5: {  	_ =	swait.ge @!p0 [sflag:s0], s1  }
0x1b6: {  	s1 =	ssub.s32 @!p0 $0x0, s1;
	[sflag:s0] =	ssyncset.done @!p0 $0x0  }
0x1b7: {  	[sflag:s0] =	ssyncadd.s32 @!p0 s1  }
0x1b8: {  	[bflag:$0x3] =	sbarrier.arrive $0xFFFF  }
0x1b9: {  	_ =	shalt  }

// kernel: kernel.13.cloned.1.call-start
scs
__scs_entry_jumppad:
0x0: {  	(pc) =	sbr.rel $0x88, $3  }
0x1: {  	(tag) =	ssettag $0x0;
	lr =	simm.s32 $0x1  }
0x2: {  	[smem:$0x3F93] =	sst lr;
	_ =	strace $0xD0000000  }
0x3: {  	_ = 	snop  }
0x4: {  	_ = 	snop  }
0x5: {  	_ = 	snop  }
0x6: {  	_ = 	snop  }
0x7: {  	_ = 	snop  }
__scs_overlays_trampoline_lowered:
0x8: {  	[smem:$0x3FA2] =	sst s0  }
0x9: {  	[smem:$0x3FA3] =	sst s1  }
0xa: {  	[smem:$0x3FA4] =	sst s2  }
0xb: {  	[smem:$0x3FA5] =	sst s3  }
0xc: {  	[smem:$0x3FA6] =	sst s4  }
0xd: {  	[smem:$0x3FA7] =	sst s5  }
0xe: {  	[smem:$0x3FA8] =	sst s6  }
0xf: {  	[smem:$0x3FA9] =	sst s7  }
0x10: {  	[smem:$0x3FAA] =	sst s8  }
0x11: {  	[smem:$0x3FAB] =	sst s9;
	s0 =	simm.s32 @!p0 $0x0  }
0x12: {  	s1 =	sld [smem:$0x3F91];
	s0 =	simm.s32 @p0 $0x1  }
0x13: {  	[smem:$0x3FAC] =	sst s0;
	s0 =	simm.s32 @!p1 $0x0  }
0x14: {  	s2 =	sld [smem:$0x3F90];
	s0 =	simm.s32 @p1 $0x1  }
0x15: {  	[smem:$0x3FAD] =	sst s0;
	s0 =	simm.s32 @!p2 $0x0  }
0x16: {  	s3 =	sld [smem:$0x3FDB];
	s0 =	simm.s32 @p2 $0x1  }
0x17: {  	s4 =	simm.s32 $0x1BF5;
	[smem:$0x3FAF] =	sst s0  }
0x18: {  	s0 =	sld [smem:$0x3F92];
	_ =	swait.ge [sflag:s4], $0x0  }
0x19: {  	s7 =	sld [smem:$0x3F93]  }
0x1a: {  	s8 =	sadd.s32 $0xFFFFE003, lr  }
0x1b: {  	s9 =	sadd.s32 $0xFFFFFEF7, lr;
	s5 =	simm.s32 $0xFFFFFFFF;
	p2 =	slt.u32 s8, $0xFFFFF086  }
0x1c: {  	p1 =	slt.u32 s9, $0xF7A;
	s5 =	simm.s32 @!p2 $0x0  }
0x1d: {  	s5 =	simm.s32 @p1 $0x1;
	p0 =	seq.s32 s7, s2  }
0x1e: {  	s7 =	smul.u32 @!p0 $0xF7A, s2;
	p2 =	seq.s32 @!p0 s5, $0x0  }
0x1f: {  	s9 =	smul.u32 $0xF7A, s1;
	s8 =	simm.s32 @!p0 $0x1BF5;
	p2 =	por !p2, p0  }
0x20: {  	[sflag:s8] =	ssyncset.s32 @!p0 $0xFFFFF086;
	s6 =	sadd.s32 @!p0 s3, s7;
	s7 =	simm.s32 @!p0 $0x108  }
0x21: {  	s3 =	sadd.s32 s3, s9;
	s6 =	sadd.s32 @!p0 $0x88, s6;
	s7 =	simm.s32 @p2 $0x1082  }
0x22: {  	[simem:s7], [sflag:s8] =	dma.local @!p0 [hbm:s6], $0xF7A  }
0x23: {  	s9 =	sor.u32 $0xD0000000, s2;
	s6 =	simm.s32 $0x108;
	_ =	swait.ge @!p0 [sflag:s8], $0x0  }
0x24: {  	s3 =	sadd.s32 $0x88, s3;
	s6 =	simm.s32 @!p1 $0x1082;
	[sflag:s4] =	ssyncset.s32 $0xFFFFF086  }
0x25: {  	[simem:s6], [sflag:s4] =	dma.local [hbm:s3], $0xF7A  }
0x26: {  	[smem:$0x3F93] =	sst s1;
	(tag) =	ssettag s2;
	_ =	strace s9  }
0x27: {  	s1 =	sld [smem:$0x3FA3]  }
0x28: {  	s2 =	sld [smem:$0x3FA4]  }
0x29: {  	s4 =	sld [smem:$0x3FA6]  }
0x2a: {  	p0 =	seq.s32 s5, $0x0;
	s5 =	sld [smem:$0x3FA7]  }
0x2b: {  	s6 =	sld [smem:$0x3FA8]  }
0x2c: {  	s7 =	sld [smem:$0x3FA9]  }
0x2d: {  	s3 =	simm.s32 $0x108;
	s8 =	sld [smem:$0x3FAA]  }
0x2e: {  	s3 =	simm.s32 @!p0 $0x1082;
	s9 =	sld [smem:$0x3FAB]  }
0x2f: {  	lr =	sadd.s32 s0, s3;
	s0 =	sld [smem:$0x3FA2]  }
0x30: {  	s3 =	sld [smem:$0x3FA5]  }
0x31: {  	[smem:$0x3FAE] =	sst s10  }
0x32: {  	s10 =	sld [smem:$0x3FAC];
	_ =	sdelay $0x3  }
0x33: {  	p0 =	seq.s32 s10, $0x1;
	s10 =	sld [smem:$0x3FAE];
	_ =	sdelay $0x3  }
0x34: {  	[smem:$0x3FAE] =	sst s10  }
0x35: {  	s10 =	sld [smem:$0x3FAD];
	_ =	sdelay $0x3  }
0x36: {  	p1 =	seq.s32 s10, $0x1;
	s10 =	sld [smem:$0x3FAE];
	_ =	sdelay $0x3  }
0x37: {  	[smem:$0x3FAE] =	sst s10  }
0x38: {  	s10 =	sld [smem:$0x3FAF]  }
0x39: {  	_ = 	snop;
	(pc) =	sbr.ind lr, $3  }
0x3a: {  	_ = 	snop  }
0x3b: {  	_ = 	snop  }
0x3c: {  	p2 =	seq.s32 s10, $0x1;
	s10 =	sld [smem:$0x3FAE]  }
0x3d: {  	_ =	shalt  }
0x3e: {  	_ =	shalt  }
0x3f: {  	_ =	shalt  }
0x40: {  	_ =	shalt  }
0x41: {  	_ =	shalt  }
0x42: {  	_ =	shalt  }
0x43: {  	_ =	shalt  }
0x44: {  	_ =	shalt  }
0x45: {  	_ =	shalt  }
0x46: {  	_ =	shalt  }
0x47: {  	_ =	shalt  }
0x48: {  	_ =	shalt  }
0x49: {  	_ =	shalt  }
0x4a: {  	_ =	shalt  }
0x4b: {  	_ =	shalt  }
0x4c: {  	_ =	shalt  }
0x4d: {  	_ =	shalt  }
0x4e: {  	_ =	shalt  }
0x4f: {  	_ =	shalt  }
0x50: {  	_ =	shalt  }
0x51: {  	_ =	shalt  }
0x52: {  	_ =	shalt  }
0x53: {  	_ =	shalt  }
0x54: {  	_ =	shalt  }
0x55: {  	_ =	shalt  }
0x56: {  	_ =	shalt  }
0x57: {  	_ =	shalt  }
0x58: {  	_ =	shalt  }
0x59: {  	_ =	shalt  }
0x5a: {  	_ =	shalt  }
0x5b: {  	_ =	shalt  }
0x5c: {  	_ =	shalt  }
0x5d: {  	_ =	shalt  }
0x5e: {  	_ =	shalt  }
0x5f: {  	_ =	shalt  }
0x60: {  	_ =	shalt  }
0x61: {  	_ =	shalt  }
0x62: {  	_ =	shalt  }
0x63: {  	_ =	shalt  }
0x64: {  	_ =	shalt  }
0x65: {  	_ =	shalt  }
0x66: {  	_ =	shalt  }
0x67: {  	_ =	shalt  }
0x68: {  	_ =	shalt  }
0x69: {  	_ =	shalt  }
0x6a: {  	_ =	shalt  }
0x6b: {  	_ =	shalt  }
0x6c: {  	_ =	shalt  }
0x6d: {  	_ =	shalt  }
0x6e: {  	_ =	shalt  }
0x6f: {  	_ =	shalt  }
0x70: {  	_ =	shalt  }
0x71: {  	_ =	shalt  }
0x72: {  	_ =	shalt  }
0x73: {  	_ =	shalt  }
0x74: {  	_ =	shalt  }
0x75: {  	_ =	shalt  }
0x76: {  	_ =	shalt  }
0x77: {  	_ =	shalt  }
0x78: {  	_ =	shalt  }
0x79: {  	_ =	shalt  }
0x7a: {  	_ =	shalt  }
0x7b: {  	_ =	shalt  }
0x7c: {  	_ =	shalt  }
0x7d: {  	_ =	shalt  }
0x7e: {  	_ =	shalt  }
0x7f: {  	_ =	shalt  }
0x80: {  	_ =	shalt  }
0x81: {  	_ =	shalt  }
0x82: {  	_ =	shalt  }
0x83: {  	_ =	shalt  }
0x84: {  	_ =	shalt  }
0x85: {  	_ =	shalt  }
0x86: {  	_ =	shalt  }
0x87: {  	_ =	shalt  }
.Lfunc_end0:
.L_simem_size_0:
called_computation.1_lowered:
.L_overlay_start_0:
0x88: {  	s2 =	sld [smem:$0x3FD9]  }
0x89: {  	s3 =	sld [smem:$0x3FFE];
	_ =	sdelay $0x1  }
0x8a: {  	s1 =	srdreg.scid  }
0x8b: {  	s0 =	sand.u32 $0x1, s1  }
0x8c: {  	s17 =	sshll.u32 s0, $0xA;
	s2 =	sadd.s32 s3, s2  }
0x8d: {  	s2 =	sadd.s32 s2, s17  }
0x8e: {  	[smem:$0x3FBA] =	sst s2  }
0x8f: {  	_ = 	snop  }
0x90: {  	(tm) =	ssettm $0x1  }
0x91: {  	s18 =	sld [smem:$0x3FFB];
	_ =	sdelay $0x3  }
0x92: {  	_ =	strace s18  }
0x93: {  	s2 =	sld [smem:$0x3FFC];
	_ =	sdelay $0x3  }
0x94: {  	_ =	strace s2  }
0x95: {  	s2 =	sld [smem:$0x3FFD];
	_ =	sdelay $0x3  }
0x96: {  	_ =	strace s2  }
0x97: {  	_ =	strace $0x8FFFFFFF  }
0x98: {  	s19 =	sld [smem:$0x3FDB];
	_ =	sdelay $0x1  }
0x99: {  	s20 =	simm.s32 $_scs_section_size  }
0x9a: {  	s4 =	simm.s32 $_size__tile_overlayer_lowered;
	s5 =	simm.s32 $_tile_overlayer_lowered  }
0x9b: {  	s6 =	simm.s32 $0x1BFF;
	s21 =	sshll.u32 s5, $0x1;
	s3 =	sadd.s32 s20, s19  }
0x9c: {  	s22 =	simm.s32 $0x0;
	s4 =	sshll.u32 s4, $0x1;
	s5 =	sadd.s32 s21, s3  }
0x9d: {  	[timem:s22], [sflag:s6] =	dma.local [hbm:s5], s4  }
0x9e: {  	_ =	swait.ge [sflag:s6], s4  }
0x9f: {  	s4 =	ssub.s32 $0x0, s4;
	[sflag:s6] =	ssyncset.done $0x0  }
0xa0: {  	[sflag:s6] =	ssyncadd.s32 s4;
	_ =	sdelay $0x1  }
0xa1: {  	s23 =	simm.s32 $0x1B8B  }
0xa2: {  	_ =	swait.ge [sflag:s23], $0x1  }
0xa3: {  	[sflag:s23] =	ssyncset.done $0x0  }
0xa4: {  	[sflag:s23] =	ssyncadd.s32 $0xFFFFFFFF  }
0xa5: {  	s4 =	sld [smem:$0x0]  }
0xa6: {  	s5 =	sand.u32 $0xFFFFFFFE, s1  }
0xa7: {  	p0 =	sne.s32 s1, s5  }
0xa8: {  	s5 =	sshll.u32 @p0 s5, $0xE  }
0xa9: {  	s5 =	sadd.s32 @p0 $0x11B8D, s5;
	s6 =	sshll.u32 @p0 s4, $0x11  }
0xaa: {  	s5 =	sor.u32 @p0 s6, s5  }
0xab: {  	[sflag:s5] =	ssyncadd.remote.s32 @p0 $0x1;
	_ =	sdelay $0x1  }
0xac: {  	s5 =	simm.s32 @p0 $0x1B8D  }
0xad: {  	_ =	swait.eq @p0 [sflag:s5], $0x1  }
0xae: {  	[sflag:s5] =	ssyncadd.s32 @p0 $0xFFFFFFFF  }
0xaf: {  	s6 =	sshll.u32 @!p0 s1, $0xE  }
0xb0: {  	s6 =	sor.u32 @!p0 $0x4000, s6;
	s5 =	simm.s32 @!p0 $0x1B8D  }
0xb1: {  	s4 =	sshll.u32 @!p0 s4, $0x11;
	s6 =	sadd.s32 @!p0 $0x11B8D, s6;
	_ =	swait.eq @!p0 [sflag:s5], $0x1  }
0xb2: {  	s4 =	sor.u32 @!p0 s4, s6;
	[sflag:s5] =	ssyncadd.s32 @!p0 $0xFFFFFFFF  }
0xb3: {  	s25 =	simm.s32 $0x1B8E;
	s24 =	sld [smem:$0x3FFE];
	[sflag:s4] =	ssyncadd.remote.s32 @!p0 $0x1  }
0xb4: {  	s26 =	simm.s32 $execute0_lowered;
	[smem:$0x3FD2] =	sst s25  }
0xb5: {  	s5 =	sshll.u32 s26, $0x1;
	_ =	strace $0x8000004C;
	[dreg:$0x1] =	wrdreg $0xFFFFFFFF  }
0xb6: {  	s28 =	simm.s32 $_size_execute0_lowered;
	s3 =	sadd.s32 s3, s5;
	[dreg:$0x0] =	wrdreg $0x0  }
0xb7: {  	s5 =	sshll.u32 s28, $0x1;
	[dreg:$0x2] =	wrdreg s3  }
0xb8: {  	[dreg:$0x3] =	wrdreg s5  }
0xb9: {  	[dreg:$0x4] =	wrdreg $0xC0  }
0xba: {  	_ =	task [dreg:s22], $0x5FFFF  }
0xbb: {  	[dreg:$0x1] =	wrdreg $0xFFFFFFFF  }
0xbc: {  	[dreg:$0x0] =	wrdreg $0x60  }
0xbd: {  	[dreg:$0x2] =	wrdreg s24  }
0xbe: {  	[dreg:$0x3] =	wrdreg $0xA  }
0xbf: {  	_ =	task.clear_ibuf [dreg:s22], $0x4FFFF;
	_ =	strace $0x9000004C  }
0xc0: {  	s29 =	simm.s32 $0xA;
	_ =	strace $0x8000004E  }
0xc1: {  	_ =	swait.ge [sflag:s29], $0x1  }
0xc2: {  	[sflag:s29] =	ssyncadd.s32 $0xFFFFFFFF  }
0xc3: {  	_ =	strace $0x9000004E  }
0xc4: {  	_ =	sfence  }
0xc5: {  	s30 =	sld [smem:$0x0];
	_ =	sdelay $0x2  }
0xc6: {  	s31 =	sshll.u32 s1, $0xD;
	s1 =	sshrl.u32 s1, $0x2  }
0xc7: {  	s4 =	sand.u32 $0x4000, s31;
	s1 =	sadd.s32 s1, s30  }
0xc8: {  	s0 =	sor.u32 s4, s0;
	s1 =	sshll.u32 s1, $0x11  }
0xc9: {  	s0 =	sor.u32 s1, s0  }
0xca: {  	s0 =	sadd.s32 $0x8F2B, s0  }
0xcb: {  	[sflag:s0] =	ssyncadd.remote.s32 $0x1  }
0xcc: {  	_ =	sfence.sel $0xFFFF  }
0xcd: {  	[dreg:$0x0] =	wrdreg $0xFFFFFFFF;
	(pc) =	sbr.abs _section_cstart, $3  }
0xce: {  	[dreg:$0x1] =	wrdreg $0xFFFFFFFF  }
0xcf: {  	_ =	task.clear_ibuf [dreg:s22], $0x2FFFF;
	_ =	strace $0x9FFFFFFF  }
0xd0: {  	(tm) =	ssettm $0x7FFFFFFF  }
0xd1: {  	_ =	shalt  }
tec
execute0_lowered:
.L_overlay_start_1:
0x0: {  	(tag) =	ssettag $0x1  }
0x1: {  	s7 =	rddreg [dreg:$0x0]  }
0x2: {  	s0 =	rddreg [dreg:$0x1]  }
0x3: {  	s1 =	simm.s32 $0x0;
	s2 =	srdreg.scid;
	s3 =	stileid.u32  }
0x4: {  	s10 =	simm.s32 $0x3;
	s11 =	simm.s32 $0x80;
	s12 =	simm.s32 $0x40  }
0x5: {  	s13 =	simm.s32 $0x2080;
	s14 =	simm.s32 $0x1;
	s15 =	simm.s32 $0x4080  }
.Ltmp0:
0x6: {  	s16 =	simm.s32 $0x2;
	s2 =	sand.u32 $0x1, s2;
	(pc) =	sbr.rel .LBB2_1-.Ltmp0, $4  }
0x7: {  	s17 =	simm.s32 $0x0;
	[smem:$0x7FF] =	sst s1;
	s8 =	ssub.s32 $0x2, s2  }
0x8: {  	s4 =	sadd.s32 $0x294A00, s7;
	s5 =	sadd.s32 $0x4C00, s7;
	s9 =	sshrl.u32 s8, $0x1  }
0x9: {  	s6 =	sadd.s32 $0x276E00, s7;
	s7 =	sadd.s32 $0xEC9A00, s7;
	s9 =	ssub.s32 s8, s9  }
0xa: {  	_ =	strace $0x8000004D;
	s8 =	sshll.u32 s3, $0x1;
	s9 =	smax.u32 s9, $0x1  }
.LBB2_7:
0xb: {  	s17 =	sadd.s32 $0x1, s17  }
0xc: {  	p0 =	sne.s32 s17, s9  }
.Ltmp1:
0xd: {  	_ = 	snop;
	(pc) =	sbr.rel @!p0 .LBB2_8-.Ltmp1, $1  }
0xe: {  	_ =	sdelay $0x3  }
.LBB2_1:
.Ltmp2:
0xf: {  	(pc) =	sbr.rel .LBB2_2-.Ltmp2, $2  }
0x10: {  	_ =	sdelay $0x2  }
0x11: {  	s18 =	simm.s32 $0x0  }
.LBB2_6:
0x12: {  	s18 =	sadd.s32 $0x1, s18  }
0x13: {  	p0 =	sne.s32 s18, $0x4F  }
.Ltmp3:
0x14: {  	_ = 	snop;
	(pc) =	sbr.rel @!p0 .LBB2_7-.Ltmp3, $1  }
0x15: {  	_ =	sdelay $0x3  }
.LBB2_2:
0x16: {  	s19 =	sshll.u32 s18, $0x5  }
0x17: {  	s19 =	sor.u32 s8, s19  }
0x18: {  	p0 =	sgt.u32 s19, $0x9C3  }
.Ltmp4:
0x19: {  	_ = 	snop;
	(pc) =	sbr.rel @p0 .LBB2_6-.Ltmp4, $1  }
0x1a: {  	_ =	sdelay $0x3  }
0x1b: {  	s19 =	sor.u32 s2, s19  }
0x1c: {  	s20 =	sshll.u32 s19, $0x3  }
0x1d: {  	s21 =	simm.s32 $0x0;
	s20 =	sadd.s32 s6, s20  }
0x1e: {  	[tilespmem:s21], [sflag:$0x3] =	stream.linear.gather [hbm4b:s20+s21], $0x40, $0x38;
	[tilespmem:$0x6080] =	vst v63  }
0x1f: {  	_ =	swait.ge [sflag:s10], $0x40  }
0x20: {  	s19 =	sshll.u32 s19, $0xA;
	[sflag:s10] =	ssyncset.done $0x0  }
0x21: {  	s31 =	sadd.s32 s4, s19;
	[sflag:s10] =	ssyncadd.s32 $0xFFFFFFC0  }
0x22: {  	[tilespmem:s11], [sflag:$0x3] =	stream.linear.gather [hbm4b:s31+s21], $0x2000, $0x38;
	[tilespmem:$0x6080] =	vst v63  }
0x23: {  	_ =	swait.ge [sflag:s10], $0x2000  }
0x24: {  	[sflag:s10] =	ssyncset.done $0x0  }
0x25: {  	[sflag:s10] =	ssyncadd.s32 $0xFFFFE000  }
0x26: {  	[tilespmem:s13], [sflag:$0x1] =	stream.indirect.gather [hbm4b:s5+s12], $0x80, s21, s12, $0xb8;
	[tilespmem:$0x6080] =	vst v63  }
0x27: {  	_ =	swait.ge [sflag:s14], $0x2000  }
0x28: {  	[sflag:s14] =	ssyncset.done $0x0  }
0x29: {  	s21 =	simm.s32 $0x0;
	[sflag:s14] =	ssyncadd.s32 $0xFFFFE000  }
0x2a: {  	v0 =	vld [tilespmem:s21+$0x2080];
	_ =	sdelay $0x4  }
0x2b: {  	v0 =	vadd.f32 $1.000000020e-16, v0  }
0x2c: {  	s20 =	simm.s32 $0x80  }
0x2d: {  	(erf) = vrcp.f32 v0;
	v0 =	vld [tilespmem:s20+$0x2080];
	_ =	sdelay $0x3  }
0x2e: {  	s22 =	simm.s32 $0x100  }
0x2f: {  	v1 =	vld [tilespmem:s22+$0x2080];
	v2 =	vadd.f32 $1.000000020e-16, v0  }
0x30: {  	v0 =	vld [tilespmem:s21+$0x80]  }
0x31: {  	(erf) = vrcp.f32 v2;
	_ =	sdelay $0x2  }
0x32: {  	s23 =	simm.s32 $0x600;
	v2 =	vpop (erf)  }
.LBB2_4:
0x33: {  	s24 =	sshra.s32 s23, $0x2;
	p0 =	sne.s32 s23, $0x7E00;
	s23 =	sadd.s32 $0x200, s23;
	v3 =	vadd.f32 $1.000000020e-16, v1;
	v2 =	vmul.f32 v2, v0;
	v0 =	vld [tilespmem:s20+$0x80]  }
.Ltmp5:
0x34: {  	v1 =	vld [tilespmem:s24+$0x2080];
	(pc) =	sbr.rel @p0 .LBB2_4-.Ltmp5, $3  }
0x35: {  	(erf) = vrcp.f32 v3;
	[tilespmem:s21+$0x4080] =	vst v2;
	s21 =	smov.u32 s20;
	s20 =	smov.u32 s22;
	s22 =	smov.u32 s24  }
0x36: {  	_ =	sdelay $0x1  }
0x37: {  	v2 =	vpop (erf)  }
0x38: {  	v1 =	vadd.f32 $1.000000020e-16, v1;
	_ =	sdelay $0x1  }
0x39: {  	(erf) = vrcp.f32 v1;
	_ =	sdelay $0x1  }
0x3a: {  	v0 =	vmul.f32 v2, v0;
	_ =	sdelay $0x1  }
0x3b: {  	v61 =	vld [tilespmem:s20+$0x80];
	[tilespmem:s21+$0x4080] =	vst v0  }
0x3c: {  	v0 =	vld [tilespmem:s22+$0x80];
	_ =	sdelay $0x2  }
0x3d: {  	v62 =	vpop (erf)  }
0x3e: {  	v1 =	vmul.f32 v62, v61;
	v63 =	vpop (erf)  }
0x3f: {  	v0 =	vmul.f32 v63, v0  }
0x40: {  	[tilespmem:s20+$0x4080] =	vst v1  }
.Ltmp6:
0x41: {  	s19 =	sadd.s32 s7, s19;
	[tilespmem:s22+$0x4080] =	vst v0;
	(pc) =	sbr.rel .LBB2_6-.Ltmp6, $4  }
0x42: {  	[hbm4b:s19+s1] =	stream.linear.scatter [tilespmem:s15], [sflag:$0x2], $0x2000, $0x38;
	[tilespmem:$0x6080] =	vst v63  }
0x43: {  	_ =	swait.ge [sflag:s16], $0x2000  }
0x44: {  	[sflag:s16] =	ssyncset.done $0x0  }
0x45: {  	[sflag:s16] =	ssyncadd.s32 $0xFFFFE000  }
.LBB2_8:
0x46: {  	_ =	sfence.sel $0x180000  }
0x47: {  	[bflag:$0x0] =	sbarrier.arrive $0xFFFF  }
0x48: {  	p0 =	sne.s32 s3, $0x0;
	_ =	strace $0x9000004D  }
0x49: {  	s0 =	sadd.s32 @!p0 $0x100000, s0;
	[bflag:$0x2] =	sbarrier.arrive $0xFFFF  }
0x4a: {  	[sflag:s0] =	ssyncadd.tile.s32 @!p0 $0x1;
	_ =	shalt  }
.Lfunc_end2:
_tile_overlayer_lowered:
.L_overlay_start_2:
0x4b: {  	(tag) =	ssettag $0x2  }
0x4c: {  	s0 =	rddreg [dreg:$0x0];
	s2 =	stileid.u32  }
0x4d: {  	s1 =	rddreg [dreg:$0x1];
	p0 =	sne.s32 s2, $0x0  }
0x4e: {  	s3 =	rddreg [dreg:$0x2];
	[bflag:$0x3] =	sbarrier.arrive $0xFFFF;
	s2 =	simm.s32 @!p0 $0x1C02  }
0x4f: {  	[timem:s3], [sflag:s2] =	dma.local @!p0 [hbm:s0], s1  }
0x50: {  	s0 =	simm.s32 @!p0 $0x2  }
0x51: {  	_ =	swait.ge @!p0 [sflag:s0], s1  }
0x52: {  	s1 =	ssub.s32 @!p0 $0x0, s1;
	[sflag:s0] =	ssyncset.done @!p0 $0x0  }
0x53: {  	[sflag:s0] =	ssyncadd.s32 @!p0 s1  }
0x54: {  	[bflag:$0x3] =	sbarrier.arrive $0xFFFF  }
0x55: {  	_ =	shalt  }

// kernel: kernel.16.cloned.1.call-start
scs
__scs_entry_jumppad:
0x0: {  	(pc) =	sbr.rel $0x88, $3  }
0x1: {  	(tag) =	ssettag $0x0;
	lr =	simm.s32 $0x1  }
0x2: {  	[smem:$0x3F93] =	sst lr;
	_ =	strace $0xD0000000  }
0x3: {  	_ = 	snop  }
0x4: {  	_ = 	snop  }
0x5: {  	_ = 	snop  }
0x6: {  	_ = 	snop  }
0x7: {  	_ = 	snop  }
__scs_overlays_trampoline_lowered:
0x8: {  	[smem:$0x3FA2] =	sst s0  }
0x9: {  	[smem:$0x3FA3] =	sst s1  }
0xa: {  	[smem:$0x3FA4] =	sst s2  }
0xb: {  	[smem:$0x3FA5] =	sst s3  }
0xc: {  	[smem:$0x3FA6] =	sst s4  }
0xd: {  	[smem:$0x3FA7] =	sst s5  }
0xe: {  	[smem:$0x3FA8] =	sst s6  }
0xf: {  	[smem:$0x3FA9] =	sst s7  }
0x10: {  	[smem:$0x3FAA] =	sst s8  }
0x11: {  	[smem:$0x3FAB] =	sst s9;
	s0 =	simm.s32 @!p0 $0x0  }
0x12: {  	s1 =	sld [smem:$0x3F91];
	s0 =	simm.s32 @p0 $0x1  }
0x13: {  	[smem:$0x3FAC] =	sst s0;
	s0 =	simm.s32 @!p1 $0x0  }
0x14: {  	s2 =	sld [smem:$0x3F90];
	s0 =	simm.s32 @p1 $0x1  }
0x15: {  	[smem:$0x3FAD] =	sst s0;
	s0 =	simm.s32 @!p2 $0x0  }
0x16: {  	s3 =	sld [smem:$0x3FDB];
	s0 =	simm.s32 @p2 $0x1  }
0x17: {  	s4 =	simm.s32 $0x1BF5;
	[smem:$0x3FAF] =	sst s0  }
0x18: {  	s0 =	sld [smem:$0x3F92];
	_ =	swait.ge [sflag:s4], $0x0  }
0x19: {  	s7 =	sld [smem:$0x3F93]  }
0x1a: {  	s8 =	sadd.s32 $0xFFFFE003, lr  }
0x1b: {  	s9 =	sadd.s32 $0xFFFFFEF7, lr;
	s5 =	simm.s32 $0xFFFFFFFF;
	p2 =	slt.u32 s8, $0xFFFFF086  }
0x1c: {  	p1 =	slt.u32 s9, $0xF7A;
	s5 =	simm.s32 @!p2 $0x0  }
0x1d: {  	s5 =	simm.s32 @p1 $0x1;
	p0 =	seq.s32 s7, s2  }
0x1e: {  	s7 =	smul.u32 @!p0 $0xF7A, s2;
	p2 =	seq.s32 @!p0 s5, $0x0  }
0x1f: {  	s9 =	smul.u32 $0xF7A, s1;
	s8 =	simm.s32 @!p0 $0x1BF5;
	p2 =	por !p2, p0  }
0x20: {  	[sflag:s8] =	ssyncset.s32 @!p0 $0xFFFFF086;
	s6 =	sadd.s32 @!p0 s3, s7;
	s7 =	simm.s32 @!p0 $0x108  }
0x21: {  	s3 =	sadd.s32 s3, s9;
	s6 =	sadd.s32 @!p0 $0x88, s6;
	s7 =	simm.s32 @p2 $0x1082  }
0x22: {  	[simem:s7], [sflag:s8] =	dma.local @!p0 [hbm:s6], $0xF7A  }
0x23: {  	s9 =	sor.u32 $0xD0000000, s2;
	s6 =	simm.s32 $0x108;
	_ =	swait.ge @!p0 [sflag:s8], $0x0  }
0x24: {  	s3 =	sadd.s32 $0x88, s3;
	s6 =	simm.s32 @!p1 $0x1082;
	[sflag:s4] =	ssyncset.s32 $0xFFFFF086  }
0x25: {  	[simem:s6], [sflag:s4] =	dma.local [hbm:s3], $0xF7A  }
0x26: {  	[smem:$0x3F93] =	sst s1;
	(tag) =	ssettag s2;
	_ =	strace s9  }
0x27: {  	s1 =	sld [smem:$0x3FA3]  }
0x28: {  	s2 =	sld [smem:$0x3FA4]  }
0x29: {  	s4 =	sld [smem:$0x3FA6]  }
0x2a: {  	p0 =	seq.s32 s5, $0x0;
	s5 =	sld [smem:$0x3FA7]  }
0x2b: {  	s6 =	sld [smem:$0x3FA8]  }
0x2c: {  	s7 =	sld [smem:$0x3FA9]  }
0x2d: {  	s3 =	simm.s32 $0x108;
	s8 =	sld [smem:$0x3FAA]  }
0x2e: {  	s3 =	simm.s32 @!p0 $0x1082;
	s9 =	sld [smem:$0x3FAB]  }
0x2f: {  	lr =	sadd.s32 s0, s3;
	s0 =	sld [smem:$0x3FA2]  }
0x30: {  	s3 =	sld [smem:$0x3FA5]  }
0x31: {  	[smem:$0x3FAE] =	sst s10  }
0x32: {  	s10 =	sld [smem:$0x3FAC];
	_ =	sdelay $0x3  }
0x33: {  	p0 =	seq.s32 s10, $0x1;
	s10 =	sld [smem:$0x3FAE];
	_ =	sdelay $0x3  }
0x34: {  	[smem:$0x3FAE] =	sst s10  }
0x35: {  	s10 =	sld [smem:$0x3FAD];
	_ =	sdelay $0x3  }
0x36: {  	p1 =	seq.s32 s10, $0x1;
	s10 =	sld [smem:$0x3FAE];
	_ =	sdelay $0x3  }
0x37: {  	[smem:$0x3FAE] =	sst s10  }
0x38: {  	s10 =	sld [smem:$0x3FAF]  }
0x39: {  	_ = 	snop;
	(pc) =	sbr.ind lr, $3  }
0x3a: {  	_ = 	snop  }
0x3b: {  	_ = 	snop  }
0x3c: {  	p2 =	seq.s32 s10, $0x1;
	s10 =	sld [smem:$0x3FAE]  }
0x3d: {  	_ =	shalt  }
0x3e: {  	_ =	shalt  }
0x3f: {  	_ =	shalt  }
0x40: {  	_ =	shalt  }
0x41: {  	_ =	shalt  }
0x42: {  	_ =	shalt  }
0x43: {  	_ =	shalt  }
0x44: {  	_ =	shalt  }
0x45: {  	_ =	shalt  }
0x46: {  	_ =	shalt  }
0x47: {  	_ =	shalt  }
0x48: {  	_ =	shalt  }
0x49: {  	_ =	shalt  }
0x4a: {  	_ =	shalt  }
0x4b: {  	_ =	shalt  }
0x4c: {  	_ =	shalt  }
0x4d: {  	_ =	shalt  }
0x4e: {  	_ =	shalt  }
0x4f: {  	_ =	shalt  }
0x50: {  	_ =	shalt  }
0x51: {  	_ =	shalt  }
0x52: {  	_ =	shalt  }
0x53: {  	_ =	shalt  }
0x54: {  	_ =	shalt  }
0x55: {  	_ =	shalt  }
0x56: {  	_ =	shalt  }
0x57: {  	_ =	shalt  }
0x58: {  	_ =	shalt  }
0x59: {  	_ =	shalt  }
0x5a: {  	_ =	shalt  }
0x5b: {  	_ =	shalt  }
0x5c: {  	_ =	shalt  }
0x5d: {  	_ =	shalt  }
0x5e: {  	_ =	shalt  }
0x5f: {  	_ =	shalt  }
0x60: {  	_ =	shalt  }
0x61: {  	_ =	shalt  }
0x62: {  	_ =	shalt  }
0x63: {  	_ =	shalt  }
0x64: {  	_ =	shalt  }
0x65: {  	_ =	shalt  }
0x66: {  	_ =	shalt  }
0x67: {  	_ =	shalt  }
0x68: {  	_ =	shalt  }
0x69: {  	_ =	shalt  }
0x6a: {  	_ =	shalt  }
0x6b: {  	_ =	shalt  }
0x6c: {  	_ =	shalt  }
0x6d: {  	_ =	shalt  }
0x6e: {  	_ =	shalt  }
0x6f: {  	_ =	shalt  }
0x70: {  	_ =	shalt  }
0x71: {  	_ =	shalt  }
0x72: {  	_ =	shalt  }
0x73: {  	_ =	shalt  }
0x74: {  	_ =	shalt  }
0x75: {  	_ =	shalt  }
0x76: {  	_ =	shalt  }
0x77: {  	_ =	shalt  }
0x78: {  	_ =	shalt  }
0x79: {  	_ =	shalt  }
0x7a: {  	_ =	shalt  }
0x7b: {  	_ =	shalt  }
0x7c: {  	_ =	shalt  }
0x7d: {  	_ =	shalt  }
0x7e: {  	_ =	shalt  }
0x7f: {  	_ =	shalt  }
0x80: {  	_ =	shalt  }
0x81: {  	_ =	shalt  }
0x82: {  	_ =	shalt  }
0x83: {  	_ =	shalt  }
0x84: {  	_ =	shalt  }
0x85: {  	_ =	shalt  }
0x86: {  	_ =	shalt  }
0x87: {  	_ =	shalt  }
.Lfunc_end0:
.L_simem_size_0:
called_computation.2_lowered:
.L_overlay_start_0:
0x88: {  	s2 =	sld [smem:$0x3FD9]  }
0x89: {  	s3 =	sld [smem:$0x3FFE];
	_ =	sdelay $0x1  }
0x8a: {  	s1 =	srdreg.scid  }
0x8b: {  	s0 =	sand.u32 $0x1, s1  }
0x8c: {  	s17 =	sshll.u32 s0, $0xA;
	s2 =	sadd.s32 s3, s2  }
0x8d: {  	s2 =	sadd.s32 s2, s17  }
0x8e: {  	[smem:$0x3FBA] =	sst s2  }
0x8f: {  	_ = 	snop  }
0x90: {  	(tm) =	ssettm $0x1  }
0x91: {  	s18 =	sld [smem:$0x3FFB];
	_ =	sdelay $0x3  }
0x92: {  	_ =	strace s18  }
0x93: {  	s2 =	sld [smem:$0x3FFC];
	_ =	sdelay $0x3  }
0x94: {  	_ =	strace s2  }
0x95: {  	s2 =	sld [smem:$0x3FFD];
	_ =	sdelay $0x3  }
0x96: {  	_ =	strace s2  }
0x97: {  	_ =	strace $0x8FFFFFFF  }
0x98: {  	s19 =	sld [smem:$0x3FDB];
	_ =	sdelay $0x1  }
0x99: {  	s20 =	simm.s32 $_scs_section_size  }
0x9a: {  	s4 =	simm.s32 $_size__tile_overlayer_lowered;
	s5 =	simm.s32 $_tile_overlayer_lowered  }
0x9b: {  	s6 =	simm.s32 $0x1BFF;
	s21 =	sshll.u32 s5, $0x1;
	s3 =	sadd.s32 s20, s19  }
0x9c: {  	s22 =	simm.s32 $0x0;
	s4 =	sshll.u32 s4, $0x1;
	s5 =	sadd.s32 s21, s3  }
0x9d: {  	[timem:s22], [sflag:s6] =	dma.local [hbm:s5], s4  }
0x9e: {  	_ =	swait.ge [sflag:s6], s4  }
0x9f: {  	s4 =	ssub.s32 $0x0, s4;
	[sflag:s6] =	ssyncset.done $0x0  }
0xa0: {  	[sflag:s6] =	ssyncadd.s32 s4;
	_ =	sdelay $0x1  }
0xa1: {  	s23 =	simm.s32 $0x1B8B  }
0xa2: {  	_ =	swait.ge [sflag:s23], $0x1  }
0xa3: {  	[sflag:s23] =	ssyncset.done $0x0  }
0xa4: {  	[sflag:s23] =	ssyncadd.s32 $0xFFFFFFFF  }
0xa5: {  	s4 =	sld [smem:$0x0]  }
0xa6: {  	s5 =	sand.u32 $0xFFFFFFFE, s1  }
0xa7: {  	p0 =	sne.s32 s1, s5  }
0xa8: {  	s5 =	sshll.u32 @p0 s5, $0xE  }
0xa9: {  	s5 =	sadd.s32 @p0 $0x11B8D, s5;
	s6 =	sshll.u32 @p0 s4, $0x11  }
0xaa: {  	s5 =	sor.u32 @p0 s6, s5  }
0xab: {  	[sflag:s5] =	ssyncadd.remote.s32 @p0 $0x1;
	_ =	sdelay $0x1  }
0xac: {  	s5 =	simm.s32 @p0 $0x1B8D  }
0xad: {  	_ =	swait.eq @p0 [sflag:s5], $0x1  }
0xae: {  	[sflag:s5] =	ssyncadd.s32 @p0 $0xFFFFFFFF  }
0xaf: {  	s6 =	sshll.u32 @!p0 s1, $0xE  }
0xb0: {  	s6 =	sor.u32 @!p0 $0x4000, s6;
	s5 =	simm.s32 @!p0 $0x1B8D  }
0xb1: {  	s4 =	sshll.u32 @!p0 s4, $0x11;
	s6 =	sadd.s32 @!p0 $0x11B8D, s6;
	_ =	swait.eq @!p0 [sflag:s5], $0x1  }
0xb2: {  	s4 =	sor.u32 @!p0 s4, s6;
	[sflag:s5] =	ssyncadd.s32 @!p0 $0xFFFFFFFF  }
0xb3: {  	s25 =	simm.s32 $0x1B8E;
	s24 =	sld [smem:$0x3FFE];
	[sflag:s4] =	ssyncadd.remote.s32 @!p0 $0x1  }
0xb4: {  	s26 =	simm.s32 $execute0_lowered;
	[smem:$0x3FD2] =	sst s25  }
0xb5: {  	s5 =	sshll.u32 s26, $0x1;
	_ =	strace $0x80000049;
	[dreg:$0x1] =	wrdreg $0xFFFFFFFF  }
0xb6: {  	s28 =	simm.s32 $_size_execute0_lowered;
	s3 =	sadd.s32 s3, s5;
	[dreg:$0x0] =	wrdreg $0x0  }
0xb7: {  	s5 =	sshll.u32 s28, $0x1;
	[dreg:$0x2] =	wrdreg s3  }
0xb8: {  	[dreg:$0x3] =	wrdreg s5  }
0xb9: {  	[dreg:$0x4] =	wrdreg $0xC0  }
0xba: {  	_ =	task [dreg:s22], $0x5FFFF  }
0xbb: {  	[dreg:$0x1] =	wrdreg $0xFFFFFFFF  }
0xbc: {  	[dreg:$0x0] =	wrdreg $0x60  }
0xbd: {  	[dreg:$0x2] =	wrdreg s24  }
0xbe: {  	[dreg:$0x3] =	wrdreg $0x9  }
0xbf: {  	_ =	task.clear_ibuf [dreg:s22], $0x4FFFF;
	_ =	strace $0x90000049  }
0xc0: {  	s29 =	simm.s32 $0x9;
	_ =	strace $0x8000004B  }
0xc1: {  	_ =	swait.ge [sflag:s29], $0x1  }
0xc2: {  	[sflag:s29] =	ssyncadd.s32 $0xFFFFFFFF  }
0xc3: {  	_ =	strace $0x9000004B  }
0xc4: {  	_ =	sfence  }
0xc5: {  	s30 =	sld [smem:$0x0];
	_ =	sdelay $0x2  }
0xc6: {  	s31 =	sshll.u32 s1, $0xD;
	s1 =	sshrl.u32 s1, $0x2  }
0xc7: {  	s4 =	sand.u32 $0x4000, s31;
	s1 =	sadd.s32 s1, s30  }
0xc8: {  	s0 =	sor.u32 s4, s0;
	s1 =	sshll.u32 s1, $0x11  }
0xc9: {  	s0 =	sor.u32 s1, s0  }
0xca: {  	s0 =	sadd.s32 $0x8F2B, s0  }
0xcb: {  	[sflag:s0] =	ssyncadd.remote.s32 $0x1  }
0xcc: {  	_ =	sfence.sel $0xFFFF  }
0xcd: {  	[dreg:$0x0] =	wrdreg $0xFFFFFFFF;
	(pc) =	sbr.abs _section_cstart, $3  }
0xce: {  	[dreg:$0x1] =	wrdreg $0xFFFFFFFF  }
0xcf: {  	_ =	task.clear_ibuf [dreg:s22], $0x2FFFF;
	_ =	strace $0x9FFFFFFF  }
0xd0: {  	(tm) =	ssettm $0x7FFFFFFF  }
0xd1: {  	_ =	shalt  }
tec
execute0_lowered:
.L_overlay_start_1:
0x0: {  	(tag) =	ssettag $0x1  }
0x1: {  	s0 =	rddreg [dreg:$0x0];
	s1 =	simm.s32 $0x0;
	s4 =	srdreg.scid  }
0x2: {  	s2 =	stileid.u32;
	s11 =	simm.s32 $0x880;
	s12 =	simm.s32 $0x1080  }
0x3: {  	s13 =	simm.s32 $0x1880;
	s14 =	simm.s32 $0x2080;
	s15 =	simm.s32 $0x2880  }
0x4: {  	s16 =	simm.s32 $0x3080;
	s17 =	simm.s32 $0x3880;
	s18 =	simm.s32 $0x4080  }
0x5: {  	s19 =	simm.s32 $0x4880;
	s20 =	simm.s32 $0x5080;
	s21 =	simm.s32 $0x5880  }
0x6: {  	s22 =	simm.s32 $0x6080;
	s23 =	simm.s32 $0x6880;
	s28 =	simm.s32 $0x2  }
0x7: {  	s29 =	simm.s32 $0x0;
	[smem:$0x7FF] =	sst s1;
	s3 =	sadd.s32 $0x13DE00, s0  }
0x8: {  	s6 =	sand.u32 $0x1, s4;
	s24 =	sshll.u32 s2, $0x4;
	s5 =	sshll.u32 s2, $0xD  }
0x9: {  	s4 =	sshll.u32 s2, $0x1;
	_ =	strace $0x8000004A;
	s7 =	ssub.s32 $0x2, s6  }
0xa: {  	s8 =	sadd.s32 s24, s0;
	s9 =	sadd.s32 s5, s0;
	s10 =	sshll.u32 s6, $0xC  }
.Ltmp0:
0xb: {  	s5 =	sadd.s32 $0x13DF00, s0;
	s30 =	sshll.u32 s6, $0x3;
	(pc) =	sbr.rel .LBB2_1-.Ltmp0, $4  }
0xc: {  	s24 =	simm.s32 $0x7080;
	s25 =	sshrl.u32 s7, $0x1;
	s26 =	sadd.s32 s10, s9  }
0xd: {  	v2 =	vlaneseq.u32;
	s31 =	sadd.s32 s30, s8;
	s9 =	simm.s32 $0x3;
	s10 =	simm.s32 $0x80  }
0xe: {  	vm0 =	vmmov $0xffff;
	v1 =	vshrl.u32 v2, $0x3;
	s7 =	ssub.s32 s7, s25;
	s8 =	sadd.s32 $0x280E00, s31;
	s25 =	simm.s32 $0x7880  }
0xf: {  	v0 =	vand.u32 $0x7, v2;
	v2 =	vor.u32 $0x8, v2;
	v1 =	vmul.u32 $0x8, v1;
	s6 =	smax.u32 s7, $0x1;
	s7 =	sadd.s32 $0x505A00, s26;
	s26 =	simm.s32 $0x1  }
.LBB2_5:
0x10: {  	s29 =	sadd.s32 $0x1, s29  }
0x11: {  	p0 =	sne.s32 s29, s6  }
.Ltmp1:
0x12: {  	_ = 	snop;
	(pc) =	sbr.rel @!p0 .LBB2_6-.Ltmp1, $1  }
0x13: {  	_ =	sdelay $0x3  }
.LBB2_1:
.Ltmp2:
0x14: {  	(pc) =	sbr.rel .LBB2_2-.Ltmp2, $2  }
0x15: {  	_ =	sdelay $0x2  }
0x16: {  	s30 =	smov.u32 s8;
	s31 =	smov.u32 s7;
	s0 =	simm.s32 $0x0  }
.LBB2_4:
0x17: {  	s0 =	sadd.s32 $0x20, s0  }
0x18: {  	p0 =	sne.s32 s0, $0x9E0  }
.Ltmp3:
0x19: {  	_ = 	snop;
	(pc) =	sbr.rel @!p0 .LBB2_5-.Ltmp3, $2  }
0x1a: {  	_ =	sdelay $0x2  }
0x1b: {  	s31 =	sadd.s32 $0x20000, s31;
	s30 =	sadd.s32 $0x100, s30  }
.LBB2_2:
0x1c: {  	s2 =	sadd.s32 s0, s4  }
0x1d: {  	p0 =	sgt.u32 s2, $0x9C3  }
.Ltmp4:
0x1e: {  	_ = 	snop;
	(pc) =	sbr.rel @p0 .LBB2_4-.Ltmp4, $1  }
0x1f: {  	_ =	sdelay $0x3  }
0x20: {  	[tilespmem:s1], [sflag:$0x3] =	stream.linear.gather [hbm4b:s30+s1], $0x40, $0x38;
	[tilespmem:$0x8080] =	vst v63  }
0x21: {  	_ =	swait.ge [sflag:s9], $0x40  }
0x22: {  	[sflag:s9] =	ssyncset.done $0x0  }
0x23: {  	[sflag:s9] =	ssyncadd.s32 $0xFFFFFFC0  }
0x24: {  	v3 =	vld [tilespmem:$0x0];
	_ =	sdelay $0x4  }
0x25: {  	v4 =	vshll.u32 v3, $0x2  }
0x26: {  	v3 =	vand.u32 $0x7, v3;
	v4 =	vand.u32 $0xFFFFFFE0, v4  }
0x27: {  	v3 =	vor.u32 v3, v4  }
0x28: {  	v4 =	vperm.xlane v3, v0;
	_ =	sdelay $0x1  }
0x29: {  	v4 =	vadd.s32 v1, v4;
	_ =	sdelay $0x1  }
0x2a: {  	v3 =	vperm.xlane v3, v2;
	_ =	sdelay $0x1  }
0x2b: {  	v3 =	vadd.s32 v1, v3  }
0x2c: {  	[tilespmem:s10], [sflag:$0x1] =	stream.indirect_vreg.gather [hbm4b:s3+s1], $0x80, v4, vm0, $0xb8;
	[tilespmem:$0x8080] =	vst v63  }
0x2d: {  	_ = 	snop  }
0x2e: {  	[tilespmem:s11], [sflag:$0x1] =	stream.indirect_vreg.gather [hbm4b:s5+s1], $0x80, v4, vm0, $0xb8;
	[tilespmem:$0x8080] =	vst v63  }
0x2f: {  	_ = 	snop  }
0x30: {  	[tilespmem:s12], [sflag:$0x1] =	stream.indirect_vreg.gather [hbm4b:s3+s1], $0x80, v3, vm0, $0xb8;
	[tilespmem:$0x8080] =	vst v63  }
0x31: {  	_ = 	snop  }
0x32: {  	[tilespmem:s13], [sflag:$0x1] =	stream.indirect_vreg.gather [hbm4b:s5+s1], $0x80, v3, vm0, $0xb8;
	[tilespmem:$0x8080] =	vst v63  }
0x33: {  	v3 =	vld [tilespmem:$0x10];
	_ =	sdelay $0x4  }
0x34: {  	v61 =	vshll.u32 v3, $0x2  }
0x35: {  	v3 =	vand.u32 $0x7, v3;
	v4 =	vand.u32 $0xFFFFFFE0, v61  }
0x36: {  	v3 =	vor.u32 v3, v4  }
0x37: {  	v4 =	vperm.xlane v3, v0;
	_ =	sdelay $0x1  }
0x38: {  	v4 =	vadd.s32 v1, v4;
	_ =	sdelay $0x1  }
0x39: {  	v3 =	vperm.xlane v3, v2;
	_ =	sdelay $0x1  }
0x3a: {  	v3 =	vadd.s32 v1, v3  }
0x3b: {  	[tilespmem:s14], [sflag:$0x1] =	stream.indirect_vreg.gather [hbm4b:s3+s1], $0x80, v4, vm0, $0xb8;
	[tilespmem:$0x8080] =	vst v63  }
0x3c: {  	_ = 	snop  }
0x3d: {  	[tilespmem:s15], [sflag:$0x1] =	stream.indirect_vreg.gather [hbm4b:s5+s1], $0x80, v4, vm0, $0xb8;
	[tilespmem:$0x8080] =	vst v63  }
0x3e: {  	_ = 	snop  }
0x3f: {  	[tilespmem:s16], [sflag:$0x1] =	stream.indirect_vreg.gather [hbm4b:s3+s1], $0x80, v3, vm0, $0xb8;
	[tilespmem:$0x8080] =	vst v63  }
0x40: {  	_ = 	snop  }
0x41: {  	[tilespmem:s17], [sflag:$0x1] =	stream.indirect_vreg.gather [hbm4b:s5+s1], $0x80, v3, vm0, $0xb8;
	[tilespmem:$0x8080] =	vst v63  }
0x42: {  	v3 =	vld [tilespmem:$0x20];
	_ =	sdelay $0x4  }
0x43: {  	v62 =	vshll.u32 v3, $0x2  }
0x44: {  	v3 =	vand.u32 $0x7, v3;
	v4 =	vand.u32 $0xFFFFFFE0, v62  }
0x45: {  	v3 =	vor.u32 v3, v4  }
0x46: {  	v4 =	vperm.xlane v3, v0;
	_ =	sdelay $0x1  }
0x47: {  	v4 =	vadd.s32 v1, v4;
	_ =	sdelay $0x1  }
0x48: {  	v3 =	vperm.xlane v3, v2;
	_ =	sdelay $0x1  }
0x49: {  	v3 =	vadd.s32 v1, v3  }
0x4a: {  	[tilespmem:s18], [sflag:$0x1] =	stream.indirect_vreg.gather [hbm4b:s3+s1], $0x80, v4, vm0, $0xb8;
	[tilespmem:$0x8080] =	vst v63  }
0x4b: {  	_ = 	snop  }
0x4c: {  	[tilespmem:s19], [sflag:$0x1] =	stream.indirect_vreg.gather [hbm4b:s5+s1], $0x80, v4, vm0, $0xb8;
	[tilespmem:$0x8080] =	vst v63  }
0x4d: {  	_ = 	snop  }
0x4e: {  	[tilespmem:s20], [sflag:$0x1] =	stream.indirect_vreg.gather [hbm4b:s3+s1], $0x80, v3, vm0, $0xb8;
	[tilespmem:$0x8080] =	vst v63  }
0x4f: {  	_ = 	snop  }
0x50: {  	[tilespmem:s21], [sflag:$0x1] =	stream.indirect_vreg.gather [hbm4b:s5+s1], $0x80, v3, vm0, $0xb8;
	[tilespmem:$0x8080] =	vst v63  }
0x51: {  	v3 =	vld [tilespmem:$0x30];
	_ =	sdelay $0x4  }
0x52: {  	v63 =	vshll.u32 v3, $0x2  }
0x53: {  	v3 =	vand.u32 $0x7, v3;
	v4 =	vand.u32 $0xFFFFFFE0, v63  }
0x54: {  	v3 =	vor.u32 v3, v4  }
0x55: {  	v4 =	vperm.xlane v3, v0;
	_ =	sdelay $0x1  }
0x56: {  	v4 =	vadd.s32 v1, v4;
	_ =	sdelay $0x1  }
0x57: {  	v3 =	vperm.xlane v3, v2;
	_ =	sdelay $0x1  }
0x58: {  	v3 =	vadd.s32 v1, v3  }
0x59: {  	[tilespmem:s22], [sflag:$0x1] =	stream.indirect_vreg.gather [hbm4b:s3+s1], $0x80, v4, vm0, $0xb8;
	[tilespmem:$0x8080] =	vst v63  }
0x5a: {  	_ = 	snop  }
0x5b: {  	[tilespmem:s23], [sflag:$0x1] =	stream.indirect_vreg.gather [hbm4b:s5+s1], $0x80, v4, vm0, $0xb8;
	[tilespmem:$0x8080] =	vst v63  }
0x5c: {  	_ = 	snop  }
0x5d: {  	[tilespmem:s24], [sflag:$0x1] =	stream.indirect_vreg.gather [hbm4b:s3+s1], $0x80, v3, vm0, $0xb8;
	[tilespmem:$0x8080] =	vst v63  }
0x5e: {  	_ = 	snop  }
0x5f: {  	[tilespmem:s25], [sflag:$0x1] =	stream.indirect_vreg.gather [hbm4b:s5+s1], $0x80, v3, vm0, $0xb8;
	[tilespmem:$0x8080] =	vst v63  }
0x60: {  	_ =	swait.ge [sflag:s26], $0x8000  }
0x61: {  	[sflag:s26] =	ssyncset.done $0x0  }
.Ltmp5:
0x62: {  	[sflag:s26] =	ssyncadd.s32 $0xFFFF8000;
	(pc) =	sbr.rel .LBB2_4-.Ltmp5, $4  }
0x63: {  	[hbm4b:s31+s1] =	stream.linear.scatter [tilespmem:s10], [sflag:$0x2], $0x8000, $0x38;
	[tilespmem:$0x8080] =	vst v63  }
0x64: {  	_ =	swait.ge [sflag:s28], $0x8000  }
0x65: {  	[sflag:s28] =	ssyncset.done $0x0  }
0x66: {  	[sflag:s28] =	ssyncadd.s32 $0xFFFF8000  }
.LBB2_6:
0x67: {  	_ =	sfence.sel $0x180000  }
0x68: {  	[bflag:$0x0] =	sbarrier.arrive $0xFFFF  }
0x69: {  	_ =	strace $0x9000004A  }
0x6a: {  	s0 =	stileid.u32;
	[bflag:$0x2] =	sbarrier.arrive $0xFFFF  }
0x6b: {  	p0 =	sne.s32 s0, $0x0;
	s0 =	rddreg [dreg:$0x1]  }
0x6c: {  	s0 =	sadd.s32 @!p0 $0x100000, s0  }
0x6d: {  	[sflag:s0] =	ssyncadd.tile.s32 @!p0 $0x1;
	_ =	shalt  }
.Lfunc_end2:
_tile_overlayer_lowered:
.L_overlay_start_2:
0x6e: {  	(tag) =	ssettag $0x2  }
0x6f: {  	s0 =	rddreg [dreg:$0x0];
	s2 =	stileid.u32  }
0x70: {  	s1 =	rddreg [dreg:$0x1];
	p0 =	sne.s32 s2, $0x0  }
0x71: {  	s3 =	rddreg [dreg:$0x2];
	[bflag:$0x3] =	sbarrier.arrive $0xFFFF;
	s2 =	simm.s32 @!p0 $0x1C02  }
0x72: {  	[timem:s3], [sflag:s2] =	dma.local @!p0 [hbm:s0], s1  }
0x73: {  	s0 =	simm.s32 @!p0 $0x2  }
0x74: {  	_ =	swait.ge @!p0 [sflag:s0], s1  }
0x75: {  	s1 =	ssub.s32 @!p0 $0x0, s1;
	[sflag:s0] =	ssyncset.done @!p0 $0x0  }
0x76: {  	[sflag:s0] =	ssyncadd.s32 @!p0 s1  }
0x77: {  	[bflag:$0x3] =	sbarrier.arrive $0xFFFF  }
0x78: {  	_ =	shalt  }

</sc_bundles>
